<compile_context>
chip_gen: v7x
topology: tpu7x:2x2x1
jax: 0.10.2.dev20260603
libtpu: 0.0.44.dev20260713+nightly
codegen_flags: <defaults>
</compile_context>

<pallas_src>
import functools

import jax
import jax.numpy as jnp
from jax import lax
from jax.experimental import pallas as pl
from jax.experimental.pallas import tpu as pltpu
from jax.experimental.pallas import tpu_sc as plsc

N = 800000
D = 64
NP = N // 2
T2_ROWS = 3600

NC = 2
NS = 16
NW = NC * NS
C = 128
NB = 4
NCHT = NP // C
ITERS = -(-NCHT // NW)
GP = C // 16
SPLITS = ((0, 128),)

_mesh = plsc.VectorSubcoreMesh(core_axis_name="c", subcore_axis_name="s")


@functools.partial(
    pl.kernel,
    out_type=jax.ShapeDtypeStruct((NP, 2 * D), jnp.float32),
    mesh=_mesh,
    scratch_types=[
        [[pltpu.VMEM((C,), jnp.int32) for _ in range(6)] for _ in range(NB)],
        [pltpu.VMEM((C,), jnp.int32) for _ in range(NB)],
        [pltpu.VMEM((C, 2 * D), jnp.float32) for _ in range(NB)],
        [pltpu.SemaphoreType.DMA for _ in range(NB)],
        [pltpu.SemaphoreType.DMA for _ in range(NB)],
        [pltpu.SemaphoreType.DMA for _ in range(NB)],
    ],
)
def _bond_encode(ea0_hbm, ea1_hbm, ea2_hbm, t2_hbm, out_hbm,
                 attr, keys, rows, sa, sg, so):
    ea_cols = (ea0_hbm, ea1_hbm, ea2_hbm)
    wid = lax.axis_index("s") * NC + lax.axis_index("c")

    def cid_of(i):
        return wid + i * NW

    def start_attr(i, b):
        r0 = cid_of(i) * C
        for k in range(3):
            pltpu.async_copy(ea_cols[k].at[pl.ds(r0, C)],
                             attr[b][k], sa[b])
            pltpu.async_copy(ea_cols[k].at[pl.ds(NP + r0, C)],
                             attr[b][3 + k], sa[b])

    def wait_attr(b):
        for k in range(6):
            pltpu.make_async_copy(ea0_hbm.at[pl.ds(0, C)],
                                  attr[b][k], sa[b]).wait()

    def fuse_keys(b):
        a = attr[b]
        v = keys[b]
        for g in range(GP):
            s = pl.ds(g * 16, 16)
            ie = a[0][s] * 12 + a[1][s] * 2 + a[2][s]
            io = a[3][s] * 12 + a[4][s] * 2 + a[5][s]
            v[s] = ie * 60 + io

    def start_gather(b):
        for off, cnt in SPLITS:
            pltpu.async_copy(
                t2_hbm.at[keys[b].at[pl.ds(off, cnt)]],
                rows[b].at[pl.ds(off, cnt)],
                sg[b],
            )

    def wait_gather(b):
        for off, cnt in SPLITS:
            pltpu.make_async_copy(
                t2_hbm.at[pl.ds(0, cnt)],
                rows[b].at[pl.ds(off, cnt)],
                sg[b],
            ).wait()

    def start_out(i, b):
        pltpu.async_copy(rows[b], out_hbm.at[pl.ds(cid_of(i) * C, C)], so[b])

    def wait_out(b):
        pltpu.make_async_copy(rows[b], out_hbm.at[pl.ds(0, C)], so[b]).wait()

    for b0 in range(NB):
        start_attr(b0, b0)

    def super_body(sv):
        for b in range(NB):
            i = sv * NB + b

            @pl.when((i < ITERS) & (cid_of(i) < NCHT))
            def _():
                wait_attr(b)
                fuse_keys(b)

                @pl.when(i >= NB)
                def _():
                    wait_out(b)

                start_gather(b)

                @pl.when((i + NB < ITERS) & (cid_of(i + NB) < NCHT))
                def _():
                    start_attr(i + NB, b)

            @pl.when((i >= 1) & (cid_of(i - 1) < NCHT))
            def _():
                wait_gather((b - 1) % NB)
                start_out(i - 1, (b - 1) % NB)

    pl.loop(0, (ITERS + NB) // NB)(super_body)

    for j in range(ITERS - NB, ITERS):
        @pl.when(cid_of(j) < NCHT)
        def _():
            wait_out(j % NB)


RP_B = 3200
RP_HALF = NP // RP_B


def _repack_body(x_ref, o_ref):
    h = pl.program_id(0)
    x = x_ref[...]
    half = jnp.where(h < RP_HALF, x[:, :D], x[:, D:])
    eye = (lax.broadcasted_iota(jnp.int32, (D, D), 0)
           == lax.broadcasted_iota(jnp.int32, (D, D), 1)).astype(jnp.float32)
    o_ref[...] = jax.lax.dot_general(
        eye, half, (((1,), (1,)), ((), ())),
        preferred_element_type=jnp.float32,
    )


_repack = pl.pallas_call(
    _repack_body,
    grid=(2 * RP_HALF,),
    in_specs=[pl.BlockSpec((RP_B, 2 * D), lambda h: (h % RP_HALF, 0))],
    out_specs=pl.BlockSpec((D, RP_B), lambda h: (0, h)),
    out_shape=jax.ShapeDtypeStruct((D, N), jnp.float32),
)


def kernel(edge_attr, W0, W1, W2):
    t = (W0[:, None, None, :] + W1[None, :, None, :] + W2[None, None, :, :])
    t = t.reshape(60, D)
    t2 = jnp.concatenate(
        [jnp.broadcast_to(t[:, None, :], (60, 60, D)),
         jnp.broadcast_to(t[None, :, :], (60, 60, D))], axis=-1,
    ).reshape(T2_ROWS, 2 * D)
    out2 = _bond_encode(edge_attr[:, 0], edge_attr[:, 1], edge_attr[:, 2], t2)
    return _repack(out2).T

# --- scband reference (transcript-rebuilt; emitter-appended) ---
"""Pipeline reference for scband-bond-encoder-28106265985706 (READ-ONLY COPY).

The authoritative reference and input builder live on the scoring server;
editing this copy changes nothing except your own understanding.
"""

import jax, jax.numpy as jnp
import numpy as np

BOND_FEATURE_DIMS = [5, 6, 2]
EMB_DIM = 64
NUM_EDGES = 800000

def _xavier_uniform(key, shape):
    bound = float(np.sqrt(6.0 / (shape[0] + shape[1])))
    return jax.random.uniform(key, shape, minval=-bound, maxval=bound, dtype=jnp.float32)

def setup_inputs(seed: int = 0) -> dict:
    key = jax.random.key(seed)
    ks = jax.random.split(key, 4)
    # fill_max=2 keeps indices valid for all three tables (dims 5, 6, 2)
    edge_attr = jax.random.randint(ks[0], (NUM_EDGES, 3), 0, 2, dtype=jnp.int32)
    W0 = _xavier_uniform(ks[1], (BOND_FEATURE_DIMS[0], EMB_DIM))
    W1 = _xavier_uniform(ks[2], (BOND_FEATURE_DIMS[1], EMB_DIM))
    W2 = _xavier_uniform(ks[3], (BOND_FEATURE_DIMS[2], EMB_DIM))
    return {"edge_attr": edge_attr, "W0": W0, "W1": W1, "W2": W2}

def reference(edge_attr, W0, W1, W2):
    # Faithful translation of BondEncoder.forward: sum of per-feature embedding lookups
    tables = (W0, W1, W2)
    bond_embedding = jnp.zeros((edge_attr.shape[0], EMB_DIM), dtype=jnp.float32)
    for i in range(edge_attr.shape[1]):
        bond_embedding = bond_embedding + jnp.take(tables[i], edge_attr[:, i], axis=0)
    return bond_embedding

if __name__ == "__main__":
    import jax
    _d = setup_inputs()
    print(jax.jit(kernel)(*tuple(_d.values())))

</pallas_src>

<mosaic_0001>
#map = affine_map<(d0, d1) -> (0)>
#map1 = affine_map<(d0, d1) -> (0, 0)>
module attributes {stable_mosaic.version = 14 : i64} {
  func.func @_bond_encode(%arg0: i32, %arg1: i32, %arg2: memref<800000xi32, #tpu.memory_space<hbm>>, %arg3: memref<800000xi32, #tpu.memory_space<hbm>>, %arg4: memref<800000xi32, #tpu.memory_space<hbm>>, %arg5: memref<3600x128xf32, #tpu.memory_space<hbm>>, %arg6: memref<400000x128xf32, #tpu.memory_space<hbm>>, %arg7: memref<128xi32, #tpu.memory_space<vmem>>, %arg8: memref<128xi32, #tpu.memory_space<vmem>>, %arg9: memref<128xi32, #tpu.memory_space<vmem>>, %arg10: memref<128xi32, #tpu.memory_space<vmem>>, %arg11: memref<128xi32, #tpu.memory_space<vmem>>, %arg12: memref<128xi32, #tpu.memory_space<vmem>>, %arg13: memref<128xi32, #tpu.memory_space<vmem>>, %arg14: memref<128xi32, #tpu.memory_space<vmem>>, %arg15: memref<128xi32, #tpu.memory_space<vmem>>, %arg16: memref<128xi32, #tpu.memory_space<vmem>>, %arg17: memref<128xi32, #tpu.memory_space<vmem>>, %arg18: memref<128xi32, #tpu.memory_space<vmem>>, %arg19: memref<128xi32, #tpu.memory_space<vmem>>, %arg20: memref<128xi32, #tpu.memory_space<vmem>>, %arg21: memref<128xi32, #tpu.memory_space<vmem>>, %arg22: memref<128xi32, #tpu.memory_space<vmem>>, %arg23: memref<128xi32, #tpu.memory_space<vmem>>, %arg24: memref<128xi32, #tpu.memory_space<vmem>>, %arg25: memref<128xi32, #tpu.memory_space<vmem>>, %arg26: memref<128xi32, #tpu.memory_space<vmem>>, %arg27: memref<128xi32, #tpu.memory_space<vmem>>, %arg28: memref<128xi32, #tpu.memory_space<vmem>>, %arg29: memref<128xi32, #tpu.memory_space<vmem>>, %arg30: memref<128xi32, #tpu.memory_space<vmem>>, %arg31: memref<128xi32, #tpu.memory_space<vmem>>, %arg32: memref<128xi32, #tpu.memory_space<vmem>>, %arg33: memref<128xi32, #tpu.memory_space<vmem>>, %arg34: memref<128xi32, #tpu.memory_space<vmem>>, %arg35: memref<128x128xf32, #tpu.memory_space<vmem>>, %arg36: memref<128x128xf32, #tpu.memory_space<vmem>>, %arg37: memref<128x128xf32, #tpu.memory_space<vmem>>, %arg38: memref<128x128xf32, #tpu.memory_space<vmem>>, %arg39: memref<!tpu.dma_semaphore, #tpu.memory_space<semaphore_mem>>, %arg40: memref<!tpu.dma_semaphore, #tpu.memory_space<semaphore_mem>>, %arg41: memref<!tpu.dma_semaphore, #tpu.memory_space<semaphore_mem>>, %arg42: memref<!tpu.dma_semaphore, #tpu.memory_space<semaphore_mem>>, %arg43: memref<!tpu.dma_semaphore, #tpu.memory_space<semaphore_mem>>, %arg44: memref<!tpu.dma_semaphore, #tpu.memory_space<semaphore_mem>>, %arg45: memref<!tpu.dma_semaphore, #tpu.memory_space<semaphore_mem>>, %arg46: memref<!tpu.dma_semaphore, #tpu.memory_space<semaphore_mem>>, %arg47: memref<!tpu.dma_semaphore, #tpu.memory_space<semaphore_mem>>, %arg48: memref<!tpu.dma_semaphore, #tpu.memory_space<semaphore_mem>>, %arg49: memref<!tpu.dma_semaphore, #tpu.memory_space<semaphore_mem>>, %arg50: memref<!tpu.dma_semaphore, #tpu.memory_space<semaphore_mem>>) attributes {dimension_semantics = [#tpu.dimension_semantics<core_parallel>, #tpu.dimension_semantics<subcore_parallel>], iteration_bounds = array<i64: 2, 16>, scalar_prefetch = 0 : i64, scratch_operands = 44 : i64, tpu.core_type = #tpu.core_type<sc_vector_subcore>, window_params = [{transform_indices = #map}, {transform_indices = #map}, {transform_indices = #map}, {transform_indices = #map1}, {transform_indices = #map1}]} {
    %mul3A = arith.constant 2 : i32
    %mul3A_0 = arith.muli %arg1, %mul3A : i32
    %add3A = arith.addi %mul3A_0, %arg0 : i32
    %add3A_1 = arith.constant 0 : i32
    %add3A_2 = arith.addi %add3A, %add3A_1 : i32
    %mul3A_3 = arith.constant 128 : i32
    %mul3A_4 = arith.muli %add3A_2, %mul3A_3 : i32
    %dma_start3A = tpu.memref_slice %arg2[%mul3A_4] : memref<800000xi32, #tpu.memory_space<hbm>> -> memref<128xi32, #tpu.memory_space<hbm>>
    %dma_start3A_5 = tpu.memref_slice %arg2[%mul3A_4] : memref<800000xi32, #tpu.memory_space<hbm>> -> memref<128xi32, #tpu.memory_space<hbm>>
    tpu.enqueue_dma source(%dma_start3A_5 : memref<128xi32, #tpu.memory_space<hbm>>) target(%arg7 : memref<128xi32, #tpu.memory_space<vmem>>) target_semaphore(%arg39 : memref<!tpu.dma_semaphore, #tpu.memory_space<semaphore_mem>>)
    %add3A_6 = arith.constant 400000 : i32
    %add3A_7 = arith.addi %add3A_6, %mul3A_4 : i32
    %dma_start3A_8 = tpu.memref_slice %arg2[%add3A_7] : memref<800000xi32, #tpu.memory_space<hbm>> -> memref<128xi32, #tpu.memory_space<hbm>>
    %dma_start3A_9 = tpu.memref_slice %arg2[%add3A_7] : memref<800000xi32, #tpu.memory_space<hbm>> -> memref<128xi32, #tpu.memory_space<hbm>>
    tpu.enqueue_dma source(%dma_start3A_9 : memref<128xi32, #tpu.memory_space<hbm>>) target(%arg10 : memref<128xi32, #tpu.memory_space<vmem>>) target_semaphore(%arg39 : memref<!tpu.dma_semaphore, #tpu.memory_space<semaphore_mem>>)
    %dma_start3A_10 = tpu.memref_slice %arg3[%mul3A_4] : memref<800000xi32, #tpu.memory_space<hbm>> -> memref<128xi32, #tpu.memory_space<hbm>>
    %dma_start3A_11 = tpu.memref_slice %arg3[%mul3A_4] : memref<800000xi32, #tpu.memory_space<hbm>> -> memref<128xi32, #tpu.memory_space<hbm>>
    tpu.enqueue_dma source(%dma_start3A_11 : memref<128xi32, #tpu.memory_space<hbm>>) target(%arg8 : memref<128xi32, #tpu.memory_space<vmem>>) target_semaphore(%arg39 : memref<!tpu.dma_semaphore, #tpu.memory_space<semaphore_mem>>)
    %add3A_12 = arith.constant 400000 : i32
    %add3A_13 = arith.addi %add3A_12, %mul3A_4 : i32
    %dma_start3A_14 = tpu.memref_slice %arg3[%add3A_13] : memref<800000xi32, #tpu.memory_space<hbm>> -> memref<128xi32, #tpu.memory_space<hbm>>
    %dma_start3A_15 = tpu.memref_slice %arg3[%add3A_13] : memref<800000xi32, #tpu.memory_space<hbm>> -> memref<128xi32, #tpu.memory_space<hbm>>
    tpu.enqueue_dma source(%dma_start3A_15 : memref<128xi32, #tpu.memory_space<hbm>>) target(%arg11 : memref<128xi32, #tpu.memory_space<vmem>>) target_semaphore(%arg39 : memref<!tpu.dma_semaphore, #tpu.memory_space<semaphore_mem>>)
    %dma_start3A_16 = tpu.memref_slice %arg4[%mul3A_4] : memref<800000xi32, #tpu.memory_space<hbm>> -> memref<128xi32, #tpu.memory_space<hbm>>
    %dma_start3A_17 = tpu.memref_slice %arg4[%mul3A_4] : memref<800000xi32, #tpu.memory_space<hbm>> -> memref<128xi32, #tpu.memory_space<hbm>>
    tpu.enqueue_dma source(%dma_start3A_17 : memref<128xi32, #tpu.memory_space<hbm>>) target(%arg9 : memref<128xi32, #tpu.memory_space<vmem>>) target_semaphore(%arg39 : memref<!tpu.dma_semaphore, #tpu.memory_space<semaphore_mem>>)
    %add3A_18 = arith.constant 400000 : i32
    %add3A_19 = arith.addi %add3A_18, %mul3A_4 : i32
    %dma_start3A_20 = tpu.memref_slice %arg4[%add3A_19] : memref<800000xi32, #tpu.memory_space<hbm>> -> memref<128xi32, #tpu.memory_space<hbm>>
    %dma_start3A_21 = tpu.memref_slice %arg4[%add3A_19] : memref<800000xi32, #tpu.memory_space<hbm>> -> memref<128xi32, #tpu.memory_space<hbm>>
    tpu.enqueue_dma source(%dma_start3A_21 : memref<128xi32, #tpu.memory_space<hbm>>) target(%arg12 : memref<128xi32, #tpu.memory_space<vmem>>) target_semaphore(%arg39 : memref<!tpu.dma_semaphore, #tpu.memory_space<semaphore_mem>>)
    %add3A_22 = arith.constant 32 : i32
    %add3A_23 = arith.addi %add3A, %add3A_22 : i32
    %mul3A_24 = arith.constant 128 : i32
    %mul3A_25 = arith.muli %add3A_23, %mul3A_24 : i32
    %dma_start3A_26 = tpu.memref_slice %arg2[%mul3A_25] : memref<800000xi32, #tpu.memory_space<hbm>> -> memref<128xi32, #tpu.memory_space<hbm>>
    %dma_start3A_27 = tpu.memref_slice %arg2[%mul3A_25] : memref<800000xi32, #tpu.memory_space<hbm>> -> memref<128xi32, #tpu.memory_space<hbm>>
    tpu.enqueue_dma source(%dma_start3A_27 : memref<128xi32, #tpu.memory_space<hbm>>) target(%arg13 : memref<128xi32, #tpu.memory_space<vmem>>) target_semaphore(%arg40 : memref<!tpu.dma_semaphore, #tpu.memory_space<semaphore_mem>>)
    %add3A_28 = arith.constant 400000 : i32
    %add3A_29 = arith.addi %add3A_28, %mul3A_25 : i32
    %dma_start3A_30 = tpu.memref_slice %arg2[%add3A_29] : memref<800000xi32, #tpu.memory_space<hbm>> -> memref<128xi32, #tpu.memory_space<hbm>>
    %dma_start3A_31 = tpu.memref_slice %arg2[%add3A_29] : memref<800000xi32, #tpu.memory_space<hbm>> -> memref<128xi32, #tpu.memory_space<hbm>>
    tpu.enqueue_dma source(%dma_start3A_31 : memref<128xi32, #tpu.memory_space<hbm>>) target(%arg16 : memref<128xi32, #tpu.memory_space<vmem>>) target_semaphore(%arg40 : memref<!tpu.dma_semaphore, #tpu.memory_space<semaphore_mem>>)
    %dma_start3A_32 = tpu.memref_slice %arg3[%mul3A_25] : memref<800000xi32, #tpu.memory_space<hbm>> -> memref<128xi32, #tpu.memory_space<hbm>>
    %dma_start3A_33 = tpu.memref_slice %arg3[%mul3A_25] : memref<800000xi32, #tpu.memory_space<hbm>> -> memref<128xi32, #tpu.memory_space<hbm>>
    tpu.enqueue_dma source(%dma_start3A_33 : memref<128xi32, #tpu.memory_space<hbm>>) target(%arg14 : memref<128xi32, #tpu.memory_space<vmem>>) target_semaphore(%arg40 : memref<!tpu.dma_semaphore, #tpu.memory_space<semaphore_mem>>)
    %add3A_34 = arith.constant 400000 : i32
    %add3A_35 = arith.addi %add3A_34, %mul3A_25 : i32
    %dma_start3A_36 = tpu.memref_slice %arg3[%add3A_35] : memref<800000xi32, #tpu.memory_space<hbm>> -> memref<128xi32, #tpu.memory_space<hbm>>
    %dma_start3A_37 = tpu.memref_slice %arg3[%add3A_35] : memref<800000xi32, #tpu.memory_space<hbm>> -> memref<128xi32, #tpu.memory_space<hbm>>
    tpu.enqueue_dma source(%dma_start3A_37 : memref<128xi32, #tpu.memory_space<hbm>>) target(%arg17 : memref<128xi32, #tpu.memory_space<vmem>>) target_semaphore(%arg40 : memref<!tpu.dma_semaphore, #tpu.memory_space<semaphore_mem>>)
    %dma_start3A_38 = tpu.memref_slice %arg4[%mul3A_25] : memref<800000xi32, #tpu.memory_space<hbm>> -> memref<128xi32, #tpu.memory_space<hbm>>
    %dma_start3A_39 = tpu.memref_slice %arg4[%mul3A_25] : memref<800000xi32, #tpu.memory_space<hbm>> -> memref<128xi32, #tpu.memory_space<hbm>>
    tpu.enqueue_dma source(%dma_start3A_39 : memref<128xi32, #tpu.memory_space<hbm>>) target(%arg15 : memref<128xi32, #tpu.memory_space<vmem>>) target_semaphore(%arg40 : memref<!tpu.dma_semaphore, #tpu.memory_space<semaphore_mem>>)
    %add3A_40 = arith.constant 400000 : i32
    %add3A_41 = arith.addi %add3A_40, %mul3A_25 : i32
    %dma_start3A_42 = tpu.memref_slice %arg4[%add3A_41] : memref<800000xi32, #tpu.memory_space<hbm>> -> memref<128xi32, #tpu.memory_space<hbm>>
    %dma_start3A_43 = tpu.memref_slice %arg4[%add3A_41] : memref<800000xi32, #tpu.memory_space<hbm>> -> memref<128xi32, #tpu.memory_space<hbm>>
    tpu.enqueue_dma source(%dma_start3A_43 : memref<128xi32, #tpu.memory_space<hbm>>) target(%arg18 : memref<128xi32, #tpu.memory_space<vmem>>) target_semaphore(%arg40 : memref<!tpu.dma_semaphore, #tpu.memory_space<semaphore_mem>>)
    %add3A_44 = arith.constant 64 : i32
    %add3A_45 = arith.addi %add3A, %add3A_44 : i32
    %mul3A_46 = arith.constant 128 : i32
    %mul3A_47 = arith.muli %add3A_45, %mul3A_46 : i32
    %dma_start3A_48 = tpu.memref_slice %arg2[%mul3A_47] : memref<800000xi32, #tpu.memory_space<hbm>> -> memref<128xi32, #tpu.memory_space<hbm>>
    %dma_start3A_49 = tpu.memref_slice %arg2[%mul3A_47] : memref<800000xi32, #tpu.memory_space<hbm>> -> memref<128xi32, #tpu.memory_space<hbm>>
    tpu.enqueue_dma source(%dma_start3A_49 : memref<128xi32, #tpu.memory_space<hbm>>) target(%arg19 : memref<128xi32, #tpu.memory_space<vmem>>) target_semaphore(%arg41 : memref<!tpu.dma_semaphore, #tpu.memory_space<semaphore_mem>>)
    %add3A_50 = arith.constant 400000 : i32
    %add3A_51 = arith.addi %add3A_50, %mul3A_47 : i32
    %dma_start3A_52 = tpu.memref_slice %arg2[%add3A_51] : memref<800000xi32, #tpu.memory_space<hbm>> -> memref<128xi32, #tpu.memory_space<hbm>>
    %dma_start3A_53 = tpu.memref_slice %arg2[%add3A_51] : memref<800000xi32, #tpu.memory_space<hbm>> -> memref<128xi32, #tpu.memory_space<hbm>>
    tpu.enqueue_dma source(%dma_start3A_53 : memref<128xi32, #tpu.memory_space<hbm>>) target(%arg22 : memref<128xi32, #tpu.memory_space<vmem>>) target_semaphore(%arg41 : memref<!tpu.dma_semaphore, #tpu.memory_space<semaphore_mem>>)
    %dma_start3A_54 = tpu.memref_slice %arg3[%mul3A_47] : memref<800000xi32, #tpu.memory_space<hbm>> -> memref<128xi32, #tpu.memory_space<hbm>>
    %dma_start3A_55 = tpu.memref_slice %arg3[%mul3A_47] : memref<800000xi32, #tpu.memory_space<hbm>> -> memref<128xi32, #tpu.memory_space<hbm>>
    tpu.enqueue_dma source(%dma_start3A_55 : memref<128xi32, #tpu.memory_space<hbm>>) target(%arg20 : memref<128xi32, #tpu.memory_space<vmem>>) target_semaphore(%arg41 : memref<!tpu.dma_semaphore, #tpu.memory_space<semaphore_mem>>)
    %add3A_56 = arith.constant 400000 : i32
    %add3A_57 = arith.addi %add3A_56, %mul3A_47 : i32
    %dma_start3A_58 = tpu.memref_slice %arg3[%add3A_57] : memref<800000xi32, #tpu.memory_space<hbm>> -> memref<128xi32, #tpu.memory_space<hbm>>
    %dma_start3A_59 = tpu.memref_slice %arg3[%add3A_57] : memref<800000xi32, #tpu.memory_space<hbm>> -> memref<128xi32, #tpu.memory_space<hbm>>
    tpu.enqueue_dma source(%dma_start3A_59 : memref<128xi32, #tpu.memory_space<hbm>>) target(%arg23 : memref<128xi32, #tpu.memory_space<vmem>>) target_semaphore(%arg41 : memref<!tpu.dma_semaphore, #tpu.memory_space<semaphore_mem>>)
    %dma_start3A_60 = tpu.memref_slice %arg4[%mul3A_47] : memref<800000xi32, #tpu.memory_space<hbm>> -> memref<128xi32, #tpu.memory_space<hbm>>
    %dma_start3A_61 = tpu.memref_slice %arg4[%mul3A_47] : memref<800000xi32, #tpu.memory_space<hbm>> -> memref<128xi32, #tpu.memory_space<hbm>>
    tpu.enqueue_dma source(%dma_start3A_61 : memref<128xi32, #tpu.memory_space<hbm>>) target(%arg21 : memref<128xi32, #tpu.memory_space<vmem>>) target_semaphore(%arg41 : memref<!tpu.dma_semaphore, #tpu.memory_space<semaphore_mem>>)
    %add3A_62 = arith.constant 400000 : i32
    %add3A_63 = arith.addi %add3A_62, %mul3A_47 : i32
    %dma_start3A_64 = tpu.memref_slice %arg4[%add3A_63] : memref<800000xi32, #tpu.memory_space<hbm>> -> memref<128xi32, #tpu.memory_space<hbm>>
    %dma_start3A_65 = tpu.memref_slice %arg4[%add3A_63] : memref<800000xi32, #tpu.memory_space<hbm>> -> memref<128xi32, #tpu.memory_space<hbm>>
    tpu.enqueue_dma source(%dma_start3A_65 : memref<128xi32, #tpu.memory_space<hbm>>) target(%arg24 : memref<128xi32, #tpu.memory_space<vmem>>) target_semaphore(%arg41 : memref<!tpu.dma_semaphore, #tpu.memory_space<semaphore_mem>>)
    %add3A_66 = arith.constant 96 : i32
    %add3A_67 = arith.addi %add3A, %add3A_66 : i32
    %mul3A_68 = arith.constant 128 : i32
    %mul3A_69 = arith.muli %add3A_67, %mul3A_68 : i32
    %dma_start3A_70 = tpu.memref_slice %arg2[%mul3A_69] : memref<800000xi32, #tpu.memory_space<hbm>> -> memref<128xi32, #tpu.memory_space<hbm>>
    %dma_start3A_71 = tpu.memref_slice %arg2[%mul3A_69] : memref<800000xi32, #tpu.memory_space<hbm>> -> memref<128xi32, #tpu.memory_space<hbm>>
    tpu.enqueue_dma source(%dma_start3A_71 : memref<128xi32, #tpu.memory_space<hbm>>) target(%arg25 : memref<128xi32, #tpu.memory_space<vmem>>) target_semaphore(%arg42 : memref<!tpu.dma_semaphore, #tpu.memory_space<semaphore_mem>>)
    %add3A_72 = arith.constant 400000 : i32
    %add3A_73 = arith.addi %add3A_72, %mul3A_69 : i32
    %dma_start3A_74 = tpu.memref_slice %arg2[%add3A_73] : memref<800000xi32, #tpu.memory_space<hbm>> -> memref<128xi32, #tpu.memory_space<hbm>>
    %dma_start3A_75 = tpu.memref_slice %arg2[%add3A_73] : memref<800000xi32, #tpu.memory_space<hbm>> -> memref<128xi32, #tpu.memory_space<hbm>>
    tpu.enqueue_dma source(%dma_start3A_75 : memref<128xi32, #tpu.memory_space<hbm>>) target(%arg28 : memref<128xi32, #tpu.memory_space<vmem>>) target_semaphore(%arg42 : memref<!tpu.dma_semaphore, #tpu.memory_space<semaphore_mem>>)
    %dma_start3A_76 = tpu.memref_slice %arg3[%mul3A_69] : memref<800000xi32, #tpu.memory_space<hbm>> -> memref<128xi32, #tpu.memory_space<hbm>>
    %dma_start3A_77 = tpu.memref_slice %arg3[%mul3A_69] : memref<800000xi32, #tpu.memory_space<hbm>> -> memref<128xi32, #tpu.memory_space<hbm>>
    tpu.enqueue_dma source(%dma_start3A_77 : memref<128xi32, #tpu.memory_space<hbm>>) target(%arg26 : memref<128xi32, #tpu.memory_space<vmem>>) target_semaphore(%arg42 : memref<!tpu.dma_semaphore, #tpu.memory_space<semaphore_mem>>)
    %add3A_78 = arith.constant 400000 : i32
    %add3A_79 = arith.addi %add3A_78, %mul3A_69 : i32
    %dma_start3A_80 = tpu.memref_slice %arg3[%add3A_79] : memref<800000xi32, #tpu.memory_space<hbm>> -> memref<128xi32, #tpu.memory_space<hbm>>
    %dma_start3A_81 = tpu.memref_slice %arg3[%add3A_79] : memref<800000xi32, #tpu.memory_space<hbm>> -> memref<128xi32, #tpu.memory_space<hbm>>
    tpu.enqueue_dma source(%dma_start3A_81 : memref<128xi32, #tpu.memory_space<hbm>>) target(%arg29 : memref<128xi32, #tpu.memory_space<vmem>>) target_semaphore(%arg42 : memref<!tpu.dma_semaphore, #tpu.memory_space<semaphore_mem>>)
    %dma_start3A_82 = tpu.memref_slice %arg4[%mul3A_69] : memref<800000xi32, #tpu.memory_space<hbm>> -> memref<128xi32, #tpu.memory_space<hbm>>
    %dma_start3A_83 = tpu.memref_slice %arg4[%mul3A_69] : memref<800000xi32, #tpu.memory_space<hbm>> -> memref<128xi32, #tpu.memory_space<hbm>>
    tpu.enqueue_dma source(%dma_start3A_83 : memref<128xi32, #tpu.memory_space<hbm>>) target(%arg27 : memref<128xi32, #tpu.memory_space<vmem>>) target_semaphore(%arg42 : memref<!tpu.dma_semaphore, #tpu.memory_space<semaphore_mem>>)
    %add3A_84 = arith.constant 400000 : i32
    %add3A_85 = arith.addi %add3A_84, %mul3A_69 : i32
    %dma_start3A_86 = tpu.memref_slice %arg4[%add3A_85] : memref<800000xi32, #tpu.memory_space<hbm>> -> memref<128xi32, #tpu.memory_space<hbm>>
    %dma_start3A_87 = tpu.memref_slice %arg4[%add3A_85] : memref<800000xi32, #tpu.memory_space<hbm>> -> memref<128xi32, #tpu.memory_space<hbm>>
    tpu.enqueue_dma source(%dma_start3A_87 : memref<128xi32, #tpu.memory_space<hbm>>) target(%arg30 : memref<128xi32, #tpu.memory_space<vmem>>) target_semaphore(%arg42 : memref<!tpu.dma_semaphore, #tpu.memory_space<semaphore_mem>>)
    %scan3A = arith.constant 0 : i32
    %scan3A_88 = arith.constant 25 : i32
    %scan3A_89 = arith.addi %scan3A, %scan3A_88 : i32
    %scan3A_90 = arith.constant 1 : i32
    scf.for %scan3A_117 = %scan3A to %scan3A_89 step %scan3A_90  : i32 {
      %mul3A_118 = arith.constant 1 : i32
      %mul3A_119 = arith.muli %scan3A_117, %mul3A_118 : i32
      %add3A_120 = arith.constant 0 : i32
      %add3A_121 = arith.addi %add3A_120, %mul3A_119 : i32
      %mul3A_122 = arith.constant 4 : i32
      %mul3A_123 = arith.muli %add3A_121, %mul3A_122 : i32
      %add3A_124 = arith.constant 0 : i32
      %add3A_125 = arith.addi %mul3A_123, %add3A_124 : i32
      %lt3A_126 = arith.constant 98 : i32
      %lt3A_127 = arith.cmpi slt, %add3A_125, %lt3A_126 : i32
      %mul3A_128 = arith.constant 32 : i32
      %mul3A_129 = arith.muli %add3A_125, %mul3A_128 : i32
      %add3A_130 = arith.addi %add3A, %mul3A_129 : i32
      %lt3A_131 = arith.constant 3125 : i32
      %lt3A_132 = arith.cmpi slt, %add3A_130, %lt3A_131 : i32
      %and3A = arith.andi %lt3A_127, %lt3A_132 : i1
      %convert_element_type3A_133 = arith.extui %and3A : i1 to i32
      %cond3A_134 = arith.constant 0 : i32
      %cond3A_135 = arith.cmpi ne, %convert_element_type3A_133, %cond3A_134 : i32
      scf.if %cond3A_135 {
        %dma_wait3A = arith.constant 0 : i32
        %dma_wait3A_231 = tpu.memref_slice %arg2[%dma_wait3A] : memref<800000xi32, #tpu.memory_space<hbm>> -> memref<128xi32, #tpu.memory_space<hbm>>
        %dma_wait3A_232 = arith.constant 0 : i32
        %dma_wait3A_233 = tpu.memref_slice %arg2[%dma_wait3A_232] : memref<800000xi32, #tpu.memory_space<hbm>> -> memref<128xi32, #tpu.memory_space<hbm>>
        tpu.wait_dma2 semaphore(%arg39 : memref<!tpu.dma_semaphore, #tpu.memory_space<semaphore_mem>>) src(%dma_wait3A_233 : memref<128xi32, #tpu.memory_space<hbm>>) dst(%arg7 : memref<128xi32, #tpu.memory_space<vmem>>)
        %dma_wait3A_234 = arith.constant 0 : i32
        %dma_wait3A_235 = tpu.memref_slice %arg2[%dma_wait3A_234] : memref<800000xi32, #tpu.memory_space<hbm>> -> memref<128xi32, #tpu.memory_space<hbm>>
        %dma_wait3A_236 = arith.constant 0 : i32
        %dma_wait3A_237 = tpu.memref_slice %arg2[%dma_wait3A_236] : memref<800000xi32, #tpu.memory_space<hbm>> -> memref<128xi32, #tpu.memory_space<hbm>>
        tpu.wait_dma2 semaphore(%arg39 : memref<!tpu.dma_semaphore, #tpu.memory_space<semaphore_mem>>) src(%dma_wait3A_237 : memref<128xi32, #tpu.memory_space<hbm>>) dst(%arg8 : memref<128xi32, #tpu.memory_space<vmem>>)
        %dma_wait3A_238 = arith.constant 0 : i32
        %dma_wait3A_239 = tpu.memref_slice %arg2[%dma_wait3A_238] : memref<800000xi32, #tpu.memory_space<hbm>> -> memref<128xi32, #tpu.memory_space<hbm>>
        %dma_wait3A_240 = arith.constant 0 : i32
        %dma_wait3A_241 = tpu.memref_slice %arg2[%dma_wait3A_240] : memref<800000xi32, #tpu.memory_space<hbm>> -> memref<128xi32, #tpu.memory_space<hbm>>
        tpu.wait_dma2 semaphore(%arg39 : memref<!tpu.dma_semaphore, #tpu.memory_space<semaphore_mem>>) src(%dma_wait3A_241 : memref<128xi32, #tpu.memory_space<hbm>>) dst(%arg9 : memref<128xi32, #tpu.memory_space<vmem>>)
        %dma_wait3A_242 = arith.constant 0 : i32
        %dma_wait3A_243 = tpu.memref_slice %arg2[%dma_wait3A_242] : memref<800000xi32, #tpu.memory_space<hbm>> -> memref<128xi32, #tpu.memory_space<hbm>>
        %dma_wait3A_244 = arith.constant 0 : i32
        %dma_wait3A_245 = tpu.memref_slice %arg2[%dma_wait3A_244] : memref<800000xi32, #tpu.memory_space<hbm>> -> memref<128xi32, #tpu.memory_space<hbm>>
        tpu.wait_dma2 semaphore(%arg39 : memref<!tpu.dma_semaphore, #tpu.memory_space<semaphore_mem>>) src(%dma_wait3A_245 : memref<128xi32, #tpu.memory_space<hbm>>) dst(%arg10 : memref<128xi32, #tpu.memory_space<vmem>>)
        %dma_wait3A_246 = arith.constant 0 : i32
        %dma_wait3A_247 = tpu.memref_slice %arg2[%dma_wait3A_246] : memref<800000xi32, #tpu.memory_space<hbm>> -> memref<128xi32, #tpu.memory_space<hbm>>
        %dma_wait3A_248 = arith.constant 0 : i32
        %dma_wait3A_249 = tpu.memref_slice %arg2[%dma_wait3A_248] : memref<800000xi32, #tpu.memory_space<hbm>> -> memref<128xi32, #tpu.memory_space<hbm>>
        tpu.wait_dma2 semaphore(%arg39 : memref<!tpu.dma_semaphore, #tpu.memory_space<semaphore_mem>>) src(%dma_wait3A_249 : memref<128xi32, #tpu.memory_space<hbm>>) dst(%arg11 : memref<128xi32, #tpu.memory_space<vmem>>)
        %dma_wait3A_250 = arith.constant 0 : i32
        %dma_wait3A_251 = tpu.memref_slice %arg2[%dma_wait3A_250] : memref<800000xi32, #tpu.memory_space<hbm>> -> memref<128xi32, #tpu.memory_space<hbm>>
        %dma_wait3A_252 = arith.constant 0 : i32
        %dma_wait3A_253 = tpu.memref_slice %arg2[%dma_wait3A_252] : memref<800000xi32, #tpu.memory_space<hbm>> -> memref<128xi32, #tpu.memory_space<hbm>>
        tpu.wait_dma2 semaphore(%arg39 : memref<!tpu.dma_semaphore, #tpu.memory_space<semaphore_mem>>) src(%dma_wait3A_253 : memref<128xi32, #tpu.memory_space<hbm>>) dst(%arg12 : memref<128xi32, #tpu.memory_space<vmem>>)
        %get3A = arith.constant 0 : index
        %get3A_254 = tpu.vector_load %arg7[%get3A] {strides = array<i32>} : memref<128xi32, #tpu.memory_space<vmem>>, vector<16xi32>,
        %get3A_255 = vector.shape_cast %get3A_254 : vector<16xi32> to vector<16xi32>
        %mul3A_256 = arith.constant 12 : i32
        %mul3A_257 = vector.broadcast %mul3A_256 : i32 to vector<16xi32>
        %mul3A_258 = arith.muli %get3A_255, %mul3A_257 : vector<16xi32>
        %get3A_259 = arith.constant 0 : index
        %get3A_260 = tpu.vector_load %arg8[%get3A_259] {strides = array<i32>} : memref<128xi32, #tpu.memory_space<vmem>>, vector<16xi32>,
        %get3A_261 = vector.shape_cast %get3A_260 : vector<16xi32> to vector<16xi32>
        %mul3A_262 = arith.constant 2 : i32
        %mul3A_263 = vector.broadcast %mul3A_262 : i32 to vector<16xi32>
        %mul3A_264 = arith.muli %get3A_261, %mul3A_263 : vector<16xi32>
        %add3A_265 = arith.addi %mul3A_258, %mul3A_264 : vector<16xi32>
        %get3A_266 = arith.constant 0 : index
        %get3A_267 = tpu.vector_load %arg9[%get3A_266] {strides = array<i32>} : memref<128xi32, #tpu.memory_space<vmem>>, vector<16xi32>,
        %get3A_268 = vector.shape_cast %get3A_267 : vector<16xi32> to vector<16xi32>
        %add3A_269 = arith.addi %add3A_265, %get3A_268 : vector<16xi32>
        %get3A_270 = arith.constant 0 : index
        %get3A_271 = tpu.vector_load %arg10[%get3A_270] {strides = array<i32>} : memref<128xi32, #tpu.memory_space<vmem>>, vector<16xi32>,
        %get3A_272 = vector.shape_cast %get3A_271 : vector<16xi32> to vector<16xi32>
        %mul3A_273 = arith.constant 12 : i32
        %mul3A_274 = vector.broadcast %mul3A_273 : i32 to vector<16xi32>
        %mul3A_275 = arith.muli %get3A_272, %mul3A_274 : vector<16xi32>
        %get3A_276 = arith.constant 0 : index
        %get3A_277 = tpu.vector_load %arg11[%get3A_276] {strides = array<i32>} : memref<128xi32, #tpu.memory_space<vmem>>, vector<16xi32>,
        %get3A_278 = vector.shape_cast %get3A_277 : vector<16xi32> to vector<16xi32>
        %mul3A_279 = arith.constant 2 : i32
        %mul3A_280 = vector.broadcast %mul3A_279 : i32 to vector<16xi32>
        %mul3A_281 = arith.muli %get3A_278, %mul3A_280 : vector<16xi32>
        %add3A_282 = arith.addi %mul3A_275, %mul3A_281 : vector<16xi32>
        %get3A_283 = arith.constant 0 : index
        %get3A_284 = tpu.vector_load %arg12[%get3A_283] {strides = array<i32>} : memref<128xi32, #tpu.memory_space<vmem>>, vector<16xi32>,
        %get3A_285 = vector.shape_cast %get3A_284 : vector<16xi32> to vector<16xi32>
        %add3A_286 = arith.addi %add3A_282, %get3A_285 : vector<16xi32>
        %mul3A_287 = arith.constant 60 : i32
        %mul3A_288 = vector.broadcast %mul3A_287 : i32 to vector<16xi32>
        %mul3A_289 = arith.muli %add3A_269, %mul3A_288 : vector<16xi32>
        %add3A_290 = arith.addi %mul3A_289, %add3A_286 : vector<16xi32>
        %swap3A = arith.constant 0 : index
        %swap3A_291 = tpu.vector_load %arg31[%swap3A] {strides = array<i32>} : memref<128xi32, #tpu.memory_space<vmem>>, vector<16xi32>,
        %swap3A_292 = vector.shape_cast %swap3A_291 : vector<16xi32> to vector<16xi32>
        %swap3A_293 = vector.shape_cast %add3A_290 : vector<16xi32> to vector<16xi32>
        tpu.vector_store %arg31[%swap3A], %swap3A_293 {strides = array<i32>} : memref<128xi32, #tpu.memory_space<vmem>>, vector<16xi32>,
        %get3A_294 = arith.constant 16 : index
        %get3A_295 = tpu.vector_load %arg7[%get3A_294] {strides = array<i32>} : memref<128xi32, #tpu.memory_space<vmem>>, vector<16xi32>,
        %get3A_296 = vector.shape_cast %get3A_295 : vector<16xi32> to vector<16xi32>
        %mul3A_297 = arith.constant 12 : i32
        %mul3A_298 = vector.broadcast %mul3A_297 : i32 to vector<16xi32>
        %mul3A_299 = arith.muli %get3A_296, %mul3A_298 : vector<16xi32>
        %get3A_300 = arith.constant 16 : index
        %get3A_301 = tpu.vector_load %arg8[%get3A_300] {strides = array<i32>} : memref<128xi32, #tpu.memory_space<vmem>>, vector<16xi32>,
        %get3A_302 = vector.shape_cast %get3A_301 : vector<16xi32> to vector<16xi32>
        %mul3A_303 = arith.constant 2 : i32
        %mul3A_304 = vector.broadcast %mul3A_303 : i32 to vector<16xi32>
        %mul3A_305 = arith.muli %get3A_302, %mul3A_304 : vector<16xi32>
        %add3A_306 = arith.addi %mul3A_299, %mul3A_305 : vector<16xi32>
        %get3A_307 = arith.constant 16 : index
        %get3A_308 = tpu.vector_load %arg9[%get3A_307] {strides = array<i32>} : memref<128xi32, #tpu.memory_space<vmem>>, vector<16xi32>,
        %get3A_309 = vector.shape_cast %get3A_308 : vector<16xi32> to vector<16xi32>
        %add3A_310 = arith.addi %add3A_306, %get3A_309 : vector<16xi32>
        %get3A_311 = arith.constant 16 : index
        %get3A_312 = tpu.vector_load %arg10[%get3A_311] {strides = array<i32>} : memref<128xi32, #tpu.memory_space<vmem>>, vector<16xi32>,
        %get3A_313 = vector.shape_cast %get3A_312 : vector<16xi32> to vector<16xi32>
        %mul3A_314 = arith.constant 12 : i32
        %mul3A_315 = vector.broadcast %mul3A_314 : i32 to vector<16xi32>
        %mul3A_316 = arith.muli %get3A_313, %mul3A_315 : vector<16xi32>
        %get3A_317 = arith.constant 16 : index
        %get3A_318 = tpu.vector_load %arg11[%get3A_317] {strides = array<i32>} : memref<128xi32, #tpu.memory_space<vmem>>, vector<16xi32>,
        %get3A_319 = vector.shape_cast %get3A_318 : vector<16xi32> to vector<16xi32>
        %mul3A_320 = arith.constant 2 : i32
        %mul3A_321 = vector.broadcast %mul3A_320 : i32 to vector<16xi32>
        %mul3A_322 = arith.muli %get3A_319, %mul3A_321 : vector<16xi32>
        %add3A_323 = arith.addi %mul3A_316, %mul3A_322 : vector<16xi32>
        %get3A_324 = arith.constant 16 : index
        %get3A_325 = tpu.vector_load %arg12[%get3A_324] {strides = array<i32>} : memref<128xi32, #tpu.memory_space<vmem>>, vector<16xi32>,
        %get3A_326 = vector.shape_cast %get3A_325 : vector<16xi32> to vector<16xi32>
        %add3A_327 = arith.addi %add3A_323, %get3A_326 : vector<16xi32>
        %mul3A_328 = arith.constant 60 : i32
        %mul3A_329 = vector.broadcast %mul3A_328 : i32 to vector<16xi32>
        %mul3A_330 = arith.muli %add3A_310, %mul3A_329 : vector<16xi32>
        %add3A_331 = arith.addi %mul3A_330, %add3A_327 : vector<16xi32>
        %swap3A_332 = arith.constant 16 : index
        %swap3A_333 = tpu.vector_load %arg31[%swap3A_332] {strides = array<i32>} : memref<128xi32, #tpu.memory_space<vmem>>, vector<16xi32>,
        %swap3A_334 = vector.shape_cast %swap3A_333 : vector<16xi32> to vector<16xi32>
        %swap3A_335 = vector.shape_cast %add3A_331 : vector<16xi32> to vector<16xi32>
        tpu.vector_store %arg31[%swap3A_332], %swap3A_335 {strides = array<i32>} : memref<128xi32, #tpu.memory_space<vmem>>, vector<16xi32>,
        %get3A_336 = arith.constant 32 : index
        %get3A_337 = tpu.vector_load %arg7[%get3A_336] {strides = array<i32>} : memref<128xi32, #tpu.memory_space<vmem>>, vector<16xi32>,
        %get3A_338 = vector.shape_cast %get3A_337 : vector<16xi32> to vector<16xi32>
        %mul3A_339 = arith.constant 12 : i32
        %mul3A_340 = vector.broadcast %mul3A_339 : i32 to vector<16xi32>
        %mul3A_341 = arith.muli %get3A_338, %mul3A_340 : vector<16xi32>
        %get3A_342 = arith.constant 32 : index
        %get3A_343 = tpu.vector_load %arg8[%get3A_342] {strides = array<i32>} : memref<128xi32, #tpu.memory_space<vmem>>, vector<16xi32>,
        %get3A_344 = vector.shape_cast %get3A_343 : vector<16xi32> to vector<16xi32>
        %mul3A_345 = arith.constant 2 : i32
        %mul3A_346 = vector.broadcast %mul3A_345 : i32 to vector<16xi32>
        %mul3A_347 = arith.muli %get3A_344, %mul3A_346 : vector<16xi32>
        %add3A_348 = arith.addi %mul3A_341, %mul3A_347 : vector<16xi32>
        %get3A_349 = arith.constant 32 : index
        %get3A_350 = tpu.vector_load %arg9[%get3A_349] {strides = array<i32>} : memref<128xi32, #tpu.memory_space<vmem>>, vector<16xi32>,
        %get3A_351 = vector.shape_cast %get3A_350 : vector<16xi32> to vector<16xi32>
        %add3A_352 = arith.addi %add3A_348, %get3A_351 : vector<16xi32>
        %get3A_353 = arith.constant 32 : index
        %get3A_354 = tpu.vector_load %arg10[%get3A_353] {strides = array<i32>} : memref<128xi32, #tpu.memory_space<vmem>>, vector<16xi32>,
        %get3A_355 = vector.shape_cast %get3A_354 : vector<16xi32> to vector<16xi32>
        %mul3A_356 = arith.constant 12 : i32
        %mul3A_357 = vector.broadcast %mul3A_356 : i32 to vector<16xi32>
        %mul3A_358 = arith.muli %get3A_355, %mul3A_357 : vector<16xi32>
        %get3A_359 = arith.constant 32 : index
        %get3A_360 = tpu.vector_load %arg11[%get3A_359] {strides = array<i32>} : memref<128xi32, #tpu.memory_space<vmem>>, vector<16xi32>,
        %get3A_361 = vector.shape_cast %get3A_360 : vector<16xi32> to vector<16xi32>
        %mul3A_362 = arith.constant 2 : i32
        %mul3A_363 = vector.broadcast %mul3A_362 : i32 to vector<16xi32>
        %mul3A_364 = arith.muli %get3A_361, %mul3A_363 : vector<16xi32>
        %add3A_365 = arith.addi %mul3A_358, %mul3A_364 : vector<16xi32>
        %get3A_366 = arith.constant 32 : index
        %get3A_367 = tpu.vector_load %arg12[%get3A_366] {strides = array<i32>} : memref<128xi32, #tpu.memory_space<vmem>>, vector<16xi32>,
        %get3A_368 = vector.shape_cast %get3A_367 : vector<16xi32> to vector<16xi32>
        %add3A_369 = arith.addi %add3A_365, %get3A_368 : vector<16xi32>
        %mul3A_370 = arith.constant 60 : i32
        %mul3A_371 = vector.broadcast %mul3A_370 : i32 to vector<16xi32>
        %mul3A_372 = arith.muli %add3A_352, %mul3A_371 : vector<16xi32>
        %add3A_373 = arith.addi %mul3A_372, %add3A_369 : vector<16xi32>
        %swap3A_374 = arith.constant 32 : index
        %swap3A_375 = tpu.vector_load %arg31[%swap3A_374] {strides = array<i32>} : memref<128xi32, #tpu.memory_space<vmem>>, vector<16xi32>,
        %swap3A_376 = vector.shape_cast %swap3A_375 : vector<16xi32> to vector<16xi32>
        %swap3A_377 = vector.shape_cast %add3A_373 : vector<16xi32> to vector<16xi32>
        tpu.vector_store %arg31[%swap3A_374], %swap3A_377 {strides = array<i32>} : memref<128xi32, #tpu.memory_space<vmem>>, vector<16xi32>,
        %get3A_378 = arith.constant 48 : index
        %get3A_379 = tpu.vector_load %arg7[%get3A_378] {strides = array<i32>} : memref<128xi32, #tpu.memory_space<vmem>>, vector<16xi32>,
        %get3A_380 = vector.shape_cast %get3A_379 : vector<16xi32> to vector<16xi32>
        %mul3A_381 = arith.constant 12 : i32
        %mul3A_382 = vector.broadcast %mul3A_381 : i32 to vector<16xi32>
        %mul3A_383 = arith.muli %get3A_380, %mul3A_382 : vector<16xi32>
        %get3A_384 = arith.constant 48 : index
        %get3A_385 = tpu.vector_load %arg8[%get3A_384] {strides = array<i32>} : memref<128xi32, #tpu.memory_space<vmem>>, vector<16xi32>,
        %get3A_386 = vector.shape_cast %get3A_385 : vector<16xi32> to vector<16xi32>
        %mul3A_387 = arith.constant 2 : i32
        %mul3A_388 = vector.broadcast %mul3A_387 : i32 to vector<16xi32>
        %mul3A_389 = arith.muli %get3A_386, %mul3A_388 : vector<16xi32>
        %add3A_390 = arith.addi %mul3A_383, %mul3A_389 : vector<16xi32>
        %get3A_391 = arith.constant 48 : index
        %get3A_392 = tpu.vector_load %arg9[%get3A_391] {strides = array<i32>} : memref<128xi32, #tpu.memory_space<vmem>>, vector<16xi32>,
        %get3A_393 = vector.shape_cast %get3A_392 : vector<16xi32> to vector<16xi32>
        %add3A_394 = arith.addi %add3A_390, %get3A_393 : vector<16xi32>
        %get3A_395 = arith.constant 48 : index
        %get3A_396 = tpu.vector_load %arg10[%get3A_395] {strides = array<i32>} : memref<128xi32, #tpu.memory_space<vmem>>, vector<16xi32>,
        %get3A_397 = vector.shape_cast %get3A_396 : vector<16xi32> to vector<16xi32>
        %mul3A_398 = arith.constant 12 : i32
        %mul3A_399 = vector.broadcast %mul3A_398 : i32 to vector<16xi32>
        %mul3A_400 = arith.muli %get3A_397, %mul3A_399 : vector<16xi32>
        %get3A_401 = arith.constant 48 : index
        %get3A_402 = tpu.vector_load %arg11[%get3A_401] {strides = array<i32>} : memref<128xi32, #tpu.memory_space<vmem>>, vector<16xi32>,
        %get3A_403 = vector.shape_cast %get3A_402 : vector<16xi32> to vector<16xi32>
        %mul3A_404 = arith.constant 2 : i32
        %mul3A_405 = vector.broadcast %mul3A_404 : i32 to vector<16xi32>
        %mul3A_406 = arith.muli %get3A_403, %mul3A_405 : vector<16xi32>
        %add3A_407 = arith.addi %mul3A_400, %mul3A_406 : vector<16xi32>
        %get3A_408 = arith.constant 48 : index
        %get3A_409 = tpu.vector_load %arg12[%get3A_408] {strides = array<i32>} : memref<128xi32, #tpu.memory_space<vmem>>, vector<16xi32>,
        %get3A_410 = vector.shape_cast %get3A_409 : vector<16xi32> to vector<16xi32>
        %add3A_411 = arith.addi %add3A_407, %get3A_410 : vector<16xi32>
        %mul3A_412 = arith.constant 60 : i32
        %mul3A_413 = vector.broadcast %mul3A_412 : i32 to vector<16xi32>
        %mul3A_414 = arith.muli %add3A_394, %mul3A_413 : vector<16xi32>
        %add3A_415 = arith.addi %mul3A_414, %add3A_411 : vector<16xi32>
        %swap3A_416 = arith.constant 48 : index
        %swap3A_417 = tpu.vector_load %arg31[%swap3A_416] {strides = array<i32>} : memref<128xi32, #tpu.memory_space<vmem>>, vector<16xi32>,
        %swap3A_418 = vector.shape_cast %swap3A_417 : vector<16xi32> to vector<16xi32>
        %swap3A_419 = vector.shape_cast %add3A_415 : vector<16xi32> to vector<16xi32>
        tpu.vector_store %arg31[%swap3A_416], %swap3A_419 {strides = array<i32>} : memref<128xi32, #tpu.memory_space<vmem>>, vector<16xi32>,
        %get3A_420 = arith.constant 64 : index
        %get3A_421 = tpu.vector_load %arg7[%get3A_420] {strides = array<i32>} : memref<128xi32, #tpu.memory_space<vmem>>, vector<16xi32>,
        %get3A_422 = vector.shape_cast %get3A_421 : vector<16xi32> to vector<16xi32>
        %mul3A_423 = arith.constant 12 : i32
        %mul3A_424 = vector.broadcast %mul3A_423 : i32 to vector<16xi32>
        %mul3A_425 = arith.muli %get3A_422, %mul3A_424 : vector<16xi32>
        %get3A_426 = arith.constant 64 : index
        %get3A_427 = tpu.vector_load %arg8[%get3A_426] {strides = array<i32>} : memref<128xi32, #tpu.memory_space<vmem>>, vector<16xi32>,
        %get3A_428 = vector.shape_cast %get3A_427 : vector<16xi32> to vector<16xi32>
        %mul3A_429 = arith.constant 2 : i32
        %mul3A_430 = vector.broadcast %mul3A_429 : i32 to vector<16xi32>
        %mul3A_431 = arith.muli %get3A_428, %mul3A_430 : vector<16xi32>
        %add3A_432 = arith.addi %mul3A_425, %mul3A_431 : vector<16xi32>
        %get3A_433 = arith.constant 64 : index
        %get3A_434 = tpu.vector_load %arg9[%get3A_433] {strides = array<i32>} : memref<128xi32, #tpu.memory_space<vmem>>, vector<16xi32>,
        %get3A_435 = vector.shape_cast %get3A_434 : vector<16xi32> to vector<16xi32>
        %add3A_436 = arith.addi %add3A_432, %get3A_435 : vector<16xi32>
        %get3A_437 = arith.constant 64 : index
        %get3A_438 = tpu.vector_load %arg10[%get3A_437] {strides = array<i32>} : memref<128xi32, #tpu.memory_space<vmem>>, vector<16xi32>,
        %get3A_439 = vector.shape_cast %get3A_438 : vector<16xi32> to vector<16xi32>
        %mul3A_440 = arith.constant 12 : i32
        %mul3A_441 = vector.broadcast %mul3A_440 : i32 to vector<16xi32>
        %mul3A_442 = arith.muli %get3A_439, %mul3A_441 : vector<16xi32>
        %get3A_443 = arith.constant 64 : index
        %get3A_444 = tpu.vector_load %arg11[%get3A_443] {strides = array<i32>} : memref<128xi32, #tpu.memory_space<vmem>>, vector<16xi32>,
        %get3A_445 = vector.shape_cast %get3A_444 : vector<16xi32> to vector<16xi32>
        %mul3A_446 = arith.constant 2 : i32
        %mul3A_447 = vector.broadcast %mul3A_446 : i32 to vector<16xi32>
        %mul3A_448 = arith.muli %get3A_445, %mul3A_447 : vector<16xi32>
        %add3A_449 = arith.addi %mul3A_442, %mul3A_448 : vector<16xi32>
        %get3A_450 = arith.constant 64 : index
        %get3A_451 = tpu.vector_load %arg12[%get3A_450] {strides = array<i32>} : memref<128xi32, #tpu.memory_space<vmem>>, vector<16xi32>,
        %get3A_452 = vector.shape_cast %get3A_451 : vector<16xi32> to vector<16xi32>
        %add3A_453 = arith.addi %add3A_449, %get3A_452 : vector<16xi32>
        %mul3A_454 = arith.constant 60 : i32
        %mul3A_455 = vector.broadcast %mul3A_454 : i32 to vector<16xi32>
        %mul3A_456 = arith.muli %add3A_436, %mul3A_455 : vector<16xi32>
        %add3A_457 = arith.addi %mul3A_456, %add3A_453 : vector<16xi32>
        %swap3A_458 = arith.constant 64 : index
        %swap3A_459 = tpu.vector_load %arg31[%swap3A_458] {strides = array<i32>} : memref<128xi32, #tpu.memory_space<vmem>>, vector<16xi32>,
        %swap3A_460 = vector.shape_cast %swap3A_459 : vector<16xi32> to vector<16xi32>
        %swap3A_461 = vector.shape_cast %add3A_457 : vector<16xi32> to vector<16xi32>
        tpu.vector_store %arg31[%swap3A_458], %swap3A_461 {strides = array<i32>} : memref<128xi32, #tpu.memory_space<vmem>>, vector<16xi32>,
        %get3A_462 = arith.constant 80 : index
        %get3A_463 = tpu.vector_load %arg7[%get3A_462] {strides = array<i32>} : memref<128xi32, #tpu.memory_space<vmem>>, vector<16xi32>,
        %get3A_464 = vector.shape_cast %get3A_463 : vector<16xi32> to vector<16xi32>
        %mul3A_465 = arith.constant 12 : i32
        %mul3A_466 = vector.broadcast %mul3A_465 : i32 to vector<16xi32>
        %mul3A_467 = arith.muli %get3A_464, %mul3A_466 : vector<16xi32>
        %get3A_468 = arith.constant 80 : index
        %get3A_469 = tpu.vector_load %arg8[%get3A_468] {strides = array<i32>} : memref<128xi32, #tpu.memory_space<vmem>>, vector<16xi32>,
        %get3A_470 = vector.shape_cast %get3A_469 : vector<16xi32> to vector<16xi32>
        %mul3A_471 = arith.constant 2 : i32
        %mul3A_472 = vector.broadcast %mul3A_471 : i32 to vector<16xi32>
        %mul3A_473 = arith.muli %get3A_470, %mul3A_472 : vector<16xi32>
        %add3A_474 = arith.addi %mul3A_467, %mul3A_473 : vector<16xi32>
        %get3A_475 = arith.constant 80 : index
        %get3A_476 = tpu.vector_load %arg9[%get3A_475] {strides = array<i32>} : memref<128xi32, #tpu.memory_space<vmem>>, vector<16xi32>,
        %get3A_477 = vector.shape_cast %get3A_476 : vector<16xi32> to vector<16xi32>
        %add3A_478 = arith.addi %add3A_474, %get3A_477 : vector<16xi32>
        %get3A_479 = arith.constant 80 : index
        %get3A_480 = tpu.vector_load %arg10[%get3A_479] {strides = array<i32>} : memref<128xi32, #tpu.memory_space<vmem>>, vector<16xi32>,
        %get3A_481 = vector.shape_cast %get3A_480 : vector<16xi32> to vector<16xi32>
        %mul3A_482 = arith.constant 12 : i32
        %mul3A_483 = vector.broadcast %mul3A_482 : i32 to vector<16xi32>
        %mul3A_484 = arith.muli %get3A_481, %mul3A_483 : vector<16xi32>
        %get3A_485 = arith.constant 80 : index
        %get3A_486 = tpu.vector_load %arg11[%get3A_485] {strides = array<i32>} : memref<128xi32, #tpu.memory_space<vmem>>, vector<16xi32>,
        %get3A_487 = vector.shape_cast %get3A_486 : vector<16xi32> to vector<16xi32>
        %mul3A_488 = arith.constant 2 : i32
        %mul3A_489 = vector.broadcast %mul3A_488 : i32 to vector<16xi32>
        %mul3A_490 = arith.muli %get3A_487, %mul3A_489 : vector<16xi32>
        %add3A_491 = arith.addi %mul3A_484, %mul3A_490 : vector<16xi32>
        %get3A_492 = arith.constant 80 : index
        %get3A_493 = tpu.vector_load %arg12[%get3A_492] {strides = array<i32>} : memref<128xi32, #tpu.memory_space<vmem>>, vector<16xi32>,
        %get3A_494 = vector.shape_cast %get3A_493 : vector<16xi32> to vector<16xi32>
        %add3A_495 = arith.addi %add3A_491, %get3A_494 : vector<16xi32>
        %mul3A_496 = arith.constant 60 : i32
        %mul3A_497 = vector.broadcast %mul3A_496 : i32 to vector<16xi32>
        %mul3A_498 = arith.muli %add3A_478, %mul3A_497 : vector<16xi32>
        %add3A_499 = arith.addi %mul3A_498, %add3A_495 : vector<16xi32>
        %swap3A_500 = arith.constant 80 : index
        %swap3A_501 = tpu.vector_load %arg31[%swap3A_500] {strides = array<i32>} : memref<128xi32, #tpu.memory_space<vmem>>, vector<16xi32>,
        %swap3A_502 = vector.shape_cast %swap3A_501 : vector<16xi32> to vector<16xi32>
        %swap3A_503 = vector.shape_cast %add3A_499 : vector<16xi32> to vector<16xi32>
        tpu.vector_store %arg31[%swap3A_500], %swap3A_503 {strides = array<i32>} : memref<128xi32, #tpu.memory_space<vmem>>, vector<16xi32>,
        %get3A_504 = arith.constant 96 : index
        %get3A_505 = tpu.vector_load %arg7[%get3A_504] {strides = array<i32>} : memref<128xi32, #tpu.memory_space<vmem>>, vector<16xi32>,
        %get3A_506 = vector.shape_cast %get3A_505 : vector<16xi32> to vector<16xi32>
        %mul3A_507 = arith.constant 12 : i32
        %mul3A_508 = vector.broadcast %mul3A_507 : i32 to vector<16xi32>
        %mul3A_509 = arith.muli %get3A_506, %mul3A_508 : vector<16xi32>
        %get3A_510 = arith.constant 96 : index
        %get3A_511 = tpu.vector_load %arg8[%get3A_510] {strides = array<i32>} : memref<128xi32, #tpu.memory_space<vmem>>, vector<16xi32>,
        %get3A_512 = vector.shape_cast %get3A_511 : vector<16xi32> to vector<16xi32>
        %mul3A_513 = arith.constant 2 : i32
        %mul3A_514 = vector.broadcast %mul3A_513 : i32 to vector<16xi32>
        %mul3A_515 = arith.muli %get3A_512, %mul3A_514 : vector<16xi32>
        %add3A_516 = arith.addi %mul3A_509, %mul3A_515 : vector<16xi32>
        %get3A_517 = arith.constant 96 : index
        %get3A_518 = tpu.vector_load %arg9[%get3A_517] {strides = array<i32>} : memref<128xi32, #tpu.memory_space<vmem>>, vector<16xi32>,
        %get3A_519 = vector.shape_cast %get3A_518 : vector<16xi32> to vector<16xi32>
        %add3A_520 = arith.addi %add3A_516, %get3A_519 : vector<16xi32>
        %get3A_521 = arith.constant 96 : index
        %get3A_522 = tpu.vector_load %arg10[%get3A_521] {strides = array<i32>} : memref<128xi32, #tpu.memory_space<vmem>>, vector<16xi32>,
        %get3A_523 = vector.shape_cast %get3A_522 : vector<16xi32> to vector<16xi32>
        %mul3A_524 = arith.constant 12 : i32
        %mul3A_525 = vector.broadcast %mul3A_524 : i32 to vector<16xi32>
        %mul3A_526 = arith.muli %get3A_523, %mul3A_525 : vector<16xi32>
        %get3A_527 = arith.constant 96 : index
        %get3A_528 = tpu.vector_load %arg11[%get3A_527] {strides = array<i32>} : memref<128xi32, #tpu.memory_space<vmem>>, vector<16xi32>,
        %get3A_529 = vector.shape_cast %get3A_528 : vector<16xi32> to vector<16xi32>
        %mul3A_530 = arith.constant 2 : i32
        %mul3A_531 = vector.broadcast %mul3A_530 : i32 to vector<16xi32>
        %mul3A_532 = arith.muli %get3A_529, %mul3A_531 : vector<16xi32>
        %add3A_533 = arith.addi %mul3A_526, %mul3A_532 : vector<16xi32>
        %get3A_534 = arith.constant 96 : index
        %get3A_535 = tpu.vector_load %arg12[%get3A_534] {strides = array<i32>} : memref<128xi32, #tpu.memory_space<vmem>>, vector<16xi32>,
        %get3A_536 = vector.shape_cast %get3A_535 : vector<16xi32> to vector<16xi32>
        %add3A_537 = arith.addi %add3A_533, %get3A_536 : vector<16xi32>
        %mul3A_538 = arith.constant 60 : i32
        %mul3A_539 = vector.broadcast %mul3A_538 : i32 to vector<16xi32>
        %mul3A_540 = arith.muli %add3A_520, %mul3A_539 : vector<16xi32>
        %add3A_541 = arith.addi %mul3A_540, %add3A_537 : vector<16xi32>
        %swap3A_542 = arith.constant 96 : index
        %swap3A_543 = tpu.vector_load %arg31[%swap3A_542] {strides = array<i32>} : memref<128xi32, #tpu.memory_space<vmem>>, vector<16xi32>,
        %swap3A_544 = vector.shape_cast %swap3A_543 : vector<16xi32> to vector<16xi32>
        %swap3A_545 = vector.shape_cast %add3A_541 : vector<16xi32> to vector<16xi32>
        tpu.vector_store %arg31[%swap3A_542], %swap3A_545 {strides = array<i32>} : memref<128xi32, #tpu.memory_space<vmem>>, vector<16xi32>,
        %get3A_546 = arith.constant 112 : index
        %get3A_547 = tpu.vector_load %arg7[%get3A_546] {strides = array<i32>} : memref<128xi32, #tpu.memory_space<vmem>>, vector<16xi32>,
        %get3A_548 = vector.shape_cast %get3A_547 : vector<16xi32> to vector<16xi32>
        %mul3A_549 = arith.constant 12 : i32
        %mul3A_550 = vector.broadcast %mul3A_549 : i32 to vector<16xi32>
        %mul3A_551 = arith.muli %get3A_548, %mul3A_550 : vector<16xi32>
        %get3A_552 = arith.constant 112 : index
        %get3A_553 = tpu.vector_load %arg8[%get3A_552] {strides = array<i32>} : memref<128xi32, #tpu.memory_space<vmem>>, vector<16xi32>,
        %get3A_554 = vector.shape_cast %get3A_553 : vector<16xi32> to vector<16xi32>
        %mul3A_555 = arith.constant 2 : i32
        %mul3A_556 = vector.broadcast %mul3A_555 : i32 to vector<16xi32>
        %mul3A_557 = arith.muli %get3A_554, %mul3A_556 : vector<16xi32>
        %add3A_558 = arith.addi %mul3A_551, %mul3A_557 : vector<16xi32>
        %get3A_559 = arith.constant 112 : index
        %get3A_560 = tpu.vector_load %arg9[%get3A_559] {strides = array<i32>} : memref<128xi32, #tpu.memory_space<vmem>>, vector<16xi32>,
        %get3A_561 = vector.shape_cast %get3A_560 : vector<16xi32> to vector<16xi32>
        %add3A_562 = arith.addi %add3A_558, %get3A_561 : vector<16xi32>
        %get3A_563 = arith.constant 112 : index
        %get3A_564 = tpu.vector_load %arg10[%get3A_563] {strides = array<i32>} : memref<128xi32, #tpu.memory_space<vmem>>, vector<16xi32>,
        %get3A_565 = vector.shape_cast %get3A_564 : vector<16xi32> to vector<16xi32>
        %mul3A_566 = arith.constant 12 : i32
        %mul3A_567 = vector.broadcast %mul3A_566 : i32 to vector<16xi32>
        %mul3A_568 = arith.muli %get3A_565, %mul3A_567 : vector<16xi32>
        %get3A_569 = arith.constant 112 : index
        %get3A_570 = tpu.vector_load %arg11[%get3A_569] {strides = array<i32>} : memref<128xi32, #tpu.memory_space<vmem>>, vector<16xi32>,
        %get3A_571 = vector.shape_cast %get3A_570 : vector<16xi32> to vector<16xi32>
        %mul3A_572 = arith.constant 2 : i32
        %mul3A_573 = vector.broadcast %mul3A_572 : i32 to vector<16xi32>
        %mul3A_574 = arith.muli %get3A_571, %mul3A_573 : vector<16xi32>
        %add3A_575 = arith.addi %mul3A_568, %mul3A_574 : vector<16xi32>
        %get3A_576 = arith.constant 112 : index
        %get3A_577 = tpu.vector_load %arg12[%get3A_576] {strides = array<i32>} : memref<128xi32, #tpu.memory_space<vmem>>, vector<16xi32>,
        %get3A_578 = vector.shape_cast %get3A_577 : vector<16xi32> to vector<16xi32>
        %add3A_579 = arith.addi %add3A_575, %get3A_578 : vector<16xi32>
        %mul3A_580 = arith.constant 60 : i32
        %mul3A_581 = vector.broadcast %mul3A_580 : i32 to vector<16xi32>
        %mul3A_582 = arith.muli %add3A_562, %mul3A_581 : vector<16xi32>
        %add3A_583 = arith.addi %mul3A_582, %add3A_579 : vector<16xi32>
        %swap3A_584 = arith.constant 112 : index
        %swap3A_585 = tpu.vector_load %arg31[%swap3A_584] {strides = array<i32>} : memref<128xi32, #tpu.memory_space<vmem>>, vector<16xi32>,
        %swap3A_586 = vector.shape_cast %swap3A_585 : vector<16xi32> to vector<16xi32>
        %swap3A_587 = vector.shape_cast %add3A_583 : vector<16xi32> to vector<16xi32>
        tpu.vector_store %arg31[%swap3A_584], %swap3A_587 {strides = array<i32>} : memref<128xi32, #tpu.memory_space<vmem>>, vector<16xi32>,
        %ge3A_588 = arith.constant 4 : i32
        %ge3A_589 = arith.cmpi sge, %add3A_125, %ge3A_588 : i32
        %convert_element_type3A_590 = arith.extui %ge3A_589 : i1 to i32
        %cond3A_591 = arith.constant 0 : i32
        %cond3A_592 = arith.cmpi ne, %convert_element_type3A_590, %cond3A_591 : i32
        scf.if %cond3A_592 {
          %dma_wait3A_616 = arith.constant 0 : i32
          %dma_wait3A_617 = arith.constant 0 : i32
          %dma_wait3A_618 = tpu.memref_slice %arg6[%dma_wait3A_616, %dma_wait3A_617] : memref<400000x128xf32, #tpu.memory_space<hbm>> -> memref<128x128xf32, #tpu.memory_space<hbm>>
          %dma_wait3A_619 = arith.constant 0 : i32
          %dma_wait3A_620 = arith.constant 0 : i32
          %dma_wait3A_621 = tpu.memref_slice %arg6[%dma_wait3A_619, %dma_wait3A_620] : memref<400000x128xf32, #tpu.memory_space<hbm>> -> memref<128x128xf32, #tpu.memory_space<hbm>>
          tpu.wait_dma2 semaphore(%arg47 : memref<!tpu.dma_semaphore, #tpu.memory_space<semaphore_mem>>) src(%arg35 : memref<128x128xf32, #tpu.memory_space<vmem>>) dst(%dma_wait3A_621 : memref<128x128xf32, #tpu.memory_space<hbm>>)
        } else {
        }
        %dma_start3A_593 = arith.constant 0 : i32
        %dma_start3A_594 = arith.constant 0 : i32
        %dma_start3A_595 = tpu.memref_slice %arg35[%dma_start3A_593, %dma_start3A_594] : memref<128x128xf32, #tpu.memory_space<vmem>> -> memref<128x128xf32, #tpu.memory_space<vmem>>
        %dma_start3A_596 = arith.constant 0 : i32
        %dma_start3A_597 = tpu.memref_slice %arg31[%dma_start3A_596] : memref<128xi32, #tpu.memory_space<vmem>> -> memref<128xi32, #tpu.memory_space<vmem>>
        %dma_start3A_598 = arith.constant 0 : i32
        %dma_start3A_599 = arith.constant 0 : i32
        %dma_start3A_600 = tpu.memref_slice %arg5[%dma_start3A_598, %dma_start3A_599] : memref<3600x128xf32, #tpu.memory_space<hbm>> -> memref<3600x128xf32, #tpu.memory_space<hbm>>
        tpu.enqueue_indirect_dma source(%dma_start3A_600 : memref<3600x128xf32, #tpu.memory_space<hbm>>) target(%dma_start3A_595 : memref<128x128xf32, #tpu.memory_space<vmem>>) offsets(%dma_start3A_597 : memref<128xi32, #tpu.memory_space<vmem>>) semaphore(%arg43 : memref<!tpu.dma_semaphore, #tpu.memory_space<semaphore_mem>>)
        %add3A_601 = arith.constant 4 : i32
        %add3A_602 = arith.addi %add3A_125, %add3A_601 : i32
        %lt3A_603 = arith.constant 98 : i32
        %lt3A_604 = arith.cmpi slt, %add3A_602, %lt3A_603 : i32
        %add3A_605 = arith.constant 4 : i32
        %add3A_606 = arith.addi %add3A_125, %add3A_605 : i32
        %mul3A_607 = arith.constant 32 : i32
        %mul3A_608 = arith.muli %add3A_606, %mul3A_607 : i32
        %add3A_609 = arith.addi %add3A, %mul3A_608 : i32
        %lt3A_610 = arith.constant 3125 : i32
        %lt3A_611 = arith.cmpi slt, %add3A_609, %lt3A_610 : i32
        %and3A_612 = arith.andi %lt3A_604, %lt3A_611 : i1
        %convert_element_type3A_613 = arith.extui %and3A_612 : i1 to i32
        %cond3A_614 = arith.constant 0 : i32
        %cond3A_615 = arith.cmpi ne, %convert_element_type3A_613, %cond3A_614 : i32
        scf.if %cond3A_615 {
          %add3A_616 = arith.constant 4 : i32
          %add3A_617 = arith.addi %add3A_125, %add3A_616 : i32
          %mul3A_618 = arith.constant 32 : i32
          %mul3A_619 = arith.muli %add3A_617, %mul3A_618 : i32
          %add3A_620 = arith.addi %add3A, %mul3A_619 : i32
          %mul3A_621 = arith.constant 128 : i32
          %mul3A_622 = arith.muli %add3A_620, %mul3A_621 : i32
          %dma_start3A_623 = tpu.memref_slice %arg2[%mul3A_622] : memref<800000xi32, #tpu.memory_space<hbm>> -> memref<128xi32, #tpu.memory_space<hbm>>
          %dma_start3A_624 = tpu.memref_slice %arg2[%mul3A_622] : memref<800000xi32, #tpu.memory_space<hbm>> -> memref<128xi32, #tpu.memory_space<hbm>>
          tpu.enqueue_dma source(%dma_start3A_624 : memref<128xi32, #tpu.memory_space<hbm>>) target(%arg7 : memref<128xi32, #tpu.memory_space<vmem>>) target_semaphore(%arg39 : memref<!tpu.dma_semaphore, #tpu.memory_space<semaphore_mem>>)
          %add3A_625 = arith.constant 400000 : i32
          %add3A_626 = arith.addi %add3A_625, %mul3A_622 : i32
          %dma_start3A_627 = tpu.memref_slice %arg2[%add3A_626] : memref<800000xi32, #tpu.memory_space<hbm>> -> memref<128xi32, #tpu.memory_space<hbm>>
          %dma_start3A_628 = tpu.memref_slice %arg2[%add3A_626] : memref<800000xi32, #tpu.memory_space<hbm>> -> memref<128xi32, #tpu.memory_space<hbm>>
          tpu.enqueue_dma source(%dma_start3A_628 : memref<128xi32, #tpu.memory_space<hbm>>) target(%arg10 : memref<128xi32, #tpu.memory_space<vmem>>) target_semaphore(%arg39 : memref<!tpu.dma_semaphore, #tpu.memory_space<semaphore_mem>>)
          %dma_start3A_629 = tpu.memref_slice %arg3[%mul3A_622] : memref<800000xi32, #tpu.memory_space<hbm>> -> memref<128xi32, #tpu.memory_space<hbm>>
          %dma_start3A_630 = tpu.memref_slice %arg3[%mul3A_622] : memref<800000xi32, #tpu.memory_space<hbm>> -> memref<128xi32, #tpu.memory_space<hbm>>
          tpu.enqueue_dma source(%dma_start3A_630 : memref<128xi32, #tpu.memory_space<hbm>>) target(%arg8 : memref<128xi32, #tpu.memory_space<vmem>>) target_semaphore(%arg39 : memref<!tpu.dma_semaphore, #tpu.memory_space<semaphore_mem>>)
          %add3A_631 = arith.constant 400000 : i32
          %add3A_632 = arith.addi %add3A_631, %mul3A_622 : i32
          %dma_start3A_633 = tpu.memref_slice %arg3[%add3A_632] : memref<800000xi32, #tpu.memory_space<hbm>> -> memref<128xi32, #tpu.memory_space<hbm>>
          %dma_start3A_634 = tpu.memref_slice %arg3[%add3A_632] : memref<800000xi32, #tpu.memory_space<hbm>> -> memref<128xi32, #tpu.memory_space<hbm>>
          tpu.enqueue_dma source(%dma_start3A_634 : memref<128xi32, #tpu.memory_space<hbm>>) target(%arg11 : memref<128xi32, #tpu.memory_space<vmem>>) target_semaphore(%arg39 : memref<!tpu.dma_semaphore, #tpu.memory_space<semaphore_mem>>)
          %dma_start3A_635 = tpu.memref_slice %arg4[%mul3A_622] : memref<800000xi32, #tpu.memory_space<hbm>> -> memref<128xi32, #tpu.memory_space<hbm>>
          %dma_start3A_636 = tpu.memref_slice %arg4[%mul3A_622] : memref<800000xi32, #tpu.memory_space<hbm>> -> memref<128xi32, #tpu.memory_space<hbm>>
          tpu.enqueue_dma source(%dma_start3A_636 : memref<128xi32, #tpu.memory_space<hbm>>) target(%arg9 : memref<128xi32, #tpu.memory_space<vmem>>) target_semaphore(%arg39 : memref<!tpu.dma_semaphore, #tpu.memory_space<semaphore_mem>>)
          %add3A_637 = arith.constant 400000 : i32
          %add3A_638 = arith.addi %add3A_637, %mul3A_622 : i32
          %dma_start3A_639 = tpu.memref_slice %arg4[%add3A_638] : memref<800000xi32, #tpu.memory_space<hbm>> -> memref<128xi32, #tpu.memory_space<hbm>>
          %dma_start3A_640 = tpu.memref_slice %arg4[%add3A_638] : memref<800000xi32, #tpu.memory_space<hbm>> -> memref<128xi32, #tpu.memory_space<hbm>>
          tpu.enqueue_dma source(%dma_start3A_640 : memref<128xi32, #tpu.memory_space<hbm>>) target(%arg12 : memref<128xi32, #tpu.memory_space<vmem>>) target_semaphore(%arg39 : memref<!tpu.dma_semaphore, #tpu.memory_space<semaphore_mem>>)
        } else {
        }
      } else {
      }
      %ge3A = arith.constant 1 : i32
      %ge3A_136 = arith.cmpi sge, %add3A_125, %ge3A : i32
      %sub3A = arith.constant 1 : i32
      %sub3A_137 = arith.subi %add3A_125, %sub3A : i32
      %mul3A_138 = arith.constant 32 : i32
      %mul3A_139 = arith.muli %sub3A_137, %mul3A_138 : i32
      %add3A_140 = arith.addi %add3A, %mul3A_139 : i32
      %lt3A_141 = arith.constant 3125 : i32
      %lt3A_142 = arith.cmpi slt, %add3A_140, %lt3A_141 : i32
      %and3A_143 = arith.andi %ge3A_136, %lt3A_142 : i1
      %convert_element_type3A_144 = arith.extui %and3A_143 : i1 to i32
      %cond3A_145 = arith.constant 0 : i32
      %cond3A_146 = arith.cmpi ne, %convert_element_type3A_144, %cond3A_145 : i32
      scf.if %cond3A_146 {
        %dma_wait3A = arith.constant 0 : i32
        %dma_wait3A_231 = arith.constant 0 : i32
        %dma_wait3A_232 = tpu.memref_slice %arg38[%dma_wait3A, %dma_wait3A_231] : memref<128x128xf32, #tpu.memory_space<vmem>> -> memref<128x128xf32, #tpu.memory_space<vmem>>
        %dma_wait3A_233 = arith.constant 0 : i32
        %dma_wait3A_234 = arith.constant 0 : i32
        %dma_wait3A_235 = tpu.memref_slice %arg5[%dma_wait3A_233, %dma_wait3A_234] : memref<3600x128xf32, #tpu.memory_space<hbm>> -> memref<128x128xf32, #tpu.memory_space<hbm>>
        %dma_wait3A_236 = arith.constant 0 : i32
        %dma_wait3A_237 = arith.constant 0 : i32
        %dma_wait3A_238 = tpu.memref_slice %arg38[%dma_wait3A_236, %dma_wait3A_237] : memref<128x128xf32, #tpu.memory_space<vmem>> -> memref<128x128xf32, #tpu.memory_space<vmem>>
        %dma_wait3A_239 = arith.constant 0 : i32
        %dma_wait3A_240 = arith.constant 0 : i32
        %dma_wait3A_241 = tpu.memref_slice %arg5[%dma_wait3A_239, %dma_wait3A_240] : memref<3600x128xf32, #tpu.memory_space<hbm>> -> memref<128x128xf32, #tpu.memory_space<hbm>>
        tpu.wait_dma2 semaphore(%arg46 : memref<!tpu.dma_semaphore, #tpu.memory_space<semaphore_mem>>) src(%dma_wait3A_241 : memref<128x128xf32, #tpu.memory_space<hbm>>) dst(%dma_wait3A_238 : memref<128x128xf32, #tpu.memory_space<vmem>>)
        %sub3A_242 = arith.constant 1 : i32
        %sub3A_243 = arith.subi %add3A_125, %sub3A_242 : i32
        %mul3A_244 = arith.constant 32 : i32
        %mul3A_245 = arith.muli %sub3A_243, %mul3A_244 : i32
        %add3A_246 = arith.addi %add3A, %mul3A_245 : i32
        %mul3A_247 = arith.constant 128 : i32
        %mul3A_248 = arith.muli %add3A_246, %mul3A_247 : i32
        %dma_start3A_249 = arith.constant 0 : i32
        %dma_start3A_250 = tpu.memref_slice %arg6[%mul3A_248, %dma_start3A_249] : memref<400000x128xf32, #tpu.memory_space<hbm>> -> memref<128x128xf32, #tpu.memory_space<hbm>>
        %dma_start3A_251 = arith.constant 0 : i32
        %dma_start3A_252 = tpu.memref_slice %arg6[%mul3A_248, %dma_start3A_251] : memref<400000x128xf32, #tpu.memory_space<hbm>> -> memref<128x128xf32, #tpu.memory_space<hbm>>
        tpu.enqueue_dma source(%arg38 : memref<128x128xf32, #tpu.memory_space<vmem>>) target(%dma_start3A_252 : memref<128x128xf32, #tpu.memory_space<hbm>>) target_semaphore(%arg50 : memref<!tpu.dma_semaphore, #tpu.memory_space<semaphore_mem>>)
      } else {
      }
      %mul3A_147 = arith.constant 4 : i32
      %mul3A_148 = arith.muli %add3A_121, %mul3A_147 : i32
      %add3A_149 = arith.constant 1 : i32
      %add3A_150 = arith.addi %mul3A_148, %add3A_149 : i32
      %lt3A_151 = arith.constant 98 : i32
      %lt3A_152 = arith.cmpi slt, %add3A_150, %lt3A_151 : i32
      %mul3A_153 = arith.constant 32 : i32
      %mul3A_154 = arith.muli %add3A_150, %mul3A_153 : i32
      %add3A_155 = arith.addi %add3A, %mul3A_154 : i32
      %lt3A_156 = arith.constant 3125 : i32
      %lt3A_157 = arith.cmpi slt, %add3A_155, %lt3A_156 : i32
      %and3A_158 = arith.andi %lt3A_152, %lt3A_157 : i1
      %convert_element_type3A_159 = arith.extui %and3A_158 : i1 to i32
      %cond3A_160 = arith.constant 0 : i32
      %cond3A_161 = arith.cmpi ne, %convert_element_type3A_159, %cond3A_160 : i32
      scf.if %cond3A_161 {
        %dma_wait3A = arith.constant 0 : i32
        %dma_wait3A_231 = tpu.memref_slice %arg2[%dma_wait3A] : memref<800000xi32, #tpu.memory_space<hbm>> -> memref<128xi32, #tpu.memory_space<hbm>>
        %dma_wait3A_232 = arith.constant 0 : i32
        %dma_wait3A_233 = tpu.memref_slice %arg2[%dma_wait3A_232] : memref<800000xi32, #tpu.memory_space<hbm>> -> memref<128xi32, #tpu.memory_space<hbm>>
        tpu.wait_dma2 semaphore(%arg40 : memref<!tpu.dma_semaphore, #tpu.memory_space<semaphore_mem>>) src(%dma_wait3A_233 : memref<128xi32, #tpu.memory_space<hbm>>) dst(%arg13 : memref<128xi32, #tpu.memory_space<vmem>>)
        %dma_wait3A_234 = arith.constant 0 : i32
        %dma_wait3A_235 = tpu.memref_slice %arg2[%dma_wait3A_234] : memref<800000xi32, #tpu.memory_space<hbm>> -> memref<128xi32, #tpu.memory_space<hbm>>
        %dma_wait3A_236 = arith.constant 0 : i32
        %dma_wait3A_237 = tpu.memref_slice %arg2[%dma_wait3A_236] : memref<800000xi32, #tpu.memory_space<hbm>> -> memref<128xi32, #tpu.memory_space<hbm>>
        tpu.wait_dma2 semaphore(%arg40 : memref<!tpu.dma_semaphore, #tpu.memory_space<semaphore_mem>>) src(%dma_wait3A_237 : memref<128xi32, #tpu.memory_space<hbm>>) dst(%arg14 : memref<128xi32, #tpu.memory_space<vmem>>)
        %dma_wait3A_238 = arith.constant 0 : i32
        %dma_wait3A_239 = tpu.memref_slice %arg2[%dma_wait3A_238] : memref<800000xi32, #tpu.memory_space<hbm>> -> memref<128xi32, #tpu.memory_space<hbm>>
        %dma_wait3A_240 = arith.constant 0 : i32
        %dma_wait3A_241 = tpu.memref_slice %arg2[%dma_wait3A_240] : memref<800000xi32, #tpu.memory_space<hbm>> -> memref<128xi32, #tpu.memory_space<hbm>>
        tpu.wait_dma2 semaphore(%arg40 : memref<!tpu.dma_semaphore, #tpu.memory_space<semaphore_mem>>) src(%dma_wait3A_241 : memref<128xi32, #tpu.memory_space<hbm>>) dst(%arg15 : memref<128xi32, #tpu.memory_space<vmem>>)
        %dma_wait3A_242 = arith.constant 0 : i32
        %dma_wait3A_243 = tpu.memref_slice %arg2[%dma_wait3A_242] : memref<800000xi32, #tpu.memory_space<hbm>> -> memref<128xi32, #tpu.memory_space<hbm>>
        %dma_wait3A_244 = arith.constant 0 : i32
        %dma_wait3A_245 = tpu.memref_slice %arg2[%dma_wait3A_244] : memref<800000xi32, #tpu.memory_space<hbm>> -> memref<128xi32, #tpu.memory_space<hbm>>
        tpu.wait_dma2 semaphore(%arg40 : memref<!tpu.dma_semaphore, #tpu.memory_space<semaphore_mem>>) src(%dma_wait3A_245 : memref<128xi32, #tpu.memory_space<hbm>>) dst(%arg16 : memref<128xi32, #tpu.memory_space<vmem>>)
        %dma_wait3A_246 = arith.constant 0 : i32
        %dma_wait3A_247 = tpu.memref_slice %arg2[%dma_wait3A_246] : memref<800000xi32, #tpu.memory_space<hbm>> -> memref<128xi32, #tpu.memory_space<hbm>>
        %dma_wait3A_248 = arith.constant 0 : i32
        %dma_wait3A_249 = tpu.memref_slice %arg2[%dma_wait3A_248] : memref<800000xi32, #tpu.memory_space<hbm>> -> memref<128xi32, #tpu.memory_space<hbm>>
        tpu.wait_dma2 semaphore(%arg40 : memref<!tpu.dma_semaphore, #tpu.memory_space<semaphore_mem>>) src(%dma_wait3A_249 : memref<128xi32, #tpu.memory_space<hbm>>) dst(%arg17 : memref<128xi32, #tpu.memory_space<vmem>>)
        %dma_wait3A_250 = arith.constant 0 : i32
        %dma_wait3A_251 = tpu.memref_slice %arg2[%dma_wait3A_250] : memref<800000xi32, #tpu.memory_space<hbm>> -> memref<128xi32, #tpu.memory_space<hbm>>
        %dma_wait3A_252 = arith.constant 0 : i32
        %dma_wait3A_253 = tpu.memref_slice %arg2[%dma_wait3A_252] : memref<800000xi32, #tpu.memory_space<hbm>> -> memref<128xi32, #tpu.memory_space<hbm>>
        tpu.wait_dma2 semaphore(%arg40 : memref<!tpu.dma_semaphore, #tpu.memory_space<semaphore_mem>>) src(%dma_wait3A_253 : memref<128xi32, #tpu.memory_space<hbm>>) dst(%arg18 : memref<128xi32, #tpu.memory_space<vmem>>)
        %get3A = arith.constant 0 : index
        %get3A_254 = tpu.vector_load %arg13[%get3A] {strides = array<i32>} : memref<128xi32, #tpu.memory_space<vmem>>, vector<16xi32>,
        %get3A_255 = vector.shape_cast %get3A_254 : vector<16xi32> to vector<16xi32>
        %mul3A_256 = arith.constant 12 : i32
        %mul3A_257 = vector.broadcast %mul3A_256 : i32 to vector<16xi32>
        %mul3A_258 = arith.muli %get3A_255, %mul3A_257 : vector<16xi32>
        %get3A_259 = arith.constant 0 : index
        %get3A_260 = tpu.vector_load %arg14[%get3A_259] {strides = array<i32>} : memref<128xi32, #tpu.memory_space<vmem>>, vector<16xi32>,
        %get3A_261 = vector.shape_cast %get3A_260 : vector<16xi32> to vector<16xi32>
        %mul3A_262 = arith.constant 2 : i32
        %mul3A_263 = vector.broadcast %mul3A_262 : i32 to vector<16xi32>
        %mul3A_264 = arith.muli %get3A_261, %mul3A_263 : vector<16xi32>
        %add3A_265 = arith.addi %mul3A_258, %mul3A_264 : vector<16xi32>
        %get3A_266 = arith.constant 0 : index
        %get3A_267 = tpu.vector_load %arg15[%get3A_266] {strides = array<i32>} : memref<128xi32, #tpu.memory_space<vmem>>, vector<16xi32>,
        %get3A_268 = vector.shape_cast %get3A_267 : vector<16xi32> to vector<16xi32>
        %add3A_269 = arith.addi %add3A_265, %get3A_268 : vector<16xi32>
        %get3A_270 = arith.constant 0 : index
        %get3A_271 = tpu.vector_load %arg16[%get3A_270] {strides = array<i32>} : memref<128xi32, #tpu.memory_space<vmem>>, vector<16xi32>,
        %get3A_272 = vector.shape_cast %get3A_271 : vector<16xi32> to vector<16xi32>
        %mul3A_273 = arith.constant 12 : i32
        %mul3A_274 = vector.broadcast %mul3A_273 : i32 to vector<16xi32>
        %mul3A_275 = arith.muli %get3A_272, %mul3A_274 : vector<16xi32>
        %get3A_276 = arith.constant 0 : index
        %get3A_277 = tpu.vector_load %arg17[%get3A_276] {strides = array<i32>} : memref<128xi32, #tpu.memory_space<vmem>>, vector<16xi32>,
        %get3A_278 = vector.shape_cast %get3A_277 : vector<16xi32> to vector<16xi32>
        %mul3A_279 = arith.constant 2 : i32
        %mul3A_280 = vector.broadcast %mul3A_279 : i32 to vector<16xi32>
        %mul3A_281 = arith.muli %get3A_278, %mul3A_280 : vector<16xi32>
        %add3A_282 = arith.addi %mul3A_275, %mul3A_281 : vector<16xi32>
        %get3A_283 = arith.constant 0 : index
        %get3A_284 = tpu.vector_load %arg18[%get3A_283] {strides = array<i32>} : memref<128xi32, #tpu.memory_space<vmem>>, vector<16xi32>,
        %get3A_285 = vector.shape_cast %get3A_284 : vector<16xi32> to vector<16xi32>
        %add3A_286 = arith.addi %add3A_282, %get3A_285 : vector<16xi32>
        %mul3A_287 = arith.constant 60 : i32
        %mul3A_288 = vector.broadcast %mul3A_287 : i32 to vector<16xi32>
        %mul3A_289 = arith.muli %add3A_269, %mul3A_288 : vector<16xi32>
        %add3A_290 = arith.addi %mul3A_289, %add3A_286 : vector<16xi32>
        %swap3A = arith.constant 0 : index
        %swap3A_291 = tpu.vector_load %arg32[%swap3A] {strides = array<i32>} : memref<128xi32, #tpu.memory_space<vmem>>, vector<16xi32>,
        %swap3A_292 = vector.shape_cast %swap3A_291 : vector<16xi32> to vector<16xi32>
        %swap3A_293 = vector.shape_cast %add3A_290 : vector<16xi32> to vector<16xi32>
        tpu.vector_store %arg32[%swap3A], %swap3A_293 {strides = array<i32>} : memref<128xi32, #tpu.memory_space<vmem>>, vector<16xi32>,
        %get3A_294 = arith.constant 16 : index
        %get3A_295 = tpu.vector_load %arg13[%get3A_294] {strides = array<i32>} : memref<128xi32, #tpu.memory_space<vmem>>, vector<16xi32>,
        %get3A_296 = vector.shape_cast %get3A_295 : vector<16xi32> to vector<16xi32>
        %mul3A_297 = arith.constant 12 : i32
        %mul3A_298 = vector.broadcast %mul3A_297 : i32 to vector<16xi32>
        %mul3A_299 = arith.muli %get3A_296, %mul3A_298 : vector<16xi32>
        %get3A_300 = arith.constant 16 : index
        %get3A_301 = tpu.vector_load %arg14[%get3A_300] {strides = array<i32>} : memref<128xi32, #tpu.memory_space<vmem>>, vector<16xi32>,
        %get3A_302 = vector.shape_cast %get3A_301 : vector<16xi32> to vector<16xi32>
        %mul3A_303 = arith.constant 2 : i32
        %mul3A_304 = vector.broadcast %mul3A_303 : i32 to vector<16xi32>
        %mul3A_305 = arith.muli %get3A_302, %mul3A_304 : vector<16xi32>
        %add3A_306 = arith.addi %mul3A_299, %mul3A_305 : vector<16xi32>
        %get3A_307 = arith.constant 16 : index
        %get3A_308 = tpu.vector_load %arg15[%get3A_307] {strides = array<i32>} : memref<128xi32, #tpu.memory_space<vmem>>, vector<16xi32>,
        %get3A_309 = vector.shape_cast %get3A_308 : vector<16xi32> to vector<16xi32>
        %add3A_310 = arith.addi %add3A_306, %get3A_309 : vector<16xi32>
        %get3A_311 = arith.constant 16 : index
        %get3A_312 = tpu.vector_load %arg16[%get3A_311] {strides = array<i32>} : memref<128xi32, #tpu.memory_space<vmem>>, vector<16xi32>,
        %get3A_313 = vector.shape_cast %get3A_312 : vector<16xi32> to vector<16xi32>
        %mul3A_314 = arith.constant 12 : i32
        %mul3A_315 = vector.broadcast %mul3A_314 : i32 to vector<16xi32>
        %mul3A_316 = arith.muli %get3A_313, %mul3A_315 : vector<16xi32>
        %get3A_317 = arith.constant 16 : index
        %get3A_318 = tpu.vector_load %arg17[%get3A_317] {strides = array<i32>} : memref<128xi32, #tpu.memory_space<vmem>>, vector<16xi32>,
        %get3A_319 = vector.shape_cast %get3A_318 : vector<16xi32> to vector<16xi32>
        %mul3A_320 = arith.constant 2 : i32
        %mul3A_321 = vector.broadcast %mul3A_320 : i32 to vector<16xi32>
        %mul3A_322 = arith.muli %get3A_319, %mul3A_321 : vector<16xi32>
        %add3A_323 = arith.addi %mul3A_316, %mul3A_322 : vector<16xi32>
        %get3A_324 = arith.constant 16 : index
        %get3A_325 = tpu.vector_load %arg18[%get3A_324] {strides = array<i32>} : memref<128xi32, #tpu.memory_space<vmem>>, vector<16xi32>,
        %get3A_326 = vector.shape_cast %get3A_325 : vector<16xi32> to vector<16xi32>
        %add3A_327 = arith.addi %add3A_323, %get3A_326 : vector<16xi32>
        %mul3A_328 = arith.constant 60 : i32
        %mul3A_329 = vector.broadcast %mul3A_328 : i32 to vector<16xi32>
        %mul3A_330 = arith.muli %add3A_310, %mul3A_329 : vector<16xi32>
        %add3A_331 = arith.addi %mul3A_330, %add3A_327 : vector<16xi32>
        %swap3A_332 = arith.constant 16 : index
        %swap3A_333 = tpu.vector_load %arg32[%swap3A_332] {strides = array<i32>} : memref<128xi32, #tpu.memory_space<vmem>>, vector<16xi32>,
        %swap3A_334 = vector.shape_cast %swap3A_333 : vector<16xi32> to vector<16xi32>
        %swap3A_335 = vector.shape_cast %add3A_331 : vector<16xi32> to vector<16xi32>
        tpu.vector_store %arg32[%swap3A_332], %swap3A_335 {strides = array<i32>} : memref<128xi32, #tpu.memory_space<vmem>>, vector<16xi32>,
        %get3A_336 = arith.constant 32 : index
        %get3A_337 = tpu.vector_load %arg13[%get3A_336] {strides = array<i32>} : memref<128xi32, #tpu.memory_space<vmem>>, vector<16xi32>,
        %get3A_338 = vector.shape_cast %get3A_337 : vector<16xi32> to vector<16xi32>
        %mul3A_339 = arith.constant 12 : i32
        %mul3A_340 = vector.broadcast %mul3A_339 : i32 to vector<16xi32>
        %mul3A_341 = arith.muli %get3A_338, %mul3A_340 : vector<16xi32>
        %get3A_342 = arith.constant 32 : index
        %get3A_343 = tpu.vector_load %arg14[%get3A_342] {strides = array<i32>} : memref<128xi32, #tpu.memory_space<vmem>>, vector<16xi32>,
        %get3A_344 = vector.shape_cast %get3A_343 : vector<16xi32> to vector<16xi32>
        %mul3A_345 = arith.constant 2 : i32
        %mul3A_346 = vector.broadcast %mul3A_345 : i32 to vector<16xi32>
        %mul3A_347 = arith.muli %get3A_344, %mul3A_346 : vector<16xi32>
        %add3A_348 = arith.addi %mul3A_341, %mul3A_347 : vector<16xi32>
        %get3A_349 = arith.constant 32 : index
        %get3A_350 = tpu.vector_load %arg15[%get3A_349] {strides = array<i32>} : memref<128xi32, #tpu.memory_space<vmem>>, vector<16xi32>,
        %get3A_351 = vector.shape_cast %get3A_350 : vector<16xi32> to vector<16xi32>
        %add3A_352 = arith.addi %add3A_348, %get3A_351 : vector<16xi32>
        %get3A_353 = arith.constant 32 : index
        %get3A_354 = tpu.vector_load %arg16[%get3A_353] {strides = array<i32>} : memref<128xi32, #tpu.memory_space<vmem>>, vector<16xi32>,
        %get3A_355 = vector.shape_cast %get3A_354 : vector<16xi32> to vector<16xi32>
        %mul3A_356 = arith.constant 12 : i32
        %mul3A_357 = vector.broadcast %mul3A_356 : i32 to vector<16xi32>
        %mul3A_358 = arith.muli %get3A_355, %mul3A_357 : vector<16xi32>
        %get3A_359 = arith.constant 32 : index
        %get3A_360 = tpu.vector_load %arg17[%get3A_359] {strides = array<i32>} : memref<128xi32, #tpu.memory_space<vmem>>, vector<16xi32>,
        %get3A_361 = vector.shape_cast %get3A_360 : vector<16xi32> to vector<16xi32>
        %mul3A_362 = arith.constant 2 : i32
        %mul3A_363 = vector.broadcast %mul3A_362 : i32 to vector<16xi32>
        %mul3A_364 = arith.muli %get3A_361, %mul3A_363 : vector<16xi32>
        %add3A_365 = arith.addi %mul3A_358, %mul3A_364 : vector<16xi32>
        %get3A_366 = arith.constant 32 : index
        %get3A_367 = tpu.vector_load %arg18[%get3A_366] {strides = array<i32>} : memref<128xi32, #tpu.memory_space<vmem>>, vector<16xi32>,
        %get3A_368 = vector.shape_cast %get3A_367 : vector<16xi32> to vector<16xi32>
        %add3A_369 = arith.addi %add3A_365, %get3A_368 : vector<16xi32>
        %mul3A_370 = arith.constant 60 : i32
        %mul3A_371 = vector.broadcast %mul3A_370 : i32 to vector<16xi32>
        %mul3A_372 = arith.muli %add3A_352, %mul3A_371 : vector<16xi32>
        %add3A_373 = arith.addi %mul3A_372, %add3A_369 : vector<16xi32>
        %swap3A_374 = arith.constant 32 : index
        %swap3A_375 = tpu.vector_load %arg32[%swap3A_374] {strides = array<i32>} : memref<128xi32, #tpu.memory_space<vmem>>, vector<16xi32>,
        %swap3A_376 = vector.shape_cast %swap3A_375 : vector<16xi32> to vector<16xi32>
        %swap3A_377 = vector.shape_cast %add3A_373 : vector<16xi32> to vector<16xi32>
        tpu.vector_store %arg32[%swap3A_374], %swap3A_377 {strides = array<i32>} : memref<128xi32, #tpu.memory_space<vmem>>, vector<16xi32>,
        %get3A_378 = arith.constant 48 : index
        %get3A_379 = tpu.vector_load %arg13[%get3A_378] {strides = array<i32>} : memref<128xi32, #tpu.memory_space<vmem>>, vector<16xi32>,
        %get3A_380 = vector.shape_cast %get3A_379 : vector<16xi32> to vector<16xi32>
        %mul3A_381 = arith.constant 12 : i32
        %mul3A_382 = vector.broadcast %mul3A_381 : i32 to vector<16xi32>
        %mul3A_383 = arith.muli %get3A_380, %mul3A_382 : vector<16xi32>
        %get3A_384 = arith.constant 48 : index
        %get3A_385 = tpu.vector_load %arg14[%get3A_384] {strides = array<i32>} : memref<128xi32, #tpu.memory_space<vmem>>, vector<16xi32>,
        %get3A_386 = vector.shape_cast %get3A_385 : vector<16xi32> to vector<16xi32>
        %mul3A_387 = arith.constant 2 : i32
        %mul3A_388 = vector.broadcast %mul3A_387 : i32 to vector<16xi32>
        %mul3A_389 = arith.muli %get3A_386, %mul3A_388 : vector<16xi32>
        %add3A_390 = arith.addi %mul3A_383, %mul3A_389 : vector<16xi32>
        %get3A_391 = arith.constant 48 : index
        %get3A_392 = tpu.vector_load %arg15[%get3A_391] {strides = array<i32>} : memref<128xi32, #tpu.memory_space<vmem>>, vector<16xi32>,
        %get3A_393 = vector.shape_cast %get3A_392 : vector<16xi32> to vector<16xi32>
        %add3A_394 = arith.addi %add3A_390, %get3A_393 : vector<16xi32>
        %get3A_395 = arith.constant 48 : index
        %get3A_396 = tpu.vector_load %arg16[%get3A_395] {strides = array<i32>} : memref<128xi32, #tpu.memory_space<vmem>>, vector<16xi32>,
        %get3A_397 = vector.shape_cast %get3A_396 : vector<16xi32> to vector<16xi32>
        %mul3A_398 = arith.constant 12 : i32
        %mul3A_399 = vector.broadcast %mul3A_398 : i32 to vector<16xi32>
        %mul3A_400 = arith.muli %get3A_397, %mul3A_399 : vector<16xi32>
        %get3A_401 = arith.constant 48 : index
        %get3A_402 = tpu.vector_load %arg17[%get3A_401] {strides = array<i32>} : memref<128xi32, #tpu.memory_space<vmem>>, vector<16xi32>,
        %get3A_403 = vector.shape_cast %get3A_402 : vector<16xi32> to vector<16xi32>
        %mul3A_404 = arith.constant 2 : i32
        %mul3A_405 = vector.broadcast %mul3A_404 : i32 to vector<16xi32>
        %mul3A_406 = arith.muli %get3A_403, %mul3A_405 : vector<16xi32>
        %add3A_407 = arith.addi %mul3A_400, %mul3A_406 : vector<16xi32>
        %get3A_408 = arith.constant 48 : index
        %get3A_409 = tpu.vector_load %arg18[%get3A_408] {strides = array<i32>} : memref<128xi32, #tpu.memory_space<vmem>>, vector<16xi32>,
        %get3A_410 = vector.shape_cast %get3A_409 : vector<16xi32> to vector<16xi32>
        %add3A_411 = arith.addi %add3A_407, %get3A_410 : vector<16xi32>
        %mul3A_412 = arith.constant 60 : i32
        %mul3A_413 = vector.broadcast %mul3A_412 : i32 to vector<16xi32>
        %mul3A_414 = arith.muli %add3A_394, %mul3A_413 : vector<16xi32>
        %add3A_415 = arith.addi %mul3A_414, %add3A_411 : vector<16xi32>
        %swap3A_416 = arith.constant 48 : index
        %swap3A_417 = tpu.vector_load %arg32[%swap3A_416] {strides = array<i32>} : memref<128xi32, #tpu.memory_space<vmem>>, vector<16xi32>,
        %swap3A_418 = vector.shape_cast %swap3A_417 : vector<16xi32> to vector<16xi32>
        %swap3A_419 = vector.shape_cast %add3A_415 : vector<16xi32> to vector<16xi32>
        tpu.vector_store %arg32[%swap3A_416], %swap3A_419 {strides = array<i32>} : memref<128xi32, #tpu.memory_space<vmem>>, vector<16xi32>,
        %get3A_420 = arith.constant 64 : index
        %get3A_421 = tpu.vector_load %arg13[%get3A_420] {strides = array<i32>} : memref<128xi32, #tpu.memory_space<vmem>>, vector<16xi32>,
        %get3A_422 = vector.shape_cast %get3A_421 : vector<16xi32> to vector<16xi32>
        %mul3A_423 = arith.constant 12 : i32
        %mul3A_424 = vector.broadcast %mul3A_423 : i32 to vector<16xi32>
        %mul3A_425 = arith.muli %get3A_422, %mul3A_424 : vector<16xi32>
        %get3A_426 = arith.constant 64 : index
        %get3A_427 = tpu.vector_load %arg14[%get3A_426] {strides = array<i32>} : memref<128xi32, #tpu.memory_space<vmem>>, vector<16xi32>,
        %get3A_428 = vector.shape_cast %get3A_427 : vector<16xi32> to vector<16xi32>
        %mul3A_429 = arith.constant 2 : i32
        %mul3A_430 = vector.broadcast %mul3A_429 : i32 to vector<16xi32>
        %mul3A_431 = arith.muli %get3A_428, %mul3A_430 : vector<16xi32>
        %add3A_432 = arith.addi %mul3A_425, %mul3A_431 : vector<16xi32>
        %get3A_433 = arith.constant 64 : index
        %get3A_434 = tpu.vector_load %arg15[%get3A_433] {strides = array<i32>} : memref<128xi32, #tpu.memory_space<vmem>>, vector<16xi32>,
        %get3A_435 = vector.shape_cast %get3A_434 : vector<16xi32> to vector<16xi32>
        %add3A_436 = arith.addi %add3A_432, %get3A_435 : vector<16xi32>
        %get3A_437 = arith.constant 64 : index
        %get3A_438 = tpu.vector_load %arg16[%get3A_437] {strides = array<i32>} : memref<128xi32, #tpu.memory_space<vmem>>, vector<16xi32>,
        %get3A_439 = vector.shape_cast %get3A_438 : vector<16xi32> to vector<16xi32>
        %mul3A_440 = arith.constant 12 : i32
        %mul3A_441 = vector.broadcast %mul3A_440 : i32 to vector<16xi32>
        %mul3A_442 = arith.muli %get3A_439, %mul3A_441 : vector<16xi32>
        %get3A_443 = arith.constant 64 : index
        %get3A_444 = tpu.vector_load %arg17[%get3A_443] {strides = array<i32>} : memref<128xi32, #tpu.memory_space<vmem>>, vector<16xi32>,
        %get3A_445 = vector.shape_cast %get3A_444 : vector<16xi32> to vector<16xi32>
        %mul3A_446 = arith.constant 2 : i32
        %mul3A_447 = vector.broadcast %mul3A_446 : i32 to vector<16xi32>
        %mul3A_448 = arith.muli %get3A_445, %mul3A_447 : vector<16xi32>
        %add3A_449 = arith.addi %mul3A_442, %mul3A_448 : vector<16xi32>
        %get3A_450 = arith.constant 64 : index
        %get3A_451 = tpu.vector_load %arg18[%get3A_450] {strides = array<i32>} : memref<128xi32, #tpu.memory_space<vmem>>, vector<16xi32>,
        %get3A_452 = vector.shape_cast %get3A_451 : vector<16xi32> to vector<16xi32>
        %add3A_453 = arith.addi %add3A_449, %get3A_452 : vector<16xi32>
        %mul3A_454 = arith.constant 60 : i32
        %mul3A_455 = vector.broadcast %mul3A_454 : i32 to vector<16xi32>
        %mul3A_456 = arith.muli %add3A_436, %mul3A_455 : vector<16xi32>
        %add3A_457 = arith.addi %mul3A_456, %add3A_453 : vector<16xi32>
        %swap3A_458 = arith.constant 64 : index
        %swap3A_459 = tpu.vector_load %arg32[%swap3A_458] {strides = array<i32>} : memref<128xi32, #tpu.memory_space<vmem>>, vector<16xi32>,
        %swap3A_460 = vector.shape_cast %swap3A_459 : vector<16xi32> to vector<16xi32>
        %swap3A_461 = vector.shape_cast %add3A_457 : vector<16xi32> to vector<16xi32>
        tpu.vector_store %arg32[%swap3A_458], %swap3A_461 {strides = array<i32>} : memref<128xi32, #tpu.memory_space<vmem>>, vector<16xi32>,
        %get3A_462 = arith.constant 80 : index
        %get3A_463 = tpu.vector_load %arg13[%get3A_462] {strides = array<i32>} : memref<128xi32, #tpu.memory_space<vmem>>, vector<16xi32>,
        %get3A_464 = vector.shape_cast %get3A_463 : vector<16xi32> to vector<16xi32>
        %mul3A_465 = arith.constant 12 : i32
        %mul3A_466 = vector.broadcast %mul3A_465 : i32 to vector<16xi32>
        %mul3A_467 = arith.muli %get3A_464, %mul3A_466 : vector<16xi32>
        %get3A_468 = arith.constant 80 : index
        %get3A_469 = tpu.vector_load %arg14[%get3A_468] {strides = array<i32>} : memref<128xi32, #tpu.memory_space<vmem>>, vector<16xi32>,
        %get3A_470 = vector.shape_cast %get3A_469 : vector<16xi32> to vector<16xi32>
        %mul3A_471 = arith.constant 2 : i32
        %mul3A_472 = vector.broadcast %mul3A_471 : i32 to vector<16xi32>
        %mul3A_473 = arith.muli %get3A_470, %mul3A_472 : vector<16xi32>
        %add3A_474 = arith.addi %mul3A_467, %mul3A_473 : vector<16xi32>
        %get3A_475 = arith.constant 80 : index
        %get3A_476 = tpu.vector_load %arg15[%get3A_475] {strides = array<i32>} : memref<128xi32, #tpu.memory_space<vmem>>, vector<16xi32>,
        %get3A_477 = vector.shape_cast %get3A_476 : vector<16xi32> to vector<16xi32>
        %add3A_478 = arith.addi %add3A_474, %get3A_477 : vector<16xi32>
        %get3A_479 = arith.constant 80 : index
        %get3A_480 = tpu.vector_load %arg16[%get3A_479] {strides = array<i32>} : memref<128xi32, #tpu.memory_space<vmem>>, vector<16xi32>,
        %get3A_481 = vector.shape_cast %get3A_480 : vector<16xi32> to vector<16xi32>
        %mul3A_482 = arith.constant 12 : i32
        %mul3A_483 = vector.broadcast %mul3A_482 : i32 to vector<16xi32>
        %mul3A_484 = arith.muli %get3A_481, %mul3A_483 : vector<16xi32>
        %get3A_485 = arith.constant 80 : index
        %get3A_486 = tpu.vector_load %arg17[%get3A_485] {strides = array<i32>} : memref<128xi32, #tpu.memory_space<vmem>>, vector<16xi32>,
        %get3A_487 = vector.shape_cast %get3A_486 : vector<16xi32> to vector<16xi32>
        %mul3A_488 = arith.constant 2 : i32
        %mul3A_489 = vector.broadcast %mul3A_488 : i32 to vector<16xi32>
        %mul3A_490 = arith.muli %get3A_487, %mul3A_489 : vector<16xi32>
        %add3A_491 = arith.addi %mul3A_484, %mul3A_490 : vector<16xi32>
        %get3A_492 = arith.constant 80 : index
        %get3A_493 = tpu.vector_load %arg18[%get3A_492] {strides = array<i32>} : memref<128xi32, #tpu.memory_space<vmem>>, vector<16xi32>,
        %get3A_494 = vector.shape_cast %get3A_493 : vector<16xi32> to vector<16xi32>
        %add3A_495 = arith.addi %add3A_491, %get3A_494 : vector<16xi32>
        %mul3A_496 = arith.constant 60 : i32
        %mul3A_497 = vector.broadcast %mul3A_496 : i32 to vector<16xi32>
        %mul3A_498 = arith.muli %add3A_478, %mul3A_497 : vector<16xi32>
        %add3A_499 = arith.addi %mul3A_498, %add3A_495 : vector<16xi32>
        %swap3A_500 = arith.constant 80 : index
        %swap3A_501 = tpu.vector_load %arg32[%swap3A_500] {strides = array<i32>} : memref<128xi32, #tpu.memory_space<vmem>>, vector<16xi32>,
        %swap3A_502 = vector.shape_cast %swap3A_501 : vector<16xi32> to vector<16xi32>
        %swap3A_503 = vector.shape_cast %add3A_499 : vector<16xi32> to vector<16xi32>
        tpu.vector_store %arg32[%swap3A_500], %swap3A_503 {strides = array<i32>} : memref<128xi32, #tpu.memory_space<vmem>>, vector<16xi32>,
        %get3A_504 = arith.constant 96 : index
        %get3A_505 = tpu.vector_load %arg13[%get3A_504] {strides = array<i32>} : memref<128xi32, #tpu.memory_space<vmem>>, vector<16xi32>,
        %get3A_506 = vector.shape_cast %get3A_505 : vector<16xi32> to vector<16xi32>
        %mul3A_507 = arith.constant 12 : i32
        %mul3A_508 = vector.broadcast %mul3A_507 : i32 to vector<16xi32>
        %mul3A_509 = arith.muli %get3A_506, %mul3A_508 : vector<16xi32>
        %get3A_510 = arith.constant 96 : index
        %get3A_511 = tpu.vector_load %arg14[%get3A_510] {strides = array<i32>} : memref<128xi32, #tpu.memory_space<vmem>>, vector<16xi32>,
        %get3A_512 = vector.shape_cast %get3A_511 : vector<16xi32> to vector<16xi32>
        %mul3A_513 = arith.constant 2 : i32
        %mul3A_514 = vector.broadcast %mul3A_513 : i32 to vector<16xi32>
        %mul3A_515 = arith.muli %get3A_512, %mul3A_514 : vector<16xi32>
        %add3A_516 = arith.addi %mul3A_509, %mul3A_515 : vector<16xi32>
        %get3A_517 = arith.constant 96 : index
        %get3A_518 = tpu.vector_load %arg15[%get3A_517] {strides = array<i32>} : memref<128xi32, #tpu.memory_space<vmem>>, vector<16xi32>,
        %get3A_519 = vector.shape_cast %get3A_518 : vector<16xi32> to vector<16xi32>
        %add3A_520 = arith.addi %add3A_516, %get3A_519 : vector<16xi32>
        %get3A_521 = arith.constant 96 : index
        %get3A_522 = tpu.vector_load %arg16[%get3A_521] {strides = array<i32>} : memref<128xi32, #tpu.memory_space<vmem>>, vector<16xi32>,
        %get3A_523 = vector.shape_cast %get3A_522 : vector<16xi32> to vector<16xi32>
        %mul3A_524 = arith.constant 12 : i32
        %mul3A_525 = vector.broadcast %mul3A_524 : i32 to vector<16xi32>
        %mul3A_526 = arith.muli %get3A_523, %mul3A_525 : vector<16xi32>
        %get3A_527 = arith.constant 96 : index
        %get3A_528 = tpu.vector_load %arg17[%get3A_527] {strides = array<i32>} : memref<128xi32, #tpu.memory_space<vmem>>, vector<16xi32>,
        %get3A_529 = vector.shape_cast %get3A_528 : vector<16xi32> to vector<16xi32>
        %mul3A_530 = arith.constant 2 : i32
        %mul3A_531 = vector.broadcast %mul3A_530 : i32 to vector<16xi32>
        %mul3A_532 = arith.muli %get3A_529, %mul3A_531 : vector<16xi32>
        %add3A_533 = arith.addi %mul3A_526, %mul3A_532 : vector<16xi32>
        %get3A_534 = arith.constant 96 : index
        %get3A_535 = tpu.vector_load %arg18[%get3A_534] {strides = array<i32>} : memref<128xi32, #tpu.memory_space<vmem>>, vector<16xi32>,
        %get3A_536 = vector.shape_cast %get3A_535 : vector<16xi32> to vector<16xi32>
        %add3A_537 = arith.addi %add3A_533, %get3A_536 : vector<16xi32>
        %mul3A_538 = arith.constant 60 : i32
        %mul3A_539 = vector.broadcast %mul3A_538 : i32 to vector<16xi32>
        %mul3A_540 = arith.muli %add3A_520, %mul3A_539 : vector<16xi32>
        %add3A_541 = arith.addi %mul3A_540, %add3A_537 : vector<16xi32>
        %swap3A_542 = arith.constant 96 : index
        %swap3A_543 = tpu.vector_load %arg32[%swap3A_542] {strides = array<i32>} : memref<128xi32, #tpu.memory_space<vmem>>, vector<16xi32>,
        %swap3A_544 = vector.shape_cast %swap3A_543 : vector<16xi32> to vector<16xi32>
        %swap3A_545 = vector.shape_cast %add3A_541 : vector<16xi32> to vector<16xi32>
        tpu.vector_store %arg32[%swap3A_542], %swap3A_545 {strides = array<i32>} : memref<128xi32, #tpu.memory_space<vmem>>, vector<16xi32>,
        %get3A_546 = arith.constant 112 : index
        %get3A_547 = tpu.vector_load %arg13[%get3A_546] {strides = array<i32>} : memref<128xi32, #tpu.memory_space<vmem>>, vector<16xi32>,
        %get3A_548 = vector.shape_cast %get3A_547 : vector<16xi32> to vector<16xi32>
        %mul3A_549 = arith.constant 12 : i32
        %mul3A_550 = vector.broadcast %mul3A_549 : i32 to vector<16xi32>
        %mul3A_551 = arith.muli %get3A_548, %mul3A_550 : vector<16xi32>
        %get3A_552 = arith.constant 112 : index
        %get3A_553 = tpu.vector_load %arg14[%get3A_552] {strides = array<i32>} : memref<128xi32, #tpu.memory_space<vmem>>, vector<16xi32>,
        %get3A_554 = vector.shape_cast %get3A_553 : vector<16xi32> to vector<16xi32>
        %mul3A_555 = arith.constant 2 : i32
        %mul3A_556 = vector.broadcast %mul3A_555 : i32 to vector<16xi32>
        %mul3A_557 = arith.muli %get3A_554, %mul3A_556 : vector<16xi32>
        %add3A_558 = arith.addi %mul3A_551, %mul3A_557 : vector<16xi32>
        %get3A_559 = arith.constant 112 : index
        %get3A_560 = tpu.vector_load %arg15[%get3A_559] {strides = array<i32>} : memref<128xi32, #tpu.memory_space<vmem>>, vector<16xi32>,
        %get3A_561 = vector.shape_cast %get3A_560 : vector<16xi32> to vector<16xi32>
        %add3A_562 = arith.addi %add3A_558, %get3A_561 : vector<16xi32>
        %get3A_563 = arith.constant 112 : index
        %get3A_564 = tpu.vector_load %arg16[%get3A_563] {strides = array<i32>} : memref<128xi32, #tpu.memory_space<vmem>>, vector<16xi32>,
        %get3A_565 = vector.shape_cast %get3A_564 : vector<16xi32> to vector<16xi32>
        %mul3A_566 = arith.constant 12 : i32
        %mul3A_567 = vector.broadcast %mul3A_566 : i32 to vector<16xi32>
        %mul3A_568 = arith.muli %get3A_565, %mul3A_567 : vector<16xi32>
        %get3A_569 = arith.constant 112 : index
        %get3A_570 = tpu.vector_load %arg17[%get3A_569] {strides = array<i32>} : memref<128xi32, #tpu.memory_space<vmem>>, vector<16xi32>,
        %get3A_571 = vector.shape_cast %get3A_570 : vector<16xi32> to vector<16xi32>
        %mul3A_572 = arith.constant 2 : i32
        %mul3A_573 = vector.broadcast %mul3A_572 : i32 to vector<16xi32>
        %mul3A_574 = arith.muli %get3A_571, %mul3A_573 : vector<16xi32>
        %add3A_575 = arith.addi %mul3A_568, %mul3A_574 : vector<16xi32>
        %get3A_576 = arith.constant 112 : index
        %get3A_577 = tpu.vector_load %arg18[%get3A_576] {strides = array<i32>} : memref<128xi32, #tpu.memory_space<vmem>>, vector<16xi32>,
        %get3A_578 = vector.shape_cast %get3A_577 : vector<16xi32> to vector<16xi32>
        %add3A_579 = arith.addi %add3A_575, %get3A_578 : vector<16xi32>
        %mul3A_580 = arith.constant 60 : i32
        %mul3A_581 = vector.broadcast %mul3A_580 : i32 to vector<16xi32>
        %mul3A_582 = arith.muli %add3A_562, %mul3A_581 : vector<16xi32>
        %add3A_583 = arith.addi %mul3A_582, %add3A_579 : vector<16xi32>
        %swap3A_584 = arith.constant 112 : index
        %swap3A_585 = tpu.vector_load %arg32[%swap3A_584] {strides = array<i32>} : memref<128xi32, #tpu.memory_space<vmem>>, vector<16xi32>,
        %swap3A_586 = vector.shape_cast %swap3A_585 : vector<16xi32> to vector<16xi32>
        %swap3A_587 = vector.shape_cast %add3A_583 : vector<16xi32> to vector<16xi32>
        tpu.vector_store %arg32[%swap3A_584], %swap3A_587 {strides = array<i32>} : memref<128xi32, #tpu.memory_space<vmem>>, vector<16xi32>,
        %ge3A_588 = arith.constant 4 : i32
        %ge3A_589 = arith.cmpi sge, %add3A_150, %ge3A_588 : i32
        %convert_element_type3A_590 = arith.extui %ge3A_589 : i1 to i32
        %cond3A_591 = arith.constant 0 : i32
        %cond3A_592 = arith.cmpi ne, %convert_element_type3A_590, %cond3A_591 : i32
        scf.if %cond3A_592 {
          %dma_wait3A_616 = arith.constant 0 : i32
          %dma_wait3A_617 = arith.constant 0 : i32
          %dma_wait3A_618 = tpu.memref_slice %arg6[%dma_wait3A_616, %dma_wait3A_617] : memref<400000x128xf32, #tpu.memory_space<hbm>> -> memref<128x128xf32, #tpu.memory_space<hbm>>
          %dma_wait3A_619 = arith.constant 0 : i32
          %dma_wait3A_620 = arith.constant 0 : i32
          %dma_wait3A_621 = tpu.memref_slice %arg6[%dma_wait3A_619, %dma_wait3A_620] : memref<400000x128xf32, #tpu.memory_space<hbm>> -> memref<128x128xf32, #tpu.memory_space<hbm>>
          tpu.wait_dma2 semaphore(%arg48 : memref<!tpu.dma_semaphore, #tpu.memory_space<semaphore_mem>>) src(%arg36 : memref<128x128xf32, #tpu.memory_space<vmem>>) dst(%dma_wait3A_621 : memref<128x128xf32, #tpu.memory_space<hbm>>)
        } else {
        }
        %dma_start3A_593 = arith.constant 0 : i32
        %dma_start3A_594 = arith.constant 0 : i32
        %dma_start3A_595 = tpu.memref_slice %arg36[%dma_start3A_593, %dma_start3A_594] : memref<128x128xf32, #tpu.memory_space<vmem>> -> memref<128x128xf32, #tpu.memory_space<vmem>>
        %dma_start3A_596 = arith.constant 0 : i32
        %dma_start3A_597 = tpu.memref_slice %arg32[%dma_start3A_596] : memref<128xi32, #tpu.memory_space<vmem>> -> memref<128xi32, #tpu.memory_space<vmem>>
        %dma_start3A_598 = arith.constant 0 : i32
        %dma_start3A_599 = arith.constant 0 : i32
        %dma_start3A_600 = tpu.memref_slice %arg5[%dma_start3A_598, %dma_start3A_599] : memref<3600x128xf32, #tpu.memory_space<hbm>> -> memref<3600x128xf32, #tpu.memory_space<hbm>>
        tpu.enqueue_indirect_dma source(%dma_start3A_600 : memref<3600x128xf32, #tpu.memory_space<hbm>>) target(%dma_start3A_595 : memref<128x128xf32, #tpu.memory_space<vmem>>) offsets(%dma_start3A_597 : memref<128xi32, #tpu.memory_space<vmem>>) semaphore(%arg44 : memref<!tpu.dma_semaphore, #tpu.memory_space<semaphore_mem>>)
        %add3A_601 = arith.constant 4 : i32
        %add3A_602 = arith.addi %add3A_150, %add3A_601 : i32
        %lt3A_603 = arith.constant 98 : i32
        %lt3A_604 = arith.cmpi slt, %add3A_602, %lt3A_603 : i32
        %add3A_605 = arith.constant 4 : i32
        %add3A_606 = arith.addi %add3A_150, %add3A_605 : i32
        %mul3A_607 = arith.constant 32 : i32
        %mul3A_608 = arith.muli %add3A_606, %mul3A_607 : i32
        %add3A_609 = arith.addi %add3A, %mul3A_608 : i32
        %lt3A_610 = arith.constant 3125 : i32
        %lt3A_611 = arith.cmpi slt, %add3A_609, %lt3A_610 : i32
        %and3A_612 = arith.andi %lt3A_604, %lt3A_611 : i1
        %convert_element_type3A_613 = arith.extui %and3A_612 : i1 to i32
        %cond3A_614 = arith.constant 0 : i32
        %cond3A_615 = arith.cmpi ne, %convert_element_type3A_613, %cond3A_614 : i32
        scf.if %cond3A_615 {
          %add3A_616 = arith.constant 4 : i32
          %add3A_617 = arith.addi %add3A_150, %add3A_616 : i32
          %mul3A_618 = arith.constant 32 : i32
          %mul3A_619 = arith.muli %add3A_617, %mul3A_618 : i32
          %add3A_620 = arith.addi %add3A, %mul3A_619 : i32
          %mul3A_621 = arith.constant 128 : i32
          %mul3A_622 = arith.muli %add3A_620, %mul3A_621 : i32
          %dma_start3A_623 = tpu.memref_slice %arg2[%mul3A_622] : memref<800000xi32, #tpu.memory_space<hbm>> -> memref<128xi32, #tpu.memory_space<hbm>>
          %dma_start3A_624 = tpu.memref_slice %arg2[%mul3A_622] : memref<800000xi32, #tpu.memory_space<hbm>> -> memref<128xi32, #tpu.memory_space<hbm>>
          tpu.enqueue_dma source(%dma_start3A_624 : memref<128xi32, #tpu.memory_space<hbm>>) target(%arg13 : memref<128xi32, #tpu.memory_space<vmem>>) target_semaphore(%arg40 : memref<!tpu.dma_semaphore, #tpu.memory_space<semaphore_mem>>)
          %add3A_625 = arith.constant 400000 : i32
          %add3A_626 = arith.addi %add3A_625, %mul3A_622 : i32
          %dma_start3A_627 = tpu.memref_slice %arg2[%add3A_626] : memref<800000xi32, #tpu.memory_space<hbm>> -> memref<128xi32, #tpu.memory_space<hbm>>
          %dma_start3A_628 = tpu.memref_slice %arg2[%add3A_626] : memref<800000xi32, #tpu.memory_space<hbm>> -> memref<128xi32, #tpu.memory_space<hbm>>
          tpu.enqueue_dma source(%dma_start3A_628 : memref<128xi32, #tpu.memory_space<hbm>>) target(%arg16 : memref<128xi32, #tpu.memory_space<vmem>>) target_semaphore(%arg40 : memref<!tpu.dma_semaphore, #tpu.memory_space<semaphore_mem>>)
          %dma_start3A_629 = tpu.memref_slice %arg3[%mul3A_622] : memref<800000xi32, #tpu.memory_space<hbm>> -> memref<128xi32, #tpu.memory_space<hbm>>
          %dma_start3A_630 = tpu.memref_slice %arg3[%mul3A_622] : memref<800000xi32, #tpu.memory_space<hbm>> -> memref<128xi32, #tpu.memory_space<hbm>>
          tpu.enqueue_dma source(%dma_start3A_630 : memref<128xi32, #tpu.memory_space<hbm>>) target(%arg14 : memref<128xi32, #tpu.memory_space<vmem>>) target_semaphore(%arg40 : memref<!tpu.dma_semaphore, #tpu.memory_space<semaphore_mem>>)
          %add3A_631 = arith.constant 400000 : i32
          %add3A_632 = arith.addi %add3A_631, %mul3A_622 : i32
          %dma_start3A_633 = tpu.memref_slice %arg3[%add3A_632] : memref<800000xi32, #tpu.memory_space<hbm>> -> memref<128xi32, #tpu.memory_space<hbm>>
          %dma_start3A_634 = tpu.memref_slice %arg3[%add3A_632] : memref<800000xi32, #tpu.memory_space<hbm>> -> memref<128xi32, #tpu.memory_space<hbm>>
          tpu.enqueue_dma source(%dma_start3A_634 : memref<128xi32, #tpu.memory_space<hbm>>) target(%arg17 : memref<128xi32, #tpu.memory_space<vmem>>) target_semaphore(%arg40 : memref<!tpu.dma_semaphore, #tpu.memory_space<semaphore_mem>>)
          %dma_start3A_635 = tpu.memref_slice %arg4[%mul3A_622] : memref<800000xi32, #tpu.memory_space<hbm>> -> memref<128xi32, #tpu.memory_space<hbm>>
          %dma_start3A_636 = tpu.memref_slice %arg4[%mul3A_622] : memref<800000xi32, #tpu.memory_space<hbm>> -> memref<128xi32, #tpu.memory_space<hbm>>
          tpu.enqueue_dma source(%dma_start3A_636 : memref<128xi32, #tpu.memory_space<hbm>>) target(%arg15 : memref<128xi32, #tpu.memory_space<vmem>>) target_semaphore(%arg40 : memref<!tpu.dma_semaphore, #tpu.memory_space<semaphore_mem>>)
          %add3A_637 = arith.constant 400000 : i32
          %add3A_638 = arith.addi %add3A_637, %mul3A_622 : i32
          %dma_start3A_639 = tpu.memref_slice %arg4[%add3A_638] : memref<800000xi32, #tpu.memory_space<hbm>> -> memref<128xi32, #tpu.memory_space<hbm>>
          %dma_start3A_640 = tpu.memref_slice %arg4[%add3A_638] : memref<800000xi32, #tpu.memory_space<hbm>> -> memref<128xi32, #tpu.memory_space<hbm>>
          tpu.enqueue_dma source(%dma_start3A_640 : memref<128xi32, #tpu.memory_space<hbm>>) target(%arg18 : memref<128xi32, #tpu.memory_space<vmem>>) target_semaphore(%arg40 : memref<!tpu.dma_semaphore, #tpu.memory_space<semaphore_mem>>)
        } else {
        }
      } else {
      }
      %ge3A_162 = arith.constant 1 : i32
      %ge3A_163 = arith.cmpi sge, %add3A_150, %ge3A_162 : i32
      %sub3A_164 = arith.constant 1 : i32
      %sub3A_165 = arith.subi %add3A_150, %sub3A_164 : i32
      %mul3A_166 = arith.constant 32 : i32
      %mul3A_167 = arith.muli %sub3A_165, %mul3A_166 : i32
      %add3A_168 = arith.addi %add3A, %mul3A_167 : i32
      %lt3A_169 = arith.constant 3125 : i32
      %lt3A_170 = arith.cmpi slt, %add3A_168, %lt3A_169 : i32
      %and3A_171 = arith.andi %ge3A_163, %lt3A_170 : i1
      %convert_element_type3A_172 = arith.extui %and3A_171 : i1 to i32
      %cond3A_173 = arith.constant 0 : i32
      %cond3A_174 = arith.cmpi ne, %convert_element_type3A_172, %cond3A_173 : i32
      scf.if %cond3A_174 {
        %dma_wait3A = arith.constant 0 : i32
        %dma_wait3A_231 = arith.constant 0 : i32
        %dma_wait3A_232 = tpu.memref_slice %arg35[%dma_wait3A, %dma_wait3A_231] : memref<128x128xf32, #tpu.memory_space<vmem>> -> memref<128x128xf32, #tpu.memory_space<vmem>>
        %dma_wait3A_233 = arith.constant 0 : i32
        %dma_wait3A_234 = arith.constant 0 : i32
        %dma_wait3A_235 = tpu.memref_slice %arg5[%dma_wait3A_233, %dma_wait3A_234] : memref<3600x128xf32, #tpu.memory_space<hbm>> -> memref<128x128xf32, #tpu.memory_space<hbm>>
        %dma_wait3A_236 = arith.constant 0 : i32
        %dma_wait3A_237 = arith.constant 0 : i32
        %dma_wait3A_238 = tpu.memref_slice %arg35[%dma_wait3A_236, %dma_wait3A_237] : memref<128x128xf32, #tpu.memory_space<vmem>> -> memref<128x128xf32, #tpu.memory_space<vmem>>
        %dma_wait3A_239 = arith.constant 0 : i32
        %dma_wait3A_240 = arith.constant 0 : i32
        %dma_wait3A_241 = tpu.memref_slice %arg5[%dma_wait3A_239, %dma_wait3A_240] : memref<3600x128xf32, #tpu.memory_space<hbm>> -> memref<128x128xf32, #tpu.memory_space<hbm>>
        tpu.wait_dma2 semaphore(%arg43 : memref<!tpu.dma_semaphore, #tpu.memory_space<semaphore_mem>>) src(%dma_wait3A_241 : memref<128x128xf32, #tpu.memory_space<hbm>>) dst(%dma_wait3A_238 : memref<128x128xf32, #tpu.memory_space<vmem>>)
        %sub3A_242 = arith.constant 1 : i32
        %sub3A_243 = arith.subi %add3A_150, %sub3A_242 : i32
        %mul3A_244 = arith.constant 32 : i32
        %mul3A_245 = arith.muli %sub3A_243, %mul3A_244 : i32
        %add3A_246 = arith.addi %add3A, %mul3A_245 : i32
        %mul3A_247 = arith.constant 128 : i32
        %mul3A_248 = arith.muli %add3A_246, %mul3A_247 : i32
        %dma_start3A_249 = arith.constant 0 : i32
        %dma_start3A_250 = tpu.memref_slice %arg6[%mul3A_248, %dma_start3A_249] : memref<400000x128xf32, #tpu.memory_space<hbm>> -> memref<128x128xf32, #tpu.memory_space<hbm>>
        %dma_start3A_251 = arith.constant 0 : i32
        %dma_start3A_252 = tpu.memref_slice %arg6[%mul3A_248, %dma_start3A_251] : memref<400000x128xf32, #tpu.memory_space<hbm>> -> memref<128x128xf32, #tpu.memory_space<hbm>>
        tpu.enqueue_dma source(%arg35 : memref<128x128xf32, #tpu.memory_space<vmem>>) target(%dma_start3A_252 : memref<128x128xf32, #tpu.memory_space<hbm>>) target_semaphore(%arg47 : memref<!tpu.dma_semaphore, #tpu.memory_space<semaphore_mem>>)
      } else {
      }
      %mul3A_175 = arith.constant 4 : i32
      %mul3A_176 = arith.muli %add3A_121, %mul3A_175 : i32
      %add3A_177 = arith.constant 2 : i32
      %add3A_178 = arith.addi %mul3A_176, %add3A_177 : i32
      %lt3A_179 = arith.constant 98 : i32
      %lt3A_180 = arith.cmpi slt, %add3A_178, %lt3A_179 : i32
      %mul3A_181 = arith.constant 32 : i32
      %mul3A_182 = arith.muli %add3A_178, %mul3A_181 : i32
      %add3A_183 = arith.addi %add3A, %mul3A_182 : i32
      %lt3A_184 = arith.constant 3125 : i32
      %lt3A_185 = arith.cmpi slt, %add3A_183, %lt3A_184 : i32
      %and3A_186 = arith.andi %lt3A_180, %lt3A_185 : i1
      %convert_element_type3A_187 = arith.extui %and3A_186 : i1 to i32
      %cond3A_188 = arith.constant 0 : i32
      %cond3A_189 = arith.cmpi ne, %convert_element_type3A_187, %cond3A_188 : i32
      scf.if %cond3A_189 {
        %dma_wait3A = arith.constant 0 : i32
        %dma_wait3A_231 = tpu.memref_slice %arg2[%dma_wait3A] : memref<800000xi32, #tpu.memory_space<hbm>> -> memref<128xi32, #tpu.memory_space<hbm>>
        %dma_wait3A_232 = arith.constant 0 : i32
        %dma_wait3A_233 = tpu.memref_slice %arg2[%dma_wait3A_232] : memref<800000xi32, #tpu.memory_space<hbm>> -> memref<128xi32, #tpu.memory_space<hbm>>
        tpu.wait_dma2 semaphore(%arg41 : memref<!tpu.dma_semaphore, #tpu.memory_space<semaphore_mem>>) src(%dma_wait3A_233 : memref<128xi32, #tpu.memory_space<hbm>>) dst(%arg19 : memref<128xi32, #tpu.memory_space<vmem>>)
        %dma_wait3A_234 = arith.constant 0 : i32
        %dma_wait3A_235 = tpu.memref_slice %arg2[%dma_wait3A_234] : memref<800000xi32, #tpu.memory_space<hbm>> -> memref<128xi32, #tpu.memory_space<hbm>>
        %dma_wait3A_236 = arith.constant 0 : i32
        %dma_wait3A_237 = tpu.memref_slice %arg2[%dma_wait3A_236] : memref<800000xi32, #tpu.memory_space<hbm>> -> memref<128xi32, #tpu.memory_space<hbm>>
        tpu.wait_dma2 semaphore(%arg41 : memref<!tpu.dma_semaphore, #tpu.memory_space<semaphore_mem>>) src(%dma_wait3A_237 : memref<128xi32, #tpu.memory_space<hbm>>) dst(%arg20 : memref<128xi32, #tpu.memory_space<vmem>>)
        %dma_wait3A_238 = arith.constant 0 : i32
        %dma_wait3A_239 = tpu.memref_slice %arg2[%dma_wait3A_238] : memref<800000xi32, #tpu.memory_space<hbm>> -> memref<128xi32, #tpu.memory_space<hbm>>
        %dma_wait3A_240 = arith.constant 0 : i32
        %dma_wait3A_241 = tpu.memref_slice %arg2[%dma_wait3A_240] : memref<800000xi32, #tpu.memory_space<hbm>> -> memref<128xi32, #tpu.memory_space<hbm>>
        tpu.wait_dma2 semaphore(%arg41 : memref<!tpu.dma_semaphore, #tpu.memory_space<semaphore_mem>>) src(%dma_wait3A_241 : memref<128xi32, #tpu.memory_space<hbm>>) dst(%arg21 : memref<128xi32, #tpu.memory_space<vmem>>)
        %dma_wait3A_242 = arith.constant 0 : i32
        %dma_wait3A_243 = tpu.memref_slice %arg2[%dma_wait3A_242] : memref<800000xi32, #tpu.memory_space<hbm>> -> memref<128xi32, #tpu.memory_space<hbm>>
        %dma_wait3A_244 = arith.constant 0 : i32
        %dma_wait3A_245 = tpu.memref_slice %arg2[%dma_wait3A_244] : memref<800000xi32, #tpu.memory_space<hbm>> -> memref<128xi32, #tpu.memory_space<hbm>>
        tpu.wait_dma2 semaphore(%arg41 : memref<!tpu.dma_semaphore, #tpu.memory_space<semaphore_mem>>) src(%dma_wait3A_245 : memref<128xi32, #tpu.memory_space<hbm>>) dst(%arg22 : memref<128xi32, #tpu.memory_space<vmem>>)
        %dma_wait3A_246 = arith.constant 0 : i32
        %dma_wait3A_247 = tpu.memref_slice %arg2[%dma_wait3A_246] : memref<800000xi32, #tpu.memory_space<hbm>> -> memref<128xi32, #tpu.memory_space<hbm>>
        %dma_wait3A_248 = arith.constant 0 : i32
        %dma_wait3A_249 = tpu.memref_slice %arg2[%dma_wait3A_248] : memref<800000xi32, #tpu.memory_space<hbm>> -> memref<128xi32, #tpu.memory_space<hbm>>
        tpu.wait_dma2 semaphore(%arg41 : memref<!tpu.dma_semaphore, #tpu.memory_space<semaphore_mem>>) src(%dma_wait3A_249 : memref<128xi32, #tpu.memory_space<hbm>>) dst(%arg23 : memref<128xi32, #tpu.memory_space<vmem>>)
        %dma_wait3A_250 = arith.constant 0 : i32
        %dma_wait3A_251 = tpu.memref_slice %arg2[%dma_wait3A_250] : memref<800000xi32, #tpu.memory_space<hbm>> -> memref<128xi32, #tpu.memory_space<hbm>>
        %dma_wait3A_252 = arith.constant 0 : i32
        %dma_wait3A_253 = tpu.memref_slice %arg2[%dma_wait3A_252] : memref<800000xi32, #tpu.memory_space<hbm>> -> memref<128xi32, #tpu.memory_space<hbm>>
        tpu.wait_dma2 semaphore(%arg41 : memref<!tpu.dma_semaphore, #tpu.memory_space<semaphore_mem>>) src(%dma_wait3A_253 : memref<128xi32, #tpu.memory_space<hbm>>) dst(%arg24 : memref<128xi32, #tpu.memory_space<vmem>>)
        %get3A = arith.constant 0 : index
        %get3A_254 = tpu.vector_load %arg19[%get3A] {strides = array<i32>} : memref<128xi32, #tpu.memory_space<vmem>>, vector<16xi32>,
        %get3A_255 = vector.shape_cast %get3A_254 : vector<16xi32> to vector<16xi32>
        %mul3A_256 = arith.constant 12 : i32
        %mul3A_257 = vector.broadcast %mul3A_256 : i32 to vector<16xi32>
        %mul3A_258 = arith.muli %get3A_255, %mul3A_257 : vector<16xi32>
        %get3A_259 = arith.constant 0 : index
        %get3A_260 = tpu.vector_load %arg20[%get3A_259] {strides = array<i32>} : memref<128xi32, #tpu.memory_space<vmem>>, vector<16xi32>,
        %get3A_261 = vector.shape_cast %get3A_260 : vector<16xi32> to vector<16xi32>
        %mul3A_262 = arith.constant 2 : i32
        %mul3A_263 = vector.broadcast %mul3A_262 : i32 to vector<16xi32>
        %mul3A_264 = arith.muli %get3A_261, %mul3A_263 : vector<16xi32>
        %add3A_265 = arith.addi %mul3A_258, %mul3A_264 : vector<16xi32>
        %get3A_266 = arith.constant 0 : index
        %get3A_267 = tpu.vector_load %arg21[%get3A_266] {strides = array<i32>} : memref<128xi32, #tpu.memory_space<vmem>>, vector<16xi32>,
        %get3A_268 = vector.shape_cast %get3A_267 : vector<16xi32> to vector<16xi32>
        %add3A_269 = arith.addi %add3A_265, %get3A_268 : vector<16xi32>
        %get3A_270 = arith.constant 0 : index
        %get3A_271 = tpu.vector_load %arg22[%get3A_270] {strides = array<i32>} : memref<128xi32, #tpu.memory_space<vmem>>, vector<16xi32>,
        %get3A_272 = vector.shape_cast %get3A_271 : vector<16xi32> to vector<16xi32>
        %mul3A_273 = arith.constant 12 : i32
        %mul3A_274 = vector.broadcast %mul3A_273 : i32 to vector<16xi32>
        %mul3A_275 = arith.muli %get3A_272, %mul3A_274 : vector<16xi32>
        %get3A_276 = arith.constant 0 : index
        %get3A_277 = tpu.vector_load %arg23[%get3A_276] {strides = array<i32>} : memref<128xi32, #tpu.memory_space<vmem>>, vector<16xi32>,
        %get3A_278 = vector.shape_cast %get3A_277 : vector<16xi32> to vector<16xi32>
        %mul3A_279 = arith.constant 2 : i32
        %mul3A_280 = vector.broadcast %mul3A_279 : i32 to vector<16xi32>
        %mul3A_281 = arith.muli %get3A_278, %mul3A_280 : vector<16xi32>
        %add3A_282 = arith.addi %mul3A_275, %mul3A_281 : vector<16xi32>
        %get3A_283 = arith.constant 0 : index
        %get3A_284 = tpu.vector_load %arg24[%get3A_283] {strides = array<i32>} : memref<128xi32, #tpu.memory_space<vmem>>, vector<16xi32>,
        %get3A_285 = vector.shape_cast %get3A_284 : vector<16xi32> to vector<16xi32>
        %add3A_286 = arith.addi %add3A_282, %get3A_285 : vector<16xi32>
        %mul3A_287 = arith.constant 60 : i32
        %mul3A_288 = vector.broadcast %mul3A_287 : i32 to vector<16xi32>
        %mul3A_289 = arith.muli %add3A_269, %mul3A_288 : vector<16xi32>
        %add3A_290 = arith.addi %mul3A_289, %add3A_286 : vector<16xi32>
        %swap3A = arith.constant 0 : index
        %swap3A_291 = tpu.vector_load %arg33[%swap3A] {strides = array<i32>} : memref<128xi32, #tpu.memory_space<vmem>>, vector<16xi32>,
        %swap3A_292 = vector.shape_cast %swap3A_291 : vector<16xi32> to vector<16xi32>
        %swap3A_293 = vector.shape_cast %add3A_290 : vector<16xi32> to vector<16xi32>
        tpu.vector_store %arg33[%swap3A], %swap3A_293 {strides = array<i32>} : memref<128xi32, #tpu.memory_space<vmem>>, vector<16xi32>,
        %get3A_294 = arith.constant 16 : index
        %get3A_295 = tpu.vector_load %arg19[%get3A_294] {strides = array<i32>} : memref<128xi32, #tpu.memory_space<vmem>>, vector<16xi32>,
        %get3A_296 = vector.shape_cast %get3A_295 : vector<16xi32> to vector<16xi32>
        %mul3A_297 = arith.constant 12 : i32
        %mul3A_298 = vector.broadcast %mul3A_297 : i32 to vector<16xi32>
        %mul3A_299 = arith.muli %get3A_296, %mul3A_298 : vector<16xi32>
        %get3A_300 = arith.constant 16 : index
        %get3A_301 = tpu.vector_load %arg20[%get3A_300] {strides = array<i32>} : memref<128xi32, #tpu.memory_space<vmem>>, vector<16xi32>,
        %get3A_302 = vector.shape_cast %get3A_301 : vector<16xi32> to vector<16xi32>
        %mul3A_303 = arith.constant 2 : i32
        %mul3A_304 = vector.broadcast %mul3A_303 : i32 to vector<16xi32>
        %mul3A_305 = arith.muli %get3A_302, %mul3A_304 : vector<16xi32>
        %add3A_306 = arith.addi %mul3A_299, %mul3A_305 : vector<16xi32>
        %get3A_307 = arith.constant 16 : index
        %get3A_308 = tpu.vector_load %arg21[%get3A_307] {strides = array<i32>} : memref<128xi32, #tpu.memory_space<vmem>>, vector<16xi32>,
        %get3A_309 = vector.shape_cast %get3A_308 : vector<16xi32> to vector<16xi32>
        %add3A_310 = arith.addi %add3A_306, %get3A_309 : vector<16xi32>
        %get3A_311 = arith.constant 16 : index
        %get3A_312 = tpu.vector_load %arg22[%get3A_311] {strides = array<i32>} : memref<128xi32, #tpu.memory_space<vmem>>, vector<16xi32>,
        %get3A_313 = vector.shape_cast %get3A_312 : vector<16xi32> to vector<16xi32>
        %mul3A_314 = arith.constant 12 : i32
        %mul3A_315 = vector.broadcast %mul3A_314 : i32 to vector<16xi32>
        %mul3A_316 = arith.muli %get3A_313, %mul3A_315 : vector<16xi32>
        %get3A_317 = arith.constant 16 : index
        %get3A_318 = tpu.vector_load %arg23[%get3A_317] {strides = array<i32>} : memref<128xi32, #tpu.memory_space<vmem>>, vector<16xi32>,
        %get3A_319 = vector.shape_cast %get3A_318 : vector<16xi32> to vector<16xi32>
        %mul3A_320 = arith.constant 2 : i32
        %mul3A_321 = vector.broadcast %mul3A_320 : i32 to vector<16xi32>
        %mul3A_322 = arith.muli %get3A_319, %mul3A_321 : vector<16xi32>
        %add3A_323 = arith.addi %mul3A_316, %mul3A_322 : vector<16xi32>
        %get3A_324 = arith.constant 16 : index
        %get3A_325 = tpu.vector_load %arg24[%get3A_324] {strides = array<i32>} : memref<128xi32, #tpu.memory_space<vmem>>, vector<16xi32>,
        %get3A_326 = vector.shape_cast %get3A_325 : vector<16xi32> to vector<16xi32>
        %add3A_327 = arith.addi %add3A_323, %get3A_326 : vector<16xi32>
        %mul3A_328 = arith.constant 60 : i32
        %mul3A_329 = vector.broadcast %mul3A_328 : i32 to vector<16xi32>
        %mul3A_330 = arith.muli %add3A_310, %mul3A_329 : vector<16xi32>
        %add3A_331 = arith.addi %mul3A_330, %add3A_327 : vector<16xi32>
        %swap3A_332 = arith.constant 16 : index
        %swap3A_333 = tpu.vector_load %arg33[%swap3A_332] {strides = array<i32>} : memref<128xi32, #tpu.memory_space<vmem>>, vector<16xi32>,
        %swap3A_334 = vector.shape_cast %swap3A_333 : vector<16xi32> to vector<16xi32>
        %swap3A_335 = vector.shape_cast %add3A_331 : vector<16xi32> to vector<16xi32>
        tpu.vector_store %arg33[%swap3A_332], %swap3A_335 {strides = array<i32>} : memref<128xi32, #tpu.memory_space<vmem>>, vector<16xi32>,
        %get3A_336 = arith.constant 32 : index
        %get3A_337 = tpu.vector_load %arg19[%get3A_336] {strides = array<i32>} : memref<128xi32, #tpu.memory_space<vmem>>, vector<16xi32>,
        %get3A_338 = vector.shape_cast %get3A_337 : vector<16xi32> to vector<16xi32>
        %mul3A_339 = arith.constant 12 : i32
        %mul3A_340 = vector.broadcast %mul3A_339 : i32 to vector<16xi32>
        %mul3A_341 = arith.muli %get3A_338, %mul3A_340 : vector<16xi32>
        %get3A_342 = arith.constant 32 : index
        %get3A_343 = tpu.vector_load %arg20[%get3A_342] {strides = array<i32>} : memref<128xi32, #tpu.memory_space<vmem>>, vector<16xi32>,
        %get3A_344 = vector.shape_cast %get3A_343 : vector<16xi32> to vector<16xi32>
        %mul3A_345 = arith.constant 2 : i32
        %mul3A_346 = vector.broadcast %mul3A_345 : i32 to vector<16xi32>
        %mul3A_347 = arith.muli %get3A_344, %mul3A_346 : vector<16xi32>
        %add3A_348 = arith.addi %mul3A_341, %mul3A_347 : vector<16xi32>
        %get3A_349 = arith.constant 32 : index
        %get3A_350 = tpu.vector_load %arg21[%get3A_349] {strides = array<i32>} : memref<128xi32, #tpu.memory_space<vmem>>, vector<16xi32>,
        %get3A_351 = vector.shape_cast %get3A_350 : vector<16xi32> to vector<16xi32>
        %add3A_352 = arith.addi %add3A_348, %get3A_351 : vector<16xi32>
        %get3A_353 = arith.constant 32 : index
        %get3A_354 = tpu.vector_load %arg22[%get3A_353] {strides = array<i32>} : memref<128xi32, #tpu.memory_space<vmem>>, vector<16xi32>,
        %get3A_355 = vector.shape_cast %get3A_354 : vector<16xi32> to vector<16xi32>
        %mul3A_356 = arith.constant 12 : i32
        %mul3A_357 = vector.broadcast %mul3A_356 : i32 to vector<16xi32>
        %mul3A_358 = arith.muli %get3A_355, %mul3A_357 : vector<16xi32>
        %get3A_359 = arith.constant 32 : index
        %get3A_360 = tpu.vector_load %arg23[%get3A_359] {strides = array<i32>} : memref<128xi32, #tpu.memory_space<vmem>>, vector<16xi32>,
        %get3A_361 = vector.shape_cast %get3A_360 : vector<16xi32> to vector<16xi32>
        %mul3A_362 = arith.constant 2 : i32
        %mul3A_363 = vector.broadcast %mul3A_362 : i32 to vector<16xi32>
        %mul3A_364 = arith.muli %get3A_361, %mul3A_363 : vector<16xi32>
        %add3A_365 = arith.addi %mul3A_358, %mul3A_364 : vector<16xi32>
        %get3A_366 = arith.constant 32 : index
        %get3A_367 = tpu.vector_load %arg24[%get3A_366] {strides = array<i32>} : memref<128xi32, #tpu.memory_space<vmem>>, vector<16xi32>,
        %get3A_368 = vector.shape_cast %get3A_367 : vector<16xi32> to vector<16xi32>
        %add3A_369 = arith.addi %add3A_365, %get3A_368 : vector<16xi32>
        %mul3A_370 = arith.constant 60 : i32
        %mul3A_371 = vector.broadcast %mul3A_370 : i32 to vector<16xi32>
        %mul3A_372 = arith.muli %add3A_352, %mul3A_371 : vector<16xi32>
        %add3A_373 = arith.addi %mul3A_372, %add3A_369 : vector<16xi32>
        %swap3A_374 = arith.constant 32 : index
        %swap3A_375 = tpu.vector_load %arg33[%swap3A_374] {strides = array<i32>} : memref<128xi32, #tpu.memory_space<vmem>>, vector<16xi32>,
        %swap3A_376 = vector.shape_cast %swap3A_375 : vector<16xi32> to vector<16xi32>
        %swap3A_377 = vector.shape_cast %add3A_373 : vector<16xi32> to vector<16xi32>
        tpu.vector_store %arg33[%swap3A_374], %swap3A_377 {strides = array<i32>} : memref<128xi32, #tpu.memory_space<vmem>>, vector<16xi32>,
        %get3A_378 = arith.constant 48 : index
        %get3A_379 = tpu.vector_load %arg19[%get3A_378] {strides = array<i32>} : memref<128xi32, #tpu.memory_space<vmem>>, vector<16xi32>,
        %get3A_380 = vector.shape_cast %get3A_379 : vector<16xi32> to vector<16xi32>
        %mul3A_381 = arith.constant 12 : i32
        %mul3A_382 = vector.broadcast %mul3A_381 : i32 to vector<16xi32>
        %mul3A_383 = arith.muli %get3A_380, %mul3A_382 : vector<16xi32>
        %get3A_384 = arith.constant 48 : index
        %get3A_385 = tpu.vector_load %arg20[%get3A_384] {strides = array<i32>} : memref<128xi32, #tpu.memory_space<vmem>>, vector<16xi32>,
        %get3A_386 = vector.shape_cast %get3A_385 : vector<16xi32> to vector<16xi32>
        %mul3A_387 = arith.constant 2 : i32
        %mul3A_388 = vector.broadcast %mul3A_387 : i32 to vector<16xi32>
        %mul3A_389 = arith.muli %get3A_386, %mul3A_388 : vector<16xi32>
        %add3A_390 = arith.addi %mul3A_383, %mul3A_389 : vector<16xi32>
        %get3A_391 = arith.constant 48 : index
        %get3A_392 = tpu.vector_load %arg21[%get3A_391] {strides = array<i32>} : memref<128xi32, #tpu.memory_space<vmem>>, vector<16xi32>,
        %get3A_393 = vector.shape_cast %get3A_392 : vector<16xi32> to vector<16xi32>
        %add3A_394 = arith.addi %add3A_390, %get3A_393 : vector<16xi32>
        %get3A_395 = arith.constant 48 : index
        %get3A_396 = tpu.vector_load %arg22[%get3A_395] {strides = array<i32>} : memref<128xi32, #tpu.memory_space<vmem>>, vector<16xi32>,
        %get3A_397 = vector.shape_cast %get3A_396 : vector<16xi32> to vector<16xi32>
        %mul3A_398 = arith.constant 12 : i32
        %mul3A_399 = vector.broadcast %mul3A_398 : i32 to vector<16xi32>
        %mul3A_400 = arith.muli %get3A_397, %mul3A_399 : vector<16xi32>
        %get3A_401 = arith.constant 48 : index
        %get3A_402 = tpu.vector_load %arg23[%get3A_401] {strides = array<i32>} : memref<128xi32, #tpu.memory_space<vmem>>, vector<16xi32>,
        %get3A_403 = vector.shape_cast %get3A_402 : vector<16xi32> to vector<16xi32>
        %mul3A_404 = arith.constant 2 : i32
        %mul3A_405 = vector.broadcast %mul3A_404 : i32 to vector<16xi32>
        %mul3A_406 = arith.muli %get3A_403, %mul3A_405 : vector<16xi32>
        %add3A_407 = arith.addi %mul3A_400, %mul3A_406 : vector<16xi32>
        %get3A_408 = arith.constant 48 : index
        %get3A_409 = tpu.vector_load %arg24[%get3A_408] {strides = array<i32>} : memref<128xi32, #tpu.memory_space<vmem>>, vector<16xi32>,
        %get3A_410 = vector.shape_cast %get3A_409 : vector<16xi32> to vector<16xi32>
        %add3A_411 = arith.addi %add3A_407, %get3A_410 : vector<16xi32>
        %mul3A_412 = arith.constant 60 : i32
        %mul3A_413 = vector.broadcast %mul3A_412 : i32 to vector<16xi32>
        %mul3A_414 = arith.muli %add3A_394, %mul3A_413 : vector<16xi32>
        %add3A_415 = arith.addi %mul3A_414, %add3A_411 : vector<16xi32>
        %swap3A_416 = arith.constant 48 : index
        %swap3A_417 = tpu.vector_load %arg33[%swap3A_416] {strides = array<i32>} : memref<128xi32, #tpu.memory_space<vmem>>, vector<16xi32>,
        %swap3A_418 = vector.shape_cast %swap3A_417 : vector<16xi32> to vector<16xi32>
        %swap3A_419 = vector.shape_cast %add3A_415 : vector<16xi32> to vector<16xi32>
        tpu.vector_store %arg33[%swap3A_416], %swap3A_419 {strides = array<i32>} : memref<128xi32, #tpu.memory_space<vmem>>, vector<16xi32>,
        %get3A_420 = arith.constant 64 : index
        %get3A_421 = tpu.vector_load %arg19[%get3A_420] {strides = array<i32>} : memref<128xi32, #tpu.memory_space<vmem>>, vector<16xi32>,
        %get3A_422 = vector.shape_cast %get3A_421 : vector<16xi32> to vector<16xi32>
        %mul3A_423 = arith.constant 12 : i32
        %mul3A_424 = vector.broadcast %mul3A_423 : i32 to vector<16xi32>
        %mul3A_425 = arith.muli %get3A_422, %mul3A_424 : vector<16xi32>
        %get3A_426 = arith.constant 64 : index
        %get3A_427 = tpu.vector_load %arg20[%get3A_426] {strides = array<i32>} : memref<128xi32, #tpu.memory_space<vmem>>, vector<16xi32>,
        %get3A_428 = vector.shape_cast %get3A_427 : vector<16xi32> to vector<16xi32>
        %mul3A_429 = arith.constant 2 : i32
        %mul3A_430 = vector.broadcast %mul3A_429 : i32 to vector<16xi32>
        %mul3A_431 = arith.muli %get3A_428, %mul3A_430 : vector<16xi32>
        %add3A_432 = arith.addi %mul3A_425, %mul3A_431 : vector<16xi32>
        %get3A_433 = arith.constant 64 : index
        %get3A_434 = tpu.vector_load %arg21[%get3A_433] {strides = array<i32>} : memref<128xi32, #tpu.memory_space<vmem>>, vector<16xi32>,
        %get3A_435 = vector.shape_cast %get3A_434 : vector<16xi32> to vector<16xi32>
        %add3A_436 = arith.addi %add3A_432, %get3A_435 : vector<16xi32>
        %get3A_437 = arith.constant 64 : index
        %get3A_438 = tpu.vector_load %arg22[%get3A_437] {strides = array<i32>} : memref<128xi32, #tpu.memory_space<vmem>>, vector<16xi32>,
        %get3A_439 = vector.shape_cast %get3A_438 : vector<16xi32> to vector<16xi32>
        %mul3A_440 = arith.constant 12 : i32
        %mul3A_441 = vector.broadcast %mul3A_440 : i32 to vector<16xi32>
        %mul3A_442 = arith.muli %get3A_439, %mul3A_441 : vector<16xi32>
        %get3A_443 = arith.constant 64 : index
        %get3A_444 = tpu.vector_load %arg23[%get3A_443] {strides = array<i32>} : memref<128xi32, #tpu.memory_space<vmem>>, vector<16xi32>,
        %get3A_445 = vector.shape_cast %get3A_444 : vector<16xi32> to vector<16xi32>
        %mul3A_446 = arith.constant 2 : i32
        %mul3A_447 = vector.broadcast %mul3A_446 : i32 to vector<16xi32>
        %mul3A_448 = arith.muli %get3A_445, %mul3A_447 : vector<16xi32>
        %add3A_449 = arith.addi %mul3A_442, %mul3A_448 : vector<16xi32>
        %get3A_450 = arith.constant 64 : index
        %get3A_451 = tpu.vector_load %arg24[%get3A_450] {strides = array<i32>} : memref<128xi32, #tpu.memory_space<vmem>>, vector<16xi32>,
        %get3A_452 = vector.shape_cast %get3A_451 : vector<16xi32> to vector<16xi32>
        %add3A_453 = arith.addi %add3A_449, %get3A_452 : vector<16xi32>
        %mul3A_454 = arith.constant 60 : i32
        %mul3A_455 = vector.broadcast %mul3A_454 : i32 to vector<16xi32>
        %mul3A_456 = arith.muli %add3A_436, %mul3A_455 : vector<16xi32>
        %add3A_457 = arith.addi %mul3A_456, %add3A_453 : vector<16xi32>
        %swap3A_458 = arith.constant 64 : index
        %swap3A_459 = tpu.vector_load %arg33[%swap3A_458] {strides = array<i32>} : memref<128xi32, #tpu.memory_space<vmem>>, vector<16xi32>,
        %swap3A_460 = vector.shape_cast %swap3A_459 : vector<16xi32> to vector<16xi32>
        %swap3A_461 = vector.shape_cast %add3A_457 : vector<16xi32> to vector<16xi32>
        tpu.vector_store %arg33[%swap3A_458], %swap3A_461 {strides = array<i32>} : memref<128xi32, #tpu.memory_space<vmem>>, vector<16xi32>,
        %get3A_462 = arith.constant 80 : index
        %get3A_463 = tpu.vector_load %arg19[%get3A_462] {strides = array<i32>} : memref<128xi32, #tpu.memory_space<vmem>>, vector<16xi32>,
        %get3A_464 = vector.shape_cast %get3A_463 : vector<16xi32> to vector<16xi32>
        %mul3A_465 = arith.constant 12 : i32
        %mul3A_466 = vector.broadcast %mul3A_465 : i32 to vector<16xi32>
        %mul3A_467 = arith.muli %get3A_464, %mul3A_466 : vector<16xi32>
        %get3A_468 = arith.constant 80 : index
        %get3A_469 = tpu.vector_load %arg20[%get3A_468] {strides = array<i32>} : memref<128xi32, #tpu.memory_space<vmem>>, vector<16xi32>,
        %get3A_470 = vector.shape_cast %get3A_469 : vector<16xi32> to vector<16xi32>
        %mul3A_471 = arith.constant 2 : i32
        %mul3A_472 = vector.broadcast %mul3A_471 : i32 to vector<16xi32>
        %mul3A_473 = arith.muli %get3A_470, %mul3A_472 : vector<16xi32>
        %add3A_474 = arith.addi %mul3A_467, %mul3A_473 : vector<16xi32>
        %get3A_475 = arith.constant 80 : index
        %get3A_476 = tpu.vector_load %arg21[%get3A_475] {strides = array<i32>} : memref<128xi32, #tpu.memory_space<vmem>>, vector<16xi32>,
        %get3A_477 = vector.shape_cast %get3A_476 : vector<16xi32> to vector<16xi32>
        %add3A_478 = arith.addi %add3A_474, %get3A_477 : vector<16xi32>
        %get3A_479 = arith.constant 80 : index
        %get3A_480 = tpu.vector_load %arg22[%get3A_479] {strides = array<i32>} : memref<128xi32, #tpu.memory_space<vmem>>, vector<16xi32>,
        %get3A_481 = vector.shape_cast %get3A_480 : vector<16xi32> to vector<16xi32>
        %mul3A_482 = arith.constant 12 : i32
        %mul3A_483 = vector.broadcast %mul3A_482 : i32 to vector<16xi32>
        %mul3A_484 = arith.muli %get3A_481, %mul3A_483 : vector<16xi32>
        %get3A_485 = arith.constant 80 : index
        %get3A_486 = tpu.vector_load %arg23[%get3A_485] {strides = array<i32>} : memref<128xi32, #tpu.memory_space<vmem>>, vector<16xi32>,
        %get3A_487 = vector.shape_cast %get3A_486 : vector<16xi32> to vector<16xi32>
        %mul3A_488 = arith.constant 2 : i32
        %mul3A_489 = vector.broadcast %mul3A_488 : i32 to vector<16xi32>
        %mul3A_490 = arith.muli %get3A_487, %mul3A_489 : vector<16xi32>
        %add3A_491 = arith.addi %mul3A_484, %mul3A_490 : vector<16xi32>
        %get3A_492 = arith.constant 80 : index
        %get3A_493 = tpu.vector_load %arg24[%get3A_492] {strides = array<i32>} : memref<128xi32, #tpu.memory_space<vmem>>, vector<16xi32>,
        %get3A_494 = vector.shape_cast %get3A_493 : vector<16xi32> to vector<16xi32>
        %add3A_495 = arith.addi %add3A_491, %get3A_494 : vector<16xi32>
        %mul3A_496 = arith.constant 60 : i32
        %mul3A_497 = vector.broadcast %mul3A_496 : i32 to vector<16xi32>
        %mul3A_498 = arith.muli %add3A_478, %mul3A_497 : vector<16xi32>
        %add3A_499 = arith.addi %mul3A_498, %add3A_495 : vector<16xi32>
        %swap3A_500 = arith.constant 80 : index
        %swap3A_501 = tpu.vector_load %arg33[%swap3A_500] {strides = array<i32>} : memref<128xi32, #tpu.memory_space<vmem>>, vector<16xi32>,
        %swap3A_502 = vector.shape_cast %swap3A_501 : vector<16xi32> to vector<16xi32>
        %swap3A_503 = vector.shape_cast %add3A_499 : vector<16xi32> to vector<16xi32>
        tpu.vector_store %arg33[%swap3A_500], %swap3A_503 {strides = array<i32>} : memref<128xi32, #tpu.memory_space<vmem>>, vector<16xi32>,
        %get3A_504 = arith.constant 96 : index
        %get3A_505 = tpu.vector_load %arg19[%get3A_504] {strides = array<i32>} : memref<128xi32, #tpu.memory_space<vmem>>, vector<16xi32>,
        %get3A_506 = vector.shape_cast %get3A_505 : vector<16xi32> to vector<16xi32>
        %mul3A_507 = arith.constant 12 : i32
        %mul3A_508 = vector.broadcast %mul3A_507 : i32 to vector<16xi32>
        %mul3A_509 = arith.muli %get3A_506, %mul3A_508 : vector<16xi32>
        %get3A_510 = arith.constant 96 : index
        %get3A_511 = tpu.vector_load %arg20[%get3A_510] {strides = array<i32>} : memref<128xi32, #tpu.memory_space<vmem>>, vector<16xi32>,
        %get3A_512 = vector.shape_cast %get3A_511 : vector<16xi32> to vector<16xi32>
        %mul3A_513 = arith.constant 2 : i32
        %mul3A_514 = vector.broadcast %mul3A_513 : i32 to vector<16xi32>
        %mul3A_515 = arith.muli %get3A_512, %mul3A_514 : vector<16xi32>
        %add3A_516 = arith.addi %mul3A_509, %mul3A_515 : vector<16xi32>
        %get3A_517 = arith.constant 96 : index
        %get3A_518 = tpu.vector_load %arg21[%get3A_517] {strides = array<i32>} : memref<128xi32, #tpu.memory_space<vmem>>, vector<16xi32>,
        %get3A_519 = vector.shape_cast %get3A_518 : vector<16xi32> to vector<16xi32>
        %add3A_520 = arith.addi %add3A_516, %get3A_519 : vector<16xi32>
        %get3A_521 = arith.constant 96 : index
        %get3A_522 = tpu.vector_load %arg22[%get3A_521] {strides = array<i32>} : memref<128xi32, #tpu.memory_space<vmem>>, vector<16xi32>,
        %get3A_523 = vector.shape_cast %get3A_522 : vector<16xi32> to vector<16xi32>
        %mul3A_524 = arith.constant 12 : i32
        %mul3A_525 = vector.broadcast %mul3A_524 : i32 to vector<16xi32>
        %mul3A_526 = arith.muli %get3A_523, %mul3A_525 : vector<16xi32>
        %get3A_527 = arith.constant 96 : index
        %get3A_528 = tpu.vector_load %arg23[%get3A_527] {strides = array<i32>} : memref<128xi32, #tpu.memory_space<vmem>>, vector<16xi32>,
        %get3A_529 = vector.shape_cast %get3A_528 : vector<16xi32> to vector<16xi32>
        %mul3A_530 = arith.constant 2 : i32
        %mul3A_531 = vector.broadcast %mul3A_530 : i32 to vector<16xi32>
        %mul3A_532 = arith.muli %get3A_529, %mul3A_531 : vector<16xi32>
        %add3A_533 = arith.addi %mul3A_526, %mul3A_532 : vector<16xi32>
        %get3A_534 = arith.constant 96 : index
        %get3A_535 = tpu.vector_load %arg24[%get3A_534] {strides = array<i32>} : memref<128xi32, #tpu.memory_space<vmem>>, vector<16xi32>,
        %get3A_536 = vector.shape_cast %get3A_535 : vector<16xi32> to vector<16xi32>
        %add3A_537 = arith.addi %add3A_533, %get3A_536 : vector<16xi32>
        %mul3A_538 = arith.constant 60 : i32
        %mul3A_539 = vector.broadcast %mul3A_538 : i32 to vector<16xi32>
        %mul3A_540 = arith.muli %add3A_520, %mul3A_539 : vector<16xi32>
        %add3A_541 = arith.addi %mul3A_540, %add3A_537 : vector<16xi32>
        %swap3A_542 = arith.constant 96 : index
        %swap3A_543 = tpu.vector_load %arg33[%swap3A_542] {strides = array<i32>} : memref<128xi32, #tpu.memory_space<vmem>>, vector<16xi32>,
        %swap3A_544 = vector.shape_cast %swap3A_543 : vector<16xi32> to vector<16xi32>
        %swap3A_545 = vector.shape_cast %add3A_541 : vector<16xi32> to vector<16xi32>
        tpu.vector_store %arg33[%swap3A_542], %swap3A_545 {strides = array<i32>} : memref<128xi32, #tpu.memory_space<vmem>>, vector<16xi32>,
        %get3A_546 = arith.constant 112 : index
        %get3A_547 = tpu.vector_load %arg19[%get3A_546] {strides = array<i32>} : memref<128xi32, #tpu.memory_space<vmem>>, vector<16xi32>,
        %get3A_548 = vector.shape_cast %get3A_547 : vector<16xi32> to vector<16xi32>
        %mul3A_549 = arith.constant 12 : i32
        %mul3A_550 = vector.broadcast %mul3A_549 : i32 to vector<16xi32>
        %mul3A_551 = arith.muli %get3A_548, %mul3A_550 : vector<16xi32>
        %get3A_552 = arith.constant 112 : index
        %get3A_553 = tpu.vector_load %arg20[%get3A_552] {strides = array<i32>} : memref<128xi32, #tpu.memory_space<vmem>>, vector<16xi32>,
        %get3A_554 = vector.shape_cast %get3A_553 : vector<16xi32> to vector<16xi32>
        %mul3A_555 = arith.constant 2 : i32
        %mul3A_556 = vector.broadcast %mul3A_555 : i32 to vector<16xi32>
        %mul3A_557 = arith.muli %get3A_554, %mul3A_556 : vector<16xi32>
        %add3A_558 = arith.addi %mul3A_551, %mul3A_557 : vector<16xi32>
        %get3A_559 = arith.constant 112 : index
        %get3A_560 = tpu.vector_load %arg21[%get3A_559] {strides = array<i32>} : memref<128xi32, #tpu.memory_space<vmem>>, vector<16xi32>,
        %get3A_561 = vector.shape_cast %get3A_560 : vector<16xi32> to vector<16xi32>
        %add3A_562 = arith.addi %add3A_558, %get3A_561 : vector<16xi32>
        %get3A_563 = arith.constant 112 : index
        %get3A_564 = tpu.vector_load %arg22[%get3A_563] {strides = array<i32>} : memref<128xi32, #tpu.memory_space<vmem>>, vector<16xi32>,
        %get3A_565 = vector.shape_cast %get3A_564 : vector<16xi32> to vector<16xi32>
        %mul3A_566 = arith.constant 12 : i32
        %mul3A_567 = vector.broadcast %mul3A_566 : i32 to vector<16xi32>
        %mul3A_568 = arith.muli %get3A_565, %mul3A_567 : vector<16xi32>
        %get3A_569 = arith.constant 112 : index
        %get3A_570 = tpu.vector_load %arg23[%get3A_569] {strides = array<i32>} : memref<128xi32, #tpu.memory_space<vmem>>, vector<16xi32>,
        %get3A_571 = vector.shape_cast %get3A_570 : vector<16xi32> to vector<16xi32>
        %mul3A_572 = arith.constant 2 : i32
        %mul3A_573 = vector.broadcast %mul3A_572 : i32 to vector<16xi32>
        %mul3A_574 = arith.muli %get3A_571, %mul3A_573 : vector<16xi32>
        %add3A_575 = arith.addi %mul3A_568, %mul3A_574 : vector<16xi32>
        %get3A_576 = arith.constant 112 : index
        %get3A_577 = tpu.vector_load %arg24[%get3A_576] {strides = array<i32>} : memref<128xi32, #tpu.memory_space<vmem>>, vector<16xi32>,
        %get3A_578 = vector.shape_cast %get3A_577 : vector<16xi32> to vector<16xi32>
        %add3A_579 = arith.addi %add3A_575, %get3A_578 : vector<16xi32>
        %mul3A_580 = arith.constant 60 : i32
        %mul3A_581 = vector.broadcast %mul3A_580 : i32 to vector<16xi32>
        %mul3A_582 = arith.muli %add3A_562, %mul3A_581 : vector<16xi32>
        %add3A_583 = arith.addi %mul3A_582, %add3A_579 : vector<16xi32>
        %swap3A_584 = arith.constant 112 : index
        %swap3A_585 = tpu.vector_load %arg33[%swap3A_584] {strides = array<i32>} : memref<128xi32, #tpu.memory_space<vmem>>, vector<16xi32>,
        %swap3A_586 = vector.shape_cast %swap3A_585 : vector<16xi32> to vector<16xi32>
        %swap3A_587 = vector.shape_cast %add3A_583 : vector<16xi32> to vector<16xi32>
        tpu.vector_store %arg33[%swap3A_584], %swap3A_587 {strides = array<i32>} : memref<128xi32, #tpu.memory_space<vmem>>, vector<16xi32>,
        %ge3A_588 = arith.constant 4 : i32
        %ge3A_589 = arith.cmpi sge, %add3A_178, %ge3A_588 : i32
        %convert_element_type3A_590 = arith.extui %ge3A_589 : i1 to i32
        %cond3A_591 = arith.constant 0 : i32
        %cond3A_592 = arith.cmpi ne, %convert_element_type3A_590, %cond3A_591 : i32
        scf.if %cond3A_592 {
          %dma_wait3A_616 = arith.constant 0 : i32
          %dma_wait3A_617 = arith.constant 0 : i32
          %dma_wait3A_618 = tpu.memref_slice %arg6[%dma_wait3A_616, %dma_wait3A_617] : memref<400000x128xf32, #tpu.memory_space<hbm>> -> memref<128x128xf32, #tpu.memory_space<hbm>>
          %dma_wait3A_619 = arith.constant 0 : i32
          %dma_wait3A_620 = arith.constant 0 : i32
          %dma_wait3A_621 = tpu.memref_slice %arg6[%dma_wait3A_619, %dma_wait3A_620] : memref<400000x128xf32, #tpu.memory_space<hbm>> -> memref<128x128xf32, #tpu.memory_space<hbm>>
          tpu.wait_dma2 semaphore(%arg49 : memref<!tpu.dma_semaphore, #tpu.memory_space<semaphore_mem>>) src(%arg37 : memref<128x128xf32, #tpu.memory_space<vmem>>) dst(%dma_wait3A_621 : memref<128x128xf32, #tpu.memory_space<hbm>>)
        } else {
        }
        %dma_start3A_593 = arith.constant 0 : i32
        %dma_start3A_594 = arith.constant 0 : i32
        %dma_start3A_595 = tpu.memref_slice %arg37[%dma_start3A_593, %dma_start3A_594] : memref<128x128xf32, #tpu.memory_space<vmem>> -> memref<128x128xf32, #tpu.memory_space<vmem>>
        %dma_start3A_596 = arith.constant 0 : i32
        %dma_start3A_597 = tpu.memref_slice %arg33[%dma_start3A_596] : memref<128xi32, #tpu.memory_space<vmem>> -> memref<128xi32, #tpu.memory_space<vmem>>
        %dma_start3A_598 = arith.constant 0 : i32
        %dma_start3A_599 = arith.constant 0 : i32
        %dma_start3A_600 = tpu.memref_slice %arg5[%dma_start3A_598, %dma_start3A_599] : memref<3600x128xf32, #tpu.memory_space<hbm>> -> memref<3600x128xf32, #tpu.memory_space<hbm>>
        tpu.enqueue_indirect_dma source(%dma_start3A_600 : memref<3600x128xf32, #tpu.memory_space<hbm>>) target(%dma_start3A_595 : memref<128x128xf32, #tpu.memory_space<vmem>>) offsets(%dma_start3A_597 : memref<128xi32, #tpu.memory_space<vmem>>) semaphore(%arg45 : memref<!tpu.dma_semaphore, #tpu.memory_space<semaphore_mem>>)
        %add3A_601 = arith.constant 4 : i32
        %add3A_602 = arith.addi %add3A_178, %add3A_601 : i32
        %lt3A_603 = arith.constant 98 : i32
        %lt3A_604 = arith.cmpi slt, %add3A_602, %lt3A_603 : i32
        %add3A_605 = arith.constant 4 : i32
        %add3A_606 = arith.addi %add3A_178, %add3A_605 : i32
        %mul3A_607 = arith.constant 32 : i32
        %mul3A_608 = arith.muli %add3A_606, %mul3A_607 : i32
        %add3A_609 = arith.addi %add3A, %mul3A_608 : i32
        %lt3A_610 = arith.constant 3125 : i32
        %lt3A_611 = arith.cmpi slt, %add3A_609, %lt3A_610 : i32
        %and3A_612 = arith.andi %lt3A_604, %lt3A_611 : i1
        %convert_element_type3A_613 = arith.extui %and3A_612 : i1 to i32
        %cond3A_614 = arith.constant 0 : i32
        %cond3A_615 = arith.cmpi ne, %convert_element_type3A_613, %cond3A_614 : i32
        scf.if %cond3A_615 {
          %add3A_616 = arith.constant 4 : i32
          %add3A_617 = arith.addi %add3A_178, %add3A_616 : i32
          %mul3A_618 = arith.constant 32 : i32
          %mul3A_619 = arith.muli %add3A_617, %mul3A_618 : i32
          %add3A_620 = arith.addi %add3A, %mul3A_619 : i32
          %mul3A_621 = arith.constant 128 : i32
          %mul3A_622 = arith.muli %add3A_620, %mul3A_621 : i32
          %dma_start3A_623 = tpu.memref_slice %arg2[%mul3A_622] : memref<800000xi32, #tpu.memory_space<hbm>> -> memref<128xi32, #tpu.memory_space<hbm>>
          %dma_start3A_624 = tpu.memref_slice %arg2[%mul3A_622] : memref<800000xi32, #tpu.memory_space<hbm>> -> memref<128xi32, #tpu.memory_space<hbm>>
          tpu.enqueue_dma source(%dma_start3A_624 : memref<128xi32, #tpu.memory_space<hbm>>) target(%arg19 : memref<128xi32, #tpu.memory_space<vmem>>) target_semaphore(%arg41 : memref<!tpu.dma_semaphore, #tpu.memory_space<semaphore_mem>>)
          %add3A_625 = arith.constant 400000 : i32
          %add3A_626 = arith.addi %add3A_625, %mul3A_622 : i32
          %dma_start3A_627 = tpu.memref_slice %arg2[%add3A_626] : memref<800000xi32, #tpu.memory_space<hbm>> -> memref<128xi32, #tpu.memory_space<hbm>>
          %dma_start3A_628 = tpu.memref_slice %arg2[%add3A_626] : memref<800000xi32, #tpu.memory_space<hbm>> -> memref<128xi32, #tpu.memory_space<hbm>>
          tpu.enqueue_dma source(%dma_start3A_628 : memref<128xi32, #tpu.memory_space<hbm>>) target(%arg22 : memref<128xi32, #tpu.memory_space<vmem>>) target_semaphore(%arg41 : memref<!tpu.dma_semaphore, #tpu.memory_space<semaphore_mem>>)
          %dma_start3A_629 = tpu.memref_slice %arg3[%mul3A_622] : memref<800000xi32, #tpu.memory_space<hbm>> -> memref<128xi32, #tpu.memory_space<hbm>>
          %dma_start3A_630 = tpu.memref_slice %arg3[%mul3A_622] : memref<800000xi32, #tpu.memory_space<hbm>> -> memref<128xi32, #tpu.memory_space<hbm>>
          tpu.enqueue_dma source(%dma_start3A_630 : memref<128xi32, #tpu.memory_space<hbm>>) target(%arg20 : memref<128xi32, #tpu.memory_space<vmem>>) target_semaphore(%arg41 : memref<!tpu.dma_semaphore, #tpu.memory_space<semaphore_mem>>)
          %add3A_631 = arith.constant 400000 : i32
          %add3A_632 = arith.addi %add3A_631, %mul3A_622 : i32
          %dma_start3A_633 = tpu.memref_slice %arg3[%add3A_632] : memref<800000xi32, #tpu.memory_space<hbm>> -> memref<128xi32, #tpu.memory_space<hbm>>
          %dma_start3A_634 = tpu.memref_slice %arg3[%add3A_632] : memref<800000xi32, #tpu.memory_space<hbm>> -> memref<128xi32, #tpu.memory_space<hbm>>
          tpu.enqueue_dma source(%dma_start3A_634 : memref<128xi32, #tpu.memory_space<hbm>>) target(%arg23 : memref<128xi32, #tpu.memory_space<vmem>>) target_semaphore(%arg41 : memref<!tpu.dma_semaphore, #tpu.memory_space<semaphore_mem>>)
          %dma_start3A_635 = tpu.memref_slice %arg4[%mul3A_622] : memref<800000xi32, #tpu.memory_space<hbm>> -> memref<128xi32, #tpu.memory_space<hbm>>
          %dma_start3A_636 = tpu.memref_slice %arg4[%mul3A_622] : memref<800000xi32, #tpu.memory_space<hbm>> -> memref<128xi32, #tpu.memory_space<hbm>>
          tpu.enqueue_dma source(%dma_start3A_636 : memref<128xi32, #tpu.memory_space<hbm>>) target(%arg21 : memref<128xi32, #tpu.memory_space<vmem>>) target_semaphore(%arg41 : memref<!tpu.dma_semaphore, #tpu.memory_space<semaphore_mem>>)
          %add3A_637 = arith.constant 400000 : i32
          %add3A_638 = arith.addi %add3A_637, %mul3A_622 : i32
          %dma_start3A_639 = tpu.memref_slice %arg4[%add3A_638] : memref<800000xi32, #tpu.memory_space<hbm>> -> memref<128xi32, #tpu.memory_space<hbm>>
          %dma_start3A_640 = tpu.memref_slice %arg4[%add3A_638] : memref<800000xi32, #tpu.memory_space<hbm>> -> memref<128xi32, #tpu.memory_space<hbm>>
          tpu.enqueue_dma source(%dma_start3A_640 : memref<128xi32, #tpu.memory_space<hbm>>) target(%arg24 : memref<128xi32, #tpu.memory_space<vmem>>) target_semaphore(%arg41 : memref<!tpu.dma_semaphore, #tpu.memory_space<semaphore_mem>>)
        } else {
        }
      } else {
      }
      %ge3A_190 = arith.constant 1 : i32
      %ge3A_191 = arith.cmpi sge, %add3A_178, %ge3A_190 : i32
      %sub3A_192 = arith.constant 1 : i32
      %sub3A_193 = arith.subi %add3A_178, %sub3A_192 : i32
      %mul3A_194 = arith.constant 32 : i32
      %mul3A_195 = arith.muli %sub3A_193, %mul3A_194 : i32
      %add3A_196 = arith.addi %add3A, %mul3A_195 : i32
      %lt3A_197 = arith.constant 3125 : i32
      %lt3A_198 = arith.cmpi slt, %add3A_196, %lt3A_197 : i32
      %and3A_199 = arith.andi %ge3A_191, %lt3A_198 : i1
      %convert_element_type3A_200 = arith.extui %and3A_199 : i1 to i32
      %cond3A_201 = arith.constant 0 : i32
      %cond3A_202 = arith.cmpi ne, %convert_element_type3A_200, %cond3A_201 : i32
      scf.if %cond3A_202 {
        %dma_wait3A = arith.constant 0 : i32
        %dma_wait3A_231 = arith.constant 0 : i32
        %dma_wait3A_232 = tpu.memref_slice %arg36[%dma_wait3A, %dma_wait3A_231] : memref<128x128xf32, #tpu.memory_space<vmem>> -> memref<128x128xf32, #tpu.memory_space<vmem>>
        %dma_wait3A_233 = arith.constant 0 : i32
        %dma_wait3A_234 = arith.constant 0 : i32
        %dma_wait3A_235 = tpu.memref_slice %arg5[%dma_wait3A_233, %dma_wait3A_234] : memref<3600x128xf32, #tpu.memory_space<hbm>> -> memref<128x128xf32, #tpu.memory_space<hbm>>
        %dma_wait3A_236 = arith.constant 0 : i32
        %dma_wait3A_237 = arith.constant 0 : i32
        %dma_wait3A_238 = tpu.memref_slice %arg36[%dma_wait3A_236, %dma_wait3A_237] : memref<128x128xf32, #tpu.memory_space<vmem>> -> memref<128x128xf32, #tpu.memory_space<vmem>>
        %dma_wait3A_239 = arith.constant 0 : i32
        %dma_wait3A_240 = arith.constant 0 : i32
        %dma_wait3A_241 = tpu.memref_slice %arg5[%dma_wait3A_239, %dma_wait3A_240] : memref<3600x128xf32, #tpu.memory_space<hbm>> -> memref<128x128xf32, #tpu.memory_space<hbm>>
        tpu.wait_dma2 semaphore(%arg44 : memref<!tpu.dma_semaphore, #tpu.memory_space<semaphore_mem>>) src(%dma_wait3A_241 : memref<128x128xf32, #tpu.memory_space<hbm>>) dst(%dma_wait3A_238 : memref<128x128xf32, #tpu.memory_space<vmem>>)
        %sub3A_242 = arith.constant 1 : i32
        %sub3A_243 = arith.subi %add3A_178, %sub3A_242 : i32
        %mul3A_244 = arith.constant 32 : i32
        %mul3A_245 = arith.muli %sub3A_243, %mul3A_244 : i32
        %add3A_246 = arith.addi %add3A, %mul3A_245 : i32
        %mul3A_247 = arith.constant 128 : i32
        %mul3A_248 = arith.muli %add3A_246, %mul3A_247 : i32
        %dma_start3A_249 = arith.constant 0 : i32
        %dma_start3A_250 = tpu.memref_slice %arg6[%mul3A_248, %dma_start3A_249] : memref<400000x128xf32, #tpu.memory_space<hbm>> -> memref<128x128xf32, #tpu.memory_space<hbm>>
        %dma_start3A_251 = arith.constant 0 : i32
        %dma_start3A_252 = tpu.memref_slice %arg6[%mul3A_248, %dma_start3A_251] : memref<400000x128xf32, #tpu.memory_space<hbm>> -> memref<128x128xf32, #tpu.memory_space<hbm>>
        tpu.enqueue_dma source(%arg36 : memref<128x128xf32, #tpu.memory_space<vmem>>) target(%dma_start3A_252 : memref<128x128xf32, #tpu.memory_space<hbm>>) target_semaphore(%arg48 : memref<!tpu.dma_semaphore, #tpu.memory_space<semaphore_mem>>)
      } else {
      }
      %mul3A_203 = arith.constant 4 : i32
      %mul3A_204 = arith.muli %add3A_121, %mul3A_203 : i32
      %add3A_205 = arith.constant 3 : i32
      %add3A_206 = arith.addi %mul3A_204, %add3A_205 : i32
      %lt3A_207 = arith.constant 98 : i32
      %lt3A_208 = arith.cmpi slt, %add3A_206, %lt3A_207 : i32
      %mul3A_209 = arith.constant 32 : i32
      %mul3A_210 = arith.muli %add3A_206, %mul3A_209 : i32
      %add3A_211 = arith.addi %add3A, %mul3A_210 : i32
      %lt3A_212 = arith.constant 3125 : i32
      %lt3A_213 = arith.cmpi slt, %add3A_211, %lt3A_212 : i32
      %and3A_214 = arith.andi %lt3A_208, %lt3A_213 : i1
      %convert_element_type3A_215 = arith.extui %and3A_214 : i1 to i32
      %cond3A_216 = arith.constant 0 : i32
      %cond3A_217 = arith.cmpi ne, %convert_element_type3A_215, %cond3A_216 : i32
      scf.if %cond3A_217 {
        %dma_wait3A = arith.constant 0 : i32
        %dma_wait3A_231 = tpu.memref_slice %arg2[%dma_wait3A] : memref<800000xi32, #tpu.memory_space<hbm>> -> memref<128xi32, #tpu.memory_space<hbm>>
        %dma_wait3A_232 = arith.constant 0 : i32
        %dma_wait3A_233 = tpu.memref_slice %arg2[%dma_wait3A_232] : memref<800000xi32, #tpu.memory_space<hbm>> -> memref<128xi32, #tpu.memory_space<hbm>>
        tpu.wait_dma2 semaphore(%arg42 : memref<!tpu.dma_semaphore, #tpu.memory_space<semaphore_mem>>) src(%dma_wait3A_233 : memref<128xi32, #tpu.memory_space<hbm>>) dst(%arg25 : memref<128xi32, #tpu.memory_space<vmem>>)
        %dma_wait3A_234 = arith.constant 0 : i32
        %dma_wait3A_235 = tpu.memref_slice %arg2[%dma_wait3A_234] : memref<800000xi32, #tpu.memory_space<hbm>> -> memref<128xi32, #tpu.memory_space<hbm>>
        %dma_wait3A_236 = arith.constant 0 : i32
        %dma_wait3A_237 = tpu.memref_slice %arg2[%dma_wait3A_236] : memref<800000xi32, #tpu.memory_space<hbm>> -> memref<128xi32, #tpu.memory_space<hbm>>
        tpu.wait_dma2 semaphore(%arg42 : memref<!tpu.dma_semaphore, #tpu.memory_space<semaphore_mem>>) src(%dma_wait3A_237 : memref<128xi32, #tpu.memory_space<hbm>>) dst(%arg26 : memref<128xi32, #tpu.memory_space<vmem>>)
        %dma_wait3A_238 = arith.constant 0 : i32
        %dma_wait3A_239 = tpu.memref_slice %arg2[%dma_wait3A_238] : memref<800000xi32, #tpu.memory_space<hbm>> -> memref<128xi32, #tpu.memory_space<hbm>>
        %dma_wait3A_240 = arith.constant 0 : i32
        %dma_wait3A_241 = tpu.memref_slice %arg2[%dma_wait3A_240] : memref<800000xi32, #tpu.memory_space<hbm>> -> memref<128xi32, #tpu.memory_space<hbm>>
        tpu.wait_dma2 semaphore(%arg42 : memref<!tpu.dma_semaphore, #tpu.memory_space<semaphore_mem>>) src(%dma_wait3A_241 : memref<128xi32, #tpu.memory_space<hbm>>) dst(%arg27 : memref<128xi32, #tpu.memory_space<vmem>>)
        %dma_wait3A_242 = arith.constant 0 : i32
        %dma_wait3A_243 = tpu.memref_slice %arg2[%dma_wait3A_242] : memref<800000xi32, #tpu.memory_space<hbm>> -> memref<128xi32, #tpu.memory_space<hbm>>
        %dma_wait3A_244 = arith.constant 0 : i32
        %dma_wait3A_245 = tpu.memref_slice %arg2[%dma_wait3A_244] : memref<800000xi32, #tpu.memory_space<hbm>> -> memref<128xi32, #tpu.memory_space<hbm>>
        tpu.wait_dma2 semaphore(%arg42 : memref<!tpu.dma_semaphore, #tpu.memory_space<semaphore_mem>>) src(%dma_wait3A_245 : memref<128xi32, #tpu.memory_space<hbm>>) dst(%arg28 : memref<128xi32, #tpu.memory_space<vmem>>)
        %dma_wait3A_246 = arith.constant 0 : i32
        %dma_wait3A_247 = tpu.memref_slice %arg2[%dma_wait3A_246] : memref<800000xi32, #tpu.memory_space<hbm>> -> memref<128xi32, #tpu.memory_space<hbm>>
        %dma_wait3A_248 = arith.constant 0 : i32
        %dma_wait3A_249 = tpu.memref_slice %arg2[%dma_wait3A_248] : memref<800000xi32, #tpu.memory_space<hbm>> -> memref<128xi32, #tpu.memory_space<hbm>>
        tpu.wait_dma2 semaphore(%arg42 : memref<!tpu.dma_semaphore, #tpu.memory_space<semaphore_mem>>) src(%dma_wait3A_249 : memref<128xi32, #tpu.memory_space<hbm>>) dst(%arg29 : memref<128xi32, #tpu.memory_space<vmem>>)
        %dma_wait3A_250 = arith.constant 0 : i32
        %dma_wait3A_251 = tpu.memref_slice %arg2[%dma_wait3A_250] : memref<800000xi32, #tpu.memory_space<hbm>> -> memref<128xi32, #tpu.memory_space<hbm>>
        %dma_wait3A_252 = arith.constant 0 : i32
        %dma_wait3A_253 = tpu.memref_slice %arg2[%dma_wait3A_252] : memref<800000xi32, #tpu.memory_space<hbm>> -> memref<128xi32, #tpu.memory_space<hbm>>
        tpu.wait_dma2 semaphore(%arg42 : memref<!tpu.dma_semaphore, #tpu.memory_space<semaphore_mem>>) src(%dma_wait3A_253 : memref<128xi32, #tpu.memory_space<hbm>>) dst(%arg30 : memref<128xi32, #tpu.memory_space<vmem>>)
        %get3A = arith.constant 0 : index
        %get3A_254 = tpu.vector_load %arg25[%get3A] {strides = array<i32>} : memref<128xi32, #tpu.memory_space<vmem>>, vector<16xi32>,
        %get3A_255 = vector.shape_cast %get3A_254 : vector<16xi32> to vector<16xi32>
        %mul3A_256 = arith.constant 12 : i32
        %mul3A_257 = vector.broadcast %mul3A_256 : i32 to vector<16xi32>
        %mul3A_258 = arith.muli %get3A_255, %mul3A_257 : vector<16xi32>
        %get3A_259 = arith.constant 0 : index
        %get3A_260 = tpu.vector_load %arg26[%get3A_259] {strides = array<i32>} : memref<128xi32, #tpu.memory_space<vmem>>, vector<16xi32>,
        %get3A_261 = vector.shape_cast %get3A_260 : vector<16xi32> to vector<16xi32>
        %mul3A_262 = arith.constant 2 : i32
        %mul3A_263 = vector.broadcast %mul3A_262 : i32 to vector<16xi32>
        %mul3A_264 = arith.muli %get3A_261, %mul3A_263 : vector<16xi32>
        %add3A_265 = arith.addi %mul3A_258, %mul3A_264 : vector<16xi32>
        %get3A_266 = arith.constant 0 : index
        %get3A_267 = tpu.vector_load %arg27[%get3A_266] {strides = array<i32>} : memref<128xi32, #tpu.memory_space<vmem>>, vector<16xi32>,
        %get3A_268 = vector.shape_cast %get3A_267 : vector<16xi32> to vector<16xi32>
        %add3A_269 = arith.addi %add3A_265, %get3A_268 : vector<16xi32>
        %get3A_270 = arith.constant 0 : index
        %get3A_271 = tpu.vector_load %arg28[%get3A_270] {strides = array<i32>} : memref<128xi32, #tpu.memory_space<vmem>>, vector<16xi32>,
        %get3A_272 = vector.shape_cast %get3A_271 : vector<16xi32> to vector<16xi32>
        %mul3A_273 = arith.constant 12 : i32
        %mul3A_274 = vector.broadcast %mul3A_273 : i32 to vector<16xi32>
        %mul3A_275 = arith.muli %get3A_272, %mul3A_274 : vector<16xi32>
        %get3A_276 = arith.constant 0 : index
        %get3A_277 = tpu.vector_load %arg29[%get3A_276] {strides = array<i32>} : memref<128xi32, #tpu.memory_space<vmem>>, vector<16xi32>,
        %get3A_278 = vector.shape_cast %get3A_277 : vector<16xi32> to vector<16xi32>
        %mul3A_279 = arith.constant 2 : i32
        %mul3A_280 = vector.broadcast %mul3A_279 : i32 to vector<16xi32>
        %mul3A_281 = arith.muli %get3A_278, %mul3A_280 : vector<16xi32>
        %add3A_282 = arith.addi %mul3A_275, %mul3A_281 : vector<16xi32>
        %get3A_283 = arith.constant 0 : index
        %get3A_284 = tpu.vector_load %arg30[%get3A_283] {strides = array<i32>} : memref<128xi32, #tpu.memory_space<vmem>>, vector<16xi32>,
        %get3A_285 = vector.shape_cast %get3A_284 : vector<16xi32> to vector<16xi32>
        %add3A_286 = arith.addi %add3A_282, %get3A_285 : vector<16xi32>
        %mul3A_287 = arith.constant 60 : i32
        %mul3A_288 = vector.broadcast %mul3A_287 : i32 to vector<16xi32>
        %mul3A_289 = arith.muli %add3A_269, %mul3A_288 : vector<16xi32>
        %add3A_290 = arith.addi %mul3A_289, %add3A_286 : vector<16xi32>
        %swap3A = arith.constant 0 : index
        %swap3A_291 = tpu.vector_load %arg34[%swap3A] {strides = array<i32>} : memref<128xi32, #tpu.memory_space<vmem>>, vector<16xi32>,
        %swap3A_292 = vector.shape_cast %swap3A_291 : vector<16xi32> to vector<16xi32>
        %swap3A_293 = vector.shape_cast %add3A_290 : vector<16xi32> to vector<16xi32>
        tpu.vector_store %arg34[%swap3A], %swap3A_293 {strides = array<i32>} : memref<128xi32, #tpu.memory_space<vmem>>, vector<16xi32>,
        %get3A_294 = arith.constant 16 : index
        %get3A_295 = tpu.vector_load %arg25[%get3A_294] {strides = array<i32>} : memref<128xi32, #tpu.memory_space<vmem>>, vector<16xi32>,
        %get3A_296 = vector.shape_cast %get3A_295 : vector<16xi32> to vector<16xi32>
        %mul3A_297 = arith.constant 12 : i32
        %mul3A_298 = vector.broadcast %mul3A_297 : i32 to vector<16xi32>
        %mul3A_299 = arith.muli %get3A_296, %mul3A_298 : vector<16xi32>
        %get3A_300 = arith.constant 16 : index
        %get3A_301 = tpu.vector_load %arg26[%get3A_300] {strides = array<i32>} : memref<128xi32, #tpu.memory_space<vmem>>, vector<16xi32>,
        %get3A_302 = vector.shape_cast %get3A_301 : vector<16xi32> to vector<16xi32>
        %mul3A_303 = arith.constant 2 : i32
        %mul3A_304 = vector.broadcast %mul3A_303 : i32 to vector<16xi32>
        %mul3A_305 = arith.muli %get3A_302, %mul3A_304 : vector<16xi32>
        %add3A_306 = arith.addi %mul3A_299, %mul3A_305 : vector<16xi32>
        %get3A_307 = arith.constant 16 : index
        %get3A_308 = tpu.vector_load %arg27[%get3A_307] {strides = array<i32>} : memref<128xi32, #tpu.memory_space<vmem>>, vector<16xi32>,
        %get3A_309 = vector.shape_cast %get3A_308 : vector<16xi32> to vector<16xi32>
        %add3A_310 = arith.addi %add3A_306, %get3A_309 : vector<16xi32>
        %get3A_311 = arith.constant 16 : index
        %get3A_312 = tpu.vector_load %arg28[%get3A_311] {strides = array<i32>} : memref<128xi32, #tpu.memory_space<vmem>>, vector<16xi32>,
        %get3A_313 = vector.shape_cast %get3A_312 : vector<16xi32> to vector<16xi32>
        %mul3A_314 = arith.constant 12 : i32
        %mul3A_315 = vector.broadcast %mul3A_314 : i32 to vector<16xi32>
        %mul3A_316 = arith.muli %get3A_313, %mul3A_315 : vector<16xi32>
        %get3A_317 = arith.constant 16 : index
        %get3A_318 = tpu.vector_load %arg29[%get3A_317] {strides = array<i32>} : memref<128xi32, #tpu.memory_space<vmem>>, vector<16xi32>,
        %get3A_319 = vector.shape_cast %get3A_318 : vector<16xi32> to vector<16xi32>
        %mul3A_320 = arith.constant 2 : i32
        %mul3A_321 = vector.broadcast %mul3A_320 : i32 to vector<16xi32>
        %mul3A_322 = arith.muli %get3A_319, %mul3A_321 : vector<16xi32>
        %add3A_323 = arith.addi %mul3A_316, %mul3A_322 : vector<16xi32>
        %get3A_324 = arith.constant 16 : index
        %get3A_325 = tpu.vector_load %arg30[%get3A_324] {strides = array<i32>} : memref<128xi32, #tpu.memory_space<vmem>>, vector<16xi32>,
        %get3A_326 = vector.shape_cast %get3A_325 : vector<16xi32> to vector<16xi32>
        %add3A_327 = arith.addi %add3A_323, %get3A_326 : vector<16xi32>
        %mul3A_328 = arith.constant 60 : i32
        %mul3A_329 = vector.broadcast %mul3A_328 : i32 to vector<16xi32>
        %mul3A_330 = arith.muli %add3A_310, %mul3A_329 : vector<16xi32>
        %add3A_331 = arith.addi %mul3A_330, %add3A_327 : vector<16xi32>
        %swap3A_332 = arith.constant 16 : index
        %swap3A_333 = tpu.vector_load %arg34[%swap3A_332] {strides = array<i32>} : memref<128xi32, #tpu.memory_space<vmem>>, vector<16xi32>,
        %swap3A_334 = vector.shape_cast %swap3A_333 : vector<16xi32> to vector<16xi32>
        %swap3A_335 = vector.shape_cast %add3A_331 : vector<16xi32> to vector<16xi32>
        tpu.vector_store %arg34[%swap3A_332], %swap3A_335 {strides = array<i32>} : memref<128xi32, #tpu.memory_space<vmem>>, vector<16xi32>,
        %get3A_336 = arith.constant 32 : index
        %get3A_337 = tpu.vector_load %arg25[%get3A_336] {strides = array<i32>} : memref<128xi32, #tpu.memory_space<vmem>>, vector<16xi32>,
        %get3A_338 = vector.shape_cast %get3A_337 : vector<16xi32> to vector<16xi32>
        %mul3A_339 = arith.constant 12 : i32
        %mul3A_340 = vector.broadcast %mul3A_339 : i32 to vector<16xi32>
        %mul3A_341 = arith.muli %get3A_338, %mul3A_340 : vector<16xi32>
        %get3A_342 = arith.constant 32 : index
        %get3A_343 = tpu.vector_load %arg26[%get3A_342] {strides = array<i32>} : memref<128xi32, #tpu.memory_space<vmem>>, vector<16xi32>,
        %get3A_344 = vector.shape_cast %get3A_343 : vector<16xi32> to vector<16xi32>
        %mul3A_345 = arith.constant 2 : i32
        %mul3A_346 = vector.broadcast %mul3A_345 : i32 to vector<16xi32>
        %mul3A_347 = arith.muli %get3A_344, %mul3A_346 : vector<16xi32>
        %add3A_348 = arith.addi %mul3A_341, %mul3A_347 : vector<16xi32>
        %get3A_349 = arith.constant 32 : index
        %get3A_350 = tpu.vector_load %arg27[%get3A_349] {strides = array<i32>} : memref<128xi32, #tpu.memory_space<vmem>>, vector<16xi32>,
        %get3A_351 = vector.shape_cast %get3A_350 : vector<16xi32> to vector<16xi32>
        %add3A_352 = arith.addi %add3A_348, %get3A_351 : vector<16xi32>
        %get3A_353 = arith.constant 32 : index
        %get3A_354 = tpu.vector_load %arg28[%get3A_353] {strides = array<i32>} : memref<128xi32, #tpu.memory_space<vmem>>, vector<16xi32>,
        %get3A_355 = vector.shape_cast %get3A_354 : vector<16xi32> to vector<16xi32>
        %mul3A_356 = arith.constant 12 : i32
        %mul3A_357 = vector.broadcast %mul3A_356 : i32 to vector<16xi32>
        %mul3A_358 = arith.muli %get3A_355, %mul3A_357 : vector<16xi32>
        %get3A_359 = arith.constant 32 : index
        %get3A_360 = tpu.vector_load %arg29[%get3A_359] {strides = array<i32>} : memref<128xi32, #tpu.memory_space<vmem>>, vector<16xi32>,
        %get3A_361 = vector.shape_cast %get3A_360 : vector<16xi32> to vector<16xi32>
        %mul3A_362 = arith.constant 2 : i32
        %mul3A_363 = vector.broadcast %mul3A_362 : i32 to vector<16xi32>
        %mul3A_364 = arith.muli %get3A_361, %mul3A_363 : vector<16xi32>
        %add3A_365 = arith.addi %mul3A_358, %mul3A_364 : vector<16xi32>
        %get3A_366 = arith.constant 32 : index
        %get3A_367 = tpu.vector_load %arg30[%get3A_366] {strides = array<i32>} : memref<128xi32, #tpu.memory_space<vmem>>, vector<16xi32>,
        %get3A_368 = vector.shape_cast %get3A_367 : vector<16xi32> to vector<16xi32>
        %add3A_369 = arith.addi %add3A_365, %get3A_368 : vector<16xi32>
        %mul3A_370 = arith.constant 60 : i32
        %mul3A_371 = vector.broadcast %mul3A_370 : i32 to vector<16xi32>
        %mul3A_372 = arith.muli %add3A_352, %mul3A_371 : vector<16xi32>
        %add3A_373 = arith.addi %mul3A_372, %add3A_369 : vector<16xi32>
        %swap3A_374 = arith.constant 32 : index
        %swap3A_375 = tpu.vector_load %arg34[%swap3A_374] {strides = array<i32>} : memref<128xi32, #tpu.memory_space<vmem>>, vector<16xi32>,
        %swap3A_376 = vector.shape_cast %swap3A_375 : vector<16xi32> to vector<16xi32>
        %swap3A_377 = vector.shape_cast %add3A_373 : vector<16xi32> to vector<16xi32>
        tpu.vector_store %arg34[%swap3A_374], %swap3A_377 {strides = array<i32>} : memref<128xi32, #tpu.memory_space<vmem>>, vector<16xi32>,
        %get3A_378 = arith.constant 48 : index
        %get3A_379 = tpu.vector_load %arg25[%get3A_378] {strides = array<i32>} : memref<128xi32, #tpu.memory_space<vmem>>, vector<16xi32>,
        %get3A_380 = vector.shape_cast %get3A_379 : vector<16xi32> to vector<16xi32>
        %mul3A_381 = arith.constant 12 : i32
        %mul3A_382 = vector.broadcast %mul3A_381 : i32 to vector<16xi32>
        %mul3A_383 = arith.muli %get3A_380, %mul3A_382 : vector<16xi32>
        %get3A_384 = arith.constant 48 : index
        %get3A_385 = tpu.vector_load %arg26[%get3A_384] {strides = array<i32>} : memref<128xi32, #tpu.memory_space<vmem>>, vector<16xi32>,
        %get3A_386 = vector.shape_cast %get3A_385 : vector<16xi32> to vector<16xi32>
        %mul3A_387 = arith.constant 2 : i32
        %mul3A_388 = vector.broadcast %mul3A_387 : i32 to vector<16xi32>
        %mul3A_389 = arith.muli %get3A_386, %mul3A_388 : vector<16xi32>
        %add3A_390 = arith.addi %mul3A_383, %mul3A_389 : vector<16xi32>
        %get3A_391 = arith.constant 48 : index
        %get3A_392 = tpu.vector_load %arg27[%get3A_391] {strides = array<i32>} : memref<128xi32, #tpu.memory_space<vmem>>, vector<16xi32>,
        %get3A_393 = vector.shape_cast %get3A_392 : vector<16xi32> to vector<16xi32>
        %add3A_394 = arith.addi %add3A_390, %get3A_393 : vector<16xi32>
        %get3A_395 = arith.constant 48 : index
        %get3A_396 = tpu.vector_load %arg28[%get3A_395] {strides = array<i32>} : memref<128xi32, #tpu.memory_space<vmem>>, vector<16xi32>,
        %get3A_397 = vector.shape_cast %get3A_396 : vector<16xi32> to vector<16xi32>
        %mul3A_398 = arith.constant 12 : i32
        %mul3A_399 = vector.broadcast %mul3A_398 : i32 to vector<16xi32>
        %mul3A_400 = arith.muli %get3A_397, %mul3A_399 : vector<16xi32>
        %get3A_401 = arith.constant 48 : index
        %get3A_402 = tpu.vector_load %arg29[%get3A_401] {strides = array<i32>} : memref<128xi32, #tpu.memory_space<vmem>>, vector<16xi32>,
        %get3A_403 = vector.shape_cast %get3A_402 : vector<16xi32> to vector<16xi32>
        %mul3A_404 = arith.constant 2 : i32
        %mul3A_405 = vector.broadcast %mul3A_404 : i32 to vector<16xi32>
        %mul3A_406 = arith.muli %get3A_403, %mul3A_405 : vector<16xi32>
        %add3A_407 = arith.addi %mul3A_400, %mul3A_406 : vector<16xi32>
        %get3A_408 = arith.constant 48 : index
        %get3A_409 = tpu.vector_load %arg30[%get3A_408] {strides = array<i32>} : memref<128xi32, #tpu.memory_space<vmem>>, vector<16xi32>,
        %get3A_410 = vector.shape_cast %get3A_409 : vector<16xi32> to vector<16xi32>
        %add3A_411 = arith.addi %add3A_407, %get3A_410 : vector<16xi32>
        %mul3A_412 = arith.constant 60 : i32
        %mul3A_413 = vector.broadcast %mul3A_412 : i32 to vector<16xi32>
        %mul3A_414 = arith.muli %add3A_394, %mul3A_413 : vector<16xi32>
        %add3A_415 = arith.addi %mul3A_414, %add3A_411 : vector<16xi32>
        %swap3A_416 = arith.constant 48 : index
        %swap3A_417 = tpu.vector_load %arg34[%swap3A_416] {strides = array<i32>} : memref<128xi32, #tpu.memory_space<vmem>>, vector<16xi32>,
        %swap3A_418 = vector.shape_cast %swap3A_417 : vector<16xi32> to vector<16xi32>
        %swap3A_419 = vector.shape_cast %add3A_415 : vector<16xi32> to vector<16xi32>
        tpu.vector_store %arg34[%swap3A_416], %swap3A_419 {strides = array<i32>} : memref<128xi32, #tpu.memory_space<vmem>>, vector<16xi32>,
        %get3A_420 = arith.constant 64 : index
        %get3A_421 = tpu.vector_load %arg25[%get3A_420] {strides = array<i32>} : memref<128xi32, #tpu.memory_space<vmem>>, vector<16xi32>,
        %get3A_422 = vector.shape_cast %get3A_421 : vector<16xi32> to vector<16xi32>
        %mul3A_423 = arith.constant 12 : i32
        %mul3A_424 = vector.broadcast %mul3A_423 : i32 to vector<16xi32>
        %mul3A_425 = arith.muli %get3A_422, %mul3A_424 : vector<16xi32>
        %get3A_426 = arith.constant 64 : index
        %get3A_427 = tpu.vector_load %arg26[%get3A_426] {strides = array<i32>} : memref<128xi32, #tpu.memory_space<vmem>>, vector<16xi32>,
        %get3A_428 = vector.shape_cast %get3A_427 : vector<16xi32> to vector<16xi32>
        %mul3A_429 = arith.constant 2 : i32
        %mul3A_430 = vector.broadcast %mul3A_429 : i32 to vector<16xi32>
        %mul3A_431 = arith.muli %get3A_428, %mul3A_430 : vector<16xi32>
        %add3A_432 = arith.addi %mul3A_425, %mul3A_431 : vector<16xi32>
        %get3A_433 = arith.constant 64 : index
        %get3A_434 = tpu.vector_load %arg27[%get3A_433] {strides = array<i32>} : memref<128xi32, #tpu.memory_space<vmem>>, vector<16xi32>,
        %get3A_435 = vector.shape_cast %get3A_434 : vector<16xi32> to vector<16xi32>
        %add3A_436 = arith.addi %add3A_432, %get3A_435 : vector<16xi32>
        %get3A_437 = arith.constant 64 : index
        %get3A_438 = tpu.vector_load %arg28[%get3A_437] {strides = array<i32>} : memref<128xi32, #tpu.memory_space<vmem>>, vector<16xi32>,
        %get3A_439 = vector.shape_cast %get3A_438 : vector<16xi32> to vector<16xi32>
        %mul3A_440 = arith.constant 12 : i32
        %mul3A_441 = vector.broadcast %mul3A_440 : i32 to vector<16xi32>
        %mul3A_442 = arith.muli %get3A_439, %mul3A_441 : vector<16xi32>
        %get3A_443 = arith.constant 64 : index
        %get3A_444 = tpu.vector_load %arg29[%get3A_443] {strides = array<i32>} : memref<128xi32, #tpu.memory_space<vmem>>, vector<16xi32>,
        %get3A_445 = vector.shape_cast %get3A_444 : vector<16xi32> to vector<16xi32>
        %mul3A_446 = arith.constant 2 : i32
        %mul3A_447 = vector.broadcast %mul3A_446 : i32 to vector<16xi32>
        %mul3A_448 = arith.muli %get3A_445, %mul3A_447 : vector<16xi32>
        %add3A_449 = arith.addi %mul3A_442, %mul3A_448 : vector<16xi32>
        %get3A_450 = arith.constant 64 : index
        %get3A_451 = tpu.vector_load %arg30[%get3A_450] {strides = array<i32>} : memref<128xi32, #tpu.memory_space<vmem>>, vector<16xi32>,
        %get3A_452 = vector.shape_cast %get3A_451 : vector<16xi32> to vector<16xi32>
        %add3A_453 = arith.addi %add3A_449, %get3A_452 : vector<16xi32>
        %mul3A_454 = arith.constant 60 : i32
        %mul3A_455 = vector.broadcast %mul3A_454 : i32 to vector<16xi32>
        %mul3A_456 = arith.muli %add3A_436, %mul3A_455 : vector<16xi32>
        %add3A_457 = arith.addi %mul3A_456, %add3A_453 : vector<16xi32>
        %swap3A_458 = arith.constant 64 : index
        %swap3A_459 = tpu.vector_load %arg34[%swap3A_458] {strides = array<i32>} : memref<128xi32, #tpu.memory_space<vmem>>, vector<16xi32>,
        %swap3A_460 = vector.shape_cast %swap3A_459 : vector<16xi32> to vector<16xi32>
        %swap3A_461 = vector.shape_cast %add3A_457 : vector<16xi32> to vector<16xi32>
        tpu.vector_store %arg34[%swap3A_458], %swap3A_461 {strides = array<i32>} : memref<128xi32, #tpu.memory_space<vmem>>, vector<16xi32>,
        %get3A_462 = arith.constant 80 : index
        %get3A_463 = tpu.vector_load %arg25[%get3A_462] {strides = array<i32>} : memref<128xi32, #tpu.memory_space<vmem>>, vector<16xi32>,
        %get3A_464 = vector.shape_cast %get3A_463 : vector<16xi32> to vector<16xi32>
        %mul3A_465 = arith.constant 12 : i32
        %mul3A_466 = vector.broadcast %mul3A_465 : i32 to vector<16xi32>
        %mul3A_467 = arith.muli %get3A_464, %mul3A_466 : vector<16xi32>
        %get3A_468 = arith.constant 80 : index
        %get3A_469 = tpu.vector_load %arg26[%get3A_468] {strides = array<i32>} : memref<128xi32, #tpu.memory_space<vmem>>, vector<16xi32>,
        %get3A_470 = vector.shape_cast %get3A_469 : vector<16xi32> to vector<16xi32>
        %mul3A_471 = arith.constant 2 : i32
        %mul3A_472 = vector.broadcast %mul3A_471 : i32 to vector<16xi32>
        %mul3A_473 = arith.muli %get3A_470, %mul3A_472 : vector<16xi32>
        %add3A_474 = arith.addi %mul3A_467, %mul3A_473 : vector<16xi32>
        %get3A_475 = arith.constant 80 : index
        %get3A_476 = tpu.vector_load %arg27[%get3A_475] {strides = array<i32>} : memref<128xi32, #tpu.memory_space<vmem>>, vector<16xi32>,
        %get3A_477 = vector.shape_cast %get3A_476 : vector<16xi32> to vector<16xi32>
        %add3A_478 = arith.addi %add3A_474, %get3A_477 : vector<16xi32>
        %get3A_479 = arith.constant 80 : index
        %get3A_480 = tpu.vector_load %arg28[%get3A_479] {strides = array<i32>} : memref<128xi32, #tpu.memory_space<vmem>>, vector<16xi32>,
        %get3A_481 = vector.shape_cast %get3A_480 : vector<16xi32> to vector<16xi32>
        %mul3A_482 = arith.constant 12 : i32
        %mul3A_483 = vector.broadcast %mul3A_482 : i32 to vector<16xi32>
        %mul3A_484 = arith.muli %get3A_481, %mul3A_483 : vector<16xi32>
        %get3A_485 = arith.constant 80 : index
        %get3A_486 = tpu.vector_load %arg29[%get3A_485] {strides = array<i32>} : memref<128xi32, #tpu.memory_space<vmem>>, vector<16xi32>,
        %get3A_487 = vector.shape_cast %get3A_486 : vector<16xi32> to vector<16xi32>
        %mul3A_488 = arith.constant 2 : i32
        %mul3A_489 = vector.broadcast %mul3A_488 : i32 to vector<16xi32>
        %mul3A_490 = arith.muli %get3A_487, %mul3A_489 : vector<16xi32>
        %add3A_491 = arith.addi %mul3A_484, %mul3A_490 : vector<16xi32>
        %get3A_492 = arith.constant 80 : index
        %get3A_493 = tpu.vector_load %arg30[%get3A_492] {strides = array<i32>} : memref<128xi32, #tpu.memory_space<vmem>>, vector<16xi32>,
        %get3A_494 = vector.shape_cast %get3A_493 : vector<16xi32> to vector<16xi32>
        %add3A_495 = arith.addi %add3A_491, %get3A_494 : vector<16xi32>
        %mul3A_496 = arith.constant 60 : i32
        %mul3A_497 = vector.broadcast %mul3A_496 : i32 to vector<16xi32>
        %mul3A_498 = arith.muli %add3A_478, %mul3A_497 : vector<16xi32>
        %add3A_499 = arith.addi %mul3A_498, %add3A_495 : vector<16xi32>
        %swap3A_500 = arith.constant 80 : index
        %swap3A_501 = tpu.vector_load %arg34[%swap3A_500] {strides = array<i32>} : memref<128xi32, #tpu.memory_space<vmem>>, vector<16xi32>,
        %swap3A_502 = vector.shape_cast %swap3A_501 : vector<16xi32> to vector<16xi32>
        %swap3A_503 = vector.shape_cast %add3A_499 : vector<16xi32> to vector<16xi32>
        tpu.vector_store %arg34[%swap3A_500], %swap3A_503 {strides = array<i32>} : memref<128xi32, #tpu.memory_space<vmem>>, vector<16xi32>,
        %get3A_504 = arith.constant 96 : index
        %get3A_505 = tpu.vector_load %arg25[%get3A_504] {strides = array<i32>} : memref<128xi32, #tpu.memory_space<vmem>>, vector<16xi32>,
        %get3A_506 = vector.shape_cast %get3A_505 : vector<16xi32> to vector<16xi32>
        %mul3A_507 = arith.constant 12 : i32
        %mul3A_508 = vector.broadcast %mul3A_507 : i32 to vector<16xi32>
        %mul3A_509 = arith.muli %get3A_506, %mul3A_508 : vector<16xi32>
        %get3A_510 = arith.constant 96 : index
        %get3A_511 = tpu.vector_load %arg26[%get3A_510] {strides = array<i32>} : memref<128xi32, #tpu.memory_space<vmem>>, vector<16xi32>,
        %get3A_512 = vector.shape_cast %get3A_511 : vector<16xi32> to vector<16xi32>
        %mul3A_513 = arith.constant 2 : i32
        %mul3A_514 = vector.broadcast %mul3A_513 : i32 to vector<16xi32>
        %mul3A_515 = arith.muli %get3A_512, %mul3A_514 : vector<16xi32>
        %add3A_516 = arith.addi %mul3A_509, %mul3A_515 : vector<16xi32>
        %get3A_517 = arith.constant 96 : index
        %get3A_518 = tpu.vector_load %arg27[%get3A_517] {strides = array<i32>} : memref<128xi32, #tpu.memory_space<vmem>>, vector<16xi32>,
        %get3A_519 = vector.shape_cast %get3A_518 : vector<16xi32> to vector<16xi32>
        %add3A_520 = arith.addi %add3A_516, %get3A_519 : vector<16xi32>
        %get3A_521 = arith.constant 96 : index
        %get3A_522 = tpu.vector_load %arg28[%get3A_521] {strides = array<i32>} : memref<128xi32, #tpu.memory_space<vmem>>, vector<16xi32>,
        %get3A_523 = vector.shape_cast %get3A_522 : vector<16xi32> to vector<16xi32>
        %mul3A_524 = arith.constant 12 : i32
        %mul3A_525 = vector.broadcast %mul3A_524 : i32 to vector<16xi32>
        %mul3A_526 = arith.muli %get3A_523, %mul3A_525 : vector<16xi32>
        %get3A_527 = arith.constant 96 : index
        %get3A_528 = tpu.vector_load %arg29[%get3A_527] {strides = array<i32>} : memref<128xi32, #tpu.memory_space<vmem>>, vector<16xi32>,
        %get3A_529 = vector.shape_cast %get3A_528 : vector<16xi32> to vector<16xi32>
        %mul3A_530 = arith.constant 2 : i32
        %mul3A_531 = vector.broadcast %mul3A_530 : i32 to vector<16xi32>
        %mul3A_532 = arith.muli %get3A_529, %mul3A_531 : vector<16xi32>
        %add3A_533 = arith.addi %mul3A_526, %mul3A_532 : vector<16xi32>
        %get3A_534 = arith.constant 96 : index
        %get3A_535 = tpu.vector_load %arg30[%get3A_534] {strides = array<i32>} : memref<128xi32, #tpu.memory_space<vmem>>, vector<16xi32>,
        %get3A_536 = vector.shape_cast %get3A_535 : vector<16xi32> to vector<16xi32>
        %add3A_537 = arith.addi %add3A_533, %get3A_536 : vector<16xi32>
        %mul3A_538 = arith.constant 60 : i32
        %mul3A_539 = vector.broadcast %mul3A_538 : i32 to vector<16xi32>
        %mul3A_540 = arith.muli %add3A_520, %mul3A_539 : vector<16xi32>
        %add3A_541 = arith.addi %mul3A_540, %add3A_537 : vector<16xi32>
        %swap3A_542 = arith.constant 96 : index
        %swap3A_543 = tpu.vector_load %arg34[%swap3A_542] {strides = array<i32>} : memref<128xi32, #tpu.memory_space<vmem>>, vector<16xi32>,
        %swap3A_544 = vector.shape_cast %swap3A_543 : vector<16xi32> to vector<16xi32>
        %swap3A_545 = vector.shape_cast %add3A_541 : vector<16xi32> to vector<16xi32>
        tpu.vector_store %arg34[%swap3A_542], %swap3A_545 {strides = array<i32>} : memref<128xi32, #tpu.memory_space<vmem>>, vector<16xi32>,
        %get3A_546 = arith.constant 112 : index
        %get3A_547 = tpu.vector_load %arg25[%get3A_546] {strides = array<i32>} : memref<128xi32, #tpu.memory_space<vmem>>, vector<16xi32>,
        %get3A_548 = vector.shape_cast %get3A_547 : vector<16xi32> to vector<16xi32>
        %mul3A_549 = arith.constant 12 : i32
        %mul3A_550 = vector.broadcast %mul3A_549 : i32 to vector<16xi32>
        %mul3A_551 = arith.muli %get3A_548, %mul3A_550 : vector<16xi32>
        %get3A_552 = arith.constant 112 : index
        %get3A_553 = tpu.vector_load %arg26[%get3A_552] {strides = array<i32>} : memref<128xi32, #tpu.memory_space<vmem>>, vector<16xi32>,
        %get3A_554 = vector.shape_cast %get3A_553 : vector<16xi32> to vector<16xi32>
        %mul3A_555 = arith.constant 2 : i32
        %mul3A_556 = vector.broadcast %mul3A_555 : i32 to vector<16xi32>
        %mul3A_557 = arith.muli %get3A_554, %mul3A_556 : vector<16xi32>
        %add3A_558 = arith.addi %mul3A_551, %mul3A_557 : vector<16xi32>
        %get3A_559 = arith.constant 112 : index
        %get3A_560 = tpu.vector_load %arg27[%get3A_559] {strides = array<i32>} : memref<128xi32, #tpu.memory_space<vmem>>, vector<16xi32>,
        %get3A_561 = vector.shape_cast %get3A_560 : vector<16xi32> to vector<16xi32>
        %add3A_562 = arith.addi %add3A_558, %get3A_561 : vector<16xi32>
        %get3A_563 = arith.constant 112 : index
        %get3A_564 = tpu.vector_load %arg28[%get3A_563] {strides = array<i32>} : memref<128xi32, #tpu.memory_space<vmem>>, vector<16xi32>,
        %get3A_565 = vector.shape_cast %get3A_564 : vector<16xi32> to vector<16xi32>
        %mul3A_566 = arith.constant 12 : i32
        %mul3A_567 = vector.broadcast %mul3A_566 : i32 to vector<16xi32>
        %mul3A_568 = arith.muli %get3A_565, %mul3A_567 : vector<16xi32>
        %get3A_569 = arith.constant 112 : index
        %get3A_570 = tpu.vector_load %arg29[%get3A_569] {strides = array<i32>} : memref<128xi32, #tpu.memory_space<vmem>>, vector<16xi32>,
        %get3A_571 = vector.shape_cast %get3A_570 : vector<16xi32> to vector<16xi32>
        %mul3A_572 = arith.constant 2 : i32
        %mul3A_573 = vector.broadcast %mul3A_572 : i32 to vector<16xi32>
        %mul3A_574 = arith.muli %get3A_571, %mul3A_573 : vector<16xi32>
        %add3A_575 = arith.addi %mul3A_568, %mul3A_574 : vector<16xi32>
        %get3A_576 = arith.constant 112 : index
        %get3A_577 = tpu.vector_load %arg30[%get3A_576] {strides = array<i32>} : memref<128xi32, #tpu.memory_space<vmem>>, vector<16xi32>,
        %get3A_578 = vector.shape_cast %get3A_577 : vector<16xi32> to vector<16xi32>
        %add3A_579 = arith.addi %add3A_575, %get3A_578 : vector<16xi32>
        %mul3A_580 = arith.constant 60 : i32
        %mul3A_581 = vector.broadcast %mul3A_580 : i32 to vector<16xi32>
        %mul3A_582 = arith.muli %add3A_562, %mul3A_581 : vector<16xi32>
        %add3A_583 = arith.addi %mul3A_582, %add3A_579 : vector<16xi32>
        %swap3A_584 = arith.constant 112 : index
        %swap3A_585 = tpu.vector_load %arg34[%swap3A_584] {strides = array<i32>} : memref<128xi32, #tpu.memory_space<vmem>>, vector<16xi32>,
        %swap3A_586 = vector.shape_cast %swap3A_585 : vector<16xi32> to vector<16xi32>
        %swap3A_587 = vector.shape_cast %add3A_583 : vector<16xi32> to vector<16xi32>
        tpu.vector_store %arg34[%swap3A_584], %swap3A_587 {strides = array<i32>} : memref<128xi32, #tpu.memory_space<vmem>>, vector<16xi32>,
        %ge3A_588 = arith.constant 4 : i32
        %ge3A_589 = arith.cmpi sge, %add3A_206, %ge3A_588 : i32
        %convert_element_type3A_590 = arith.extui %ge3A_589 : i1 to i32
        %cond3A_591 = arith.constant 0 : i32
        %cond3A_592 = arith.cmpi ne, %convert_element_type3A_590, %cond3A_591 : i32
        scf.if %cond3A_592 {
          %dma_wait3A_616 = arith.constant 0 : i32
          %dma_wait3A_617 = arith.constant 0 : i32
          %dma_wait3A_618 = tpu.memref_slice %arg6[%dma_wait3A_616, %dma_wait3A_617] : memref<400000x128xf32, #tpu.memory_space<hbm>> -> memref<128x128xf32, #tpu.memory_space<hbm>>
          %dma_wait3A_619 = arith.constant 0 : i32
          %dma_wait3A_620 = arith.constant 0 : i32
          %dma_wait3A_621 = tpu.memref_slice %arg6[%dma_wait3A_619, %dma_wait3A_620] : memref<400000x128xf32, #tpu.memory_space<hbm>> -> memref<128x128xf32, #tpu.memory_space<hbm>>
          tpu.wait_dma2 semaphore(%arg50 : memref<!tpu.dma_semaphore, #tpu.memory_space<semaphore_mem>>) src(%arg38 : memref<128x128xf32, #tpu.memory_space<vmem>>) dst(%dma_wait3A_621 : memref<128x128xf32, #tpu.memory_space<hbm>>)
        } else {
        }
        %dma_start3A_593 = arith.constant 0 : i32
        %dma_start3A_594 = arith.constant 0 : i32
        %dma_start3A_595 = tpu.memref_slice %arg38[%dma_start3A_593, %dma_start3A_594] : memref<128x128xf32, #tpu.memory_space<vmem>> -> memref<128x128xf32, #tpu.memory_space<vmem>>
        %dma_start3A_596 = arith.constant 0 : i32
        %dma_start3A_597 = tpu.memref_slice %arg34[%dma_start3A_596] : memref<128xi32, #tpu.memory_space<vmem>> -> memref<128xi32, #tpu.memory_space<vmem>>
        %dma_start3A_598 = arith.constant 0 : i32
        %dma_start3A_599 = arith.constant 0 : i32
        %dma_start3A_600 = tpu.memref_slice %arg5[%dma_start3A_598, %dma_start3A_599] : memref<3600x128xf32, #tpu.memory_space<hbm>> -> memref<3600x128xf32, #tpu.memory_space<hbm>>
        tpu.enqueue_indirect_dma source(%dma_start3A_600 : memref<3600x128xf32, #tpu.memory_space<hbm>>) target(%dma_start3A_595 : memref<128x128xf32, #tpu.memory_space<vmem>>) offsets(%dma_start3A_597 : memref<128xi32, #tpu.memory_space<vmem>>) semaphore(%arg46 : memref<!tpu.dma_semaphore, #tpu.memory_space<semaphore_mem>>)
        %add3A_601 = arith.constant 4 : i32
        %add3A_602 = arith.addi %add3A_206, %add3A_601 : i32
        %lt3A_603 = arith.constant 98 : i32
        %lt3A_604 = arith.cmpi slt, %add3A_602, %lt3A_603 : i32
        %add3A_605 = arith.constant 4 : i32
        %add3A_606 = arith.addi %add3A_206, %add3A_605 : i32
        %mul3A_607 = arith.constant 32 : i32
        %mul3A_608 = arith.muli %add3A_606, %mul3A_607 : i32
        %add3A_609 = arith.addi %add3A, %mul3A_608 : i32
        %lt3A_610 = arith.constant 3125 : i32
        %lt3A_611 = arith.cmpi slt, %add3A_609, %lt3A_610 : i32
        %and3A_612 = arith.andi %lt3A_604, %lt3A_611 : i1
        %convert_element_type3A_613 = arith.extui %and3A_612 : i1 to i32
        %cond3A_614 = arith.constant 0 : i32
        %cond3A_615 = arith.cmpi ne, %convert_element_type3A_613, %cond3A_614 : i32
        scf.if %cond3A_615 {
          %add3A_616 = arith.constant 4 : i32
          %add3A_617 = arith.addi %add3A_206, %add3A_616 : i32
          %mul3A_618 = arith.constant 32 : i32
          %mul3A_619 = arith.muli %add3A_617, %mul3A_618 : i32
          %add3A_620 = arith.addi %add3A, %mul3A_619 : i32
          %mul3A_621 = arith.constant 128 : i32
          %mul3A_622 = arith.muli %add3A_620, %mul3A_621 : i32
          %dma_start3A_623 = tpu.memref_slice %arg2[%mul3A_622] : memref<800000xi32, #tpu.memory_space<hbm>> -> memref<128xi32, #tpu.memory_space<hbm>>
          %dma_start3A_624 = tpu.memref_slice %arg2[%mul3A_622] : memref<800000xi32, #tpu.memory_space<hbm>> -> memref<128xi32, #tpu.memory_space<hbm>>
          tpu.enqueue_dma source(%dma_start3A_624 : memref<128xi32, #tpu.memory_space<hbm>>) target(%arg25 : memref<128xi32, #tpu.memory_space<vmem>>) target_semaphore(%arg42 : memref<!tpu.dma_semaphore, #tpu.memory_space<semaphore_mem>>)
          %add3A_625 = arith.constant 400000 : i32
          %add3A_626 = arith.addi %add3A_625, %mul3A_622 : i32
          %dma_start3A_627 = tpu.memref_slice %arg2[%add3A_626] : memref<800000xi32, #tpu.memory_space<hbm>> -> memref<128xi32, #tpu.memory_space<hbm>>
          %dma_start3A_628 = tpu.memref_slice %arg2[%add3A_626] : memref<800000xi32, #tpu.memory_space<hbm>> -> memref<128xi32, #tpu.memory_space<hbm>>
          tpu.enqueue_dma source(%dma_start3A_628 : memref<128xi32, #tpu.memory_space<hbm>>) target(%arg28 : memref<128xi32, #tpu.memory_space<vmem>>) target_semaphore(%arg42 : memref<!tpu.dma_semaphore, #tpu.memory_space<semaphore_mem>>)
          %dma_start3A_629 = tpu.memref_slice %arg3[%mul3A_622] : memref<800000xi32, #tpu.memory_space<hbm>> -> memref<128xi32, #tpu.memory_space<hbm>>
          %dma_start3A_630 = tpu.memref_slice %arg3[%mul3A_622] : memref<800000xi32, #tpu.memory_space<hbm>> -> memref<128xi32, #tpu.memory_space<hbm>>
          tpu.enqueue_dma source(%dma_start3A_630 : memref<128xi32, #tpu.memory_space<hbm>>) target(%arg26 : memref<128xi32, #tpu.memory_space<vmem>>) target_semaphore(%arg42 : memref<!tpu.dma_semaphore, #tpu.memory_space<semaphore_mem>>)
          %add3A_631 = arith.constant 400000 : i32
          %add3A_632 = arith.addi %add3A_631, %mul3A_622 : i32
          %dma_start3A_633 = tpu.memref_slice %arg3[%add3A_632] : memref<800000xi32, #tpu.memory_space<hbm>> -> memref<128xi32, #tpu.memory_space<hbm>>
          %dma_start3A_634 = tpu.memref_slice %arg3[%add3A_632] : memref<800000xi32, #tpu.memory_space<hbm>> -> memref<128xi32, #tpu.memory_space<hbm>>
          tpu.enqueue_dma source(%dma_start3A_634 : memref<128xi32, #tpu.memory_space<hbm>>) target(%arg29 : memref<128xi32, #tpu.memory_space<vmem>>) target_semaphore(%arg42 : memref<!tpu.dma_semaphore, #tpu.memory_space<semaphore_mem>>)
          %dma_start3A_635 = tpu.memref_slice %arg4[%mul3A_622] : memref<800000xi32, #tpu.memory_space<hbm>> -> memref<128xi32, #tpu.memory_space<hbm>>
          %dma_start3A_636 = tpu.memref_slice %arg4[%mul3A_622] : memref<800000xi32, #tpu.memory_space<hbm>> -> memref<128xi32, #tpu.memory_space<hbm>>
          tpu.enqueue_dma source(%dma_start3A_636 : memref<128xi32, #tpu.memory_space<hbm>>) target(%arg27 : memref<128xi32, #tpu.memory_space<vmem>>) target_semaphore(%arg42 : memref<!tpu.dma_semaphore, #tpu.memory_space<semaphore_mem>>)
          %add3A_637 = arith.constant 400000 : i32
          %add3A_638 = arith.addi %add3A_637, %mul3A_622 : i32
          %dma_start3A_639 = tpu.memref_slice %arg4[%add3A_638] : memref<800000xi32, #tpu.memory_space<hbm>> -> memref<128xi32, #tpu.memory_space<hbm>>
          %dma_start3A_640 = tpu.memref_slice %arg4[%add3A_638] : memref<800000xi32, #tpu.memory_space<hbm>> -> memref<128xi32, #tpu.memory_space<hbm>>
          tpu.enqueue_dma source(%dma_start3A_640 : memref<128xi32, #tpu.memory_space<hbm>>) target(%arg30 : memref<128xi32, #tpu.memory_space<vmem>>) target_semaphore(%arg42 : memref<!tpu.dma_semaphore, #tpu.memory_space<semaphore_mem>>)
        } else {
        }
      } else {
      }
      %ge3A_218 = arith.constant 1 : i32
      %ge3A_219 = arith.cmpi sge, %add3A_206, %ge3A_218 : i32
      %sub3A_220 = arith.constant 1 : i32
      %sub3A_221 = arith.subi %add3A_206, %sub3A_220 : i32
      %mul3A_222 = arith.constant 32 : i32
      %mul3A_223 = arith.muli %sub3A_221, %mul3A_222 : i32
      %add3A_224 = arith.addi %add3A, %mul3A_223 : i32
      %lt3A_225 = arith.constant 3125 : i32
      %lt3A_226 = arith.cmpi slt, %add3A_224, %lt3A_225 : i32
      %and3A_227 = arith.andi %ge3A_219, %lt3A_226 : i1
      %convert_element_type3A_228 = arith.extui %and3A_227 : i1 to i32
      %cond3A_229 = arith.constant 0 : i32
      %cond3A_230 = arith.cmpi ne, %convert_element_type3A_228, %cond3A_229 : i32
      scf.if %cond3A_230 {
        %dma_wait3A = arith.constant 0 : i32
        %dma_wait3A_231 = arith.constant 0 : i32
        %dma_wait3A_232 = tpu.memref_slice %arg37[%dma_wait3A, %dma_wait3A_231] : memref<128x128xf32, #tpu.memory_space<vmem>> -> memref<128x128xf32, #tpu.memory_space<vmem>>
        %dma_wait3A_233 = arith.constant 0 : i32
        %dma_wait3A_234 = arith.constant 0 : i32
        %dma_wait3A_235 = tpu.memref_slice %arg5[%dma_wait3A_233, %dma_wait3A_234] : memref<3600x128xf32, #tpu.memory_space<hbm>> -> memref<128x128xf32, #tpu.memory_space<hbm>>
        %dma_wait3A_236 = arith.constant 0 : i32
        %dma_wait3A_237 = arith.constant 0 : i32
        %dma_wait3A_238 = tpu.memref_slice %arg37[%dma_wait3A_236, %dma_wait3A_237] : memref<128x128xf32, #tpu.memory_space<vmem>> -> memref<128x128xf32, #tpu.memory_space<vmem>>
        %dma_wait3A_239 = arith.constant 0 : i32
        %dma_wait3A_240 = arith.constant 0 : i32
        %dma_wait3A_241 = tpu.memref_slice %arg5[%dma_wait3A_239, %dma_wait3A_240] : memref<3600x128xf32, #tpu.memory_space<hbm>> -> memref<128x128xf32, #tpu.memory_space<hbm>>
        tpu.wait_dma2 semaphore(%arg45 : memref<!tpu.dma_semaphore, #tpu.memory_space<semaphore_mem>>) src(%dma_wait3A_241 : memref<128x128xf32, #tpu.memory_space<hbm>>) dst(%dma_wait3A_238 : memref<128x128xf32, #tpu.memory_space<vmem>>)
        %sub3A_242 = arith.constant 1 : i32
        %sub3A_243 = arith.subi %add3A_206, %sub3A_242 : i32
        %mul3A_244 = arith.constant 32 : i32
        %mul3A_245 = arith.muli %sub3A_243, %mul3A_244 : i32
        %add3A_246 = arith.addi %add3A, %mul3A_245 : i32
        %mul3A_247 = arith.constant 128 : i32
        %mul3A_248 = arith.muli %add3A_246, %mul3A_247 : i32
        %dma_start3A_249 = arith.constant 0 : i32
        %dma_start3A_250 = tpu.memref_slice %arg6[%mul3A_248, %dma_start3A_249] : memref<400000x128xf32, #tpu.memory_space<hbm>> -> memref<128x128xf32, #tpu.memory_space<hbm>>
        %dma_start3A_251 = arith.constant 0 : i32
        %dma_start3A_252 = tpu.memref_slice %arg6[%mul3A_248, %dma_start3A_251] : memref<400000x128xf32, #tpu.memory_space<hbm>> -> memref<128x128xf32, #tpu.memory_space<hbm>>
        tpu.enqueue_dma source(%arg37 : memref<128x128xf32, #tpu.memory_space<vmem>>) target(%dma_start3A_252 : memref<128x128xf32, #tpu.memory_space<hbm>>) target_semaphore(%arg49 : memref<!tpu.dma_semaphore, #tpu.memory_space<semaphore_mem>>)
      } else {
      }
    }
    %scan3A_91 = arith.constant 25 : i32
    %add3A_92 = arith.constant 3008 : i32
    %add3A_93 = arith.addi %add3A, %add3A_92 : i32
    %lt3A = arith.constant 3125 : i32
    %lt3A_94 = arith.cmpi slt, %add3A_93, %lt3A : i32
    %convert_element_type3A = arith.extui %lt3A_94 : i1 to i32
    %cond3A = arith.constant 0 : i32
    %cond3A_95 = arith.cmpi ne, %convert_element_type3A, %cond3A : i32
    scf.if %cond3A_95 {
      %dma_wait3A = arith.constant 0 : i32
      %dma_wait3A_117 = arith.constant 0 : i32
      %dma_wait3A_118 = tpu.memref_slice %arg6[%dma_wait3A, %dma_wait3A_117] : memref<400000x128xf32, #tpu.memory_space<hbm>> -> memref<128x128xf32, #tpu.memory_space<hbm>>
      %dma_wait3A_119 = arith.constant 0 : i32
      %dma_wait3A_120 = arith.constant 0 : i32
      %dma_wait3A_121 = tpu.memref_slice %arg6[%dma_wait3A_119, %dma_wait3A_120] : memref<400000x128xf32, #tpu.memory_space<hbm>> -> memref<128x128xf32, #tpu.memory_space<hbm>>
      tpu.wait_dma2 semaphore(%arg49 : memref<!tpu.dma_semaphore, #tpu.memory_space<semaphore_mem>>) src(%arg37 : memref<128x128xf32, #tpu.memory_space<vmem>>) dst(%dma_wait3A_121 : memref<128x128xf32, #tpu.memory_space<hbm>>)
    } else {
    }
    %add3A_96 = arith.constant 3040 : i32
    %add3A_97 = arith.addi %add3A, %add3A_96 : i32
    %lt3A_98 = arith.constant 3125 : i32
    %lt3A_99 = arith.cmpi slt, %add3A_97, %lt3A_98 : i32
    %convert_element_type3A_100 = arith.extui %lt3A_99 : i1 to i32
    %cond3A_101 = arith.constant 0 : i32
    %cond3A_102 = arith.cmpi ne, %convert_element_type3A_100, %cond3A_101 : i32
    scf.if %cond3A_102 {
      %dma_wait3A = arith.constant 0 : i32
      %dma_wait3A_117 = arith.constant 0 : i32
      %dma_wait3A_118 = tpu.memref_slice %arg6[%dma_wait3A, %dma_wait3A_117] : memref<400000x128xf32, #tpu.memory_space<hbm>> -> memref<128x128xf32, #tpu.memory_space<hbm>>
      %dma_wait3A_119 = arith.constant 0 : i32
      %dma_wait3A_120 = arith.constant 0 : i32
      %dma_wait3A_121 = tpu.memref_slice %arg6[%dma_wait3A_119, %dma_wait3A_120] : memref<400000x128xf32, #tpu.memory_space<hbm>> -> memref<128x128xf32, #tpu.memory_space<hbm>>
      tpu.wait_dma2 semaphore(%arg50 : memref<!tpu.dma_semaphore, #tpu.memory_space<semaphore_mem>>) src(%arg38 : memref<128x128xf32, #tpu.memory_space<vmem>>) dst(%dma_wait3A_121 : memref<128x128xf32, #tpu.memory_space<hbm>>)
    } else {
    }
    %add3A_103 = arith.constant 3072 : i32
    %add3A_104 = arith.addi %add3A, %add3A_103 : i32
    %lt3A_105 = arith.constant 3125 : i32
    %lt3A_106 = arith.cmpi slt, %add3A_104, %lt3A_105 : i32
    %convert_element_type3A_107 = arith.extui %lt3A_106 : i1 to i32
    %cond3A_108 = arith.constant 0 : i32
    %cond3A_109 = arith.cmpi ne, %convert_element_type3A_107, %cond3A_108 : i32
    scf.if %cond3A_109 {
      %dma_wait3A = arith.constant 0 : i32
      %dma_wait3A_117 = arith.constant 0 : i32
      %dma_wait3A_118 = tpu.memref_slice %arg6[%dma_wait3A, %dma_wait3A_117] : memref<400000x128xf32, #tpu.memory_space<hbm>> -> memref<128x128xf32, #tpu.memory_space<hbm>>
      %dma_wait3A_119 = arith.constant 0 : i32
      %dma_wait3A_120 = arith.constant 0 : i32
      %dma_wait3A_121 = tpu.memref_slice %arg6[%dma_wait3A_119, %dma_wait3A_120] : memref<400000x128xf32, #tpu.memory_space<hbm>> -> memref<128x128xf32, #tpu.memory_space<hbm>>
      tpu.wait_dma2 semaphore(%arg47 : memref<!tpu.dma_semaphore, #tpu.memory_space<semaphore_mem>>) src(%arg35 : memref<128x128xf32, #tpu.memory_space<vmem>>) dst(%dma_wait3A_121 : memref<128x128xf32, #tpu.memory_space<hbm>>)
    } else {
    }
    %add3A_110 = arith.constant 3104 : i32
    %add3A_111 = arith.addi %add3A, %add3A_110 : i32
    %lt3A_112 = arith.constant 3125 : i32
    %lt3A_113 = arith.cmpi slt, %add3A_111, %lt3A_112 : i32
    %convert_element_type3A_114 = arith.extui %lt3A_113 : i1 to i32
    %cond3A_115 = arith.constant 0 : i32
    %cond3A_116 = arith.cmpi ne, %convert_element_type3A_114, %cond3A_115 : i32
    scf.if %cond3A_116 {
      %dma_wait3A = arith.constant 0 : i32
      %dma_wait3A_117 = arith.constant 0 : i32
      %dma_wait3A_118 = tpu.memref_slice %arg6[%dma_wait3A, %dma_wait3A_117] : memref<400000x128xf32, #tpu.memory_space<hbm>> -> memref<128x128xf32, #tpu.memory_space<hbm>>
      %dma_wait3A_119 = arith.constant 0 : i32
      %dma_wait3A_120 = arith.constant 0 : i32
      %dma_wait3A_121 = tpu.memref_slice %arg6[%dma_wait3A_119, %dma_wait3A_120] : memref<400000x128xf32, #tpu.memory_space<hbm>> -> memref<128x128xf32, #tpu.memory_space<hbm>>
      tpu.wait_dma2 semaphore(%arg48 : memref<!tpu.dma_semaphore, #tpu.memory_space<semaphore_mem>>) src(%arg36 : memref<128x128xf32, #tpu.memory_space<vmem>>) dst(%dma_wait3A_121 : memref<128x128xf32, #tpu.memory_space<hbm>>)
    } else {
    }
    return
  }
}

module attributes {stable_mosaic.version = 14 : i64} {
  func.func @_repack_body(%arg0: i32, %arg1: memref<3200x128xf32, #tpu.memory_space<vmem>>, %arg2: memref<64x3200xf32, #tpu.memory_space<vmem>>) attributes {dimension_semantics = [#tpu.dimension_semantics<arbitrary>], iteration_bounds = array<i64: 250>, scalar_prefetch = 0 : i64, scratch_operands = 0 : i64, tpu.core_type = #tpu.core_type<tc>, window_params = [{transform_indices = @transform_0, window_bounds = array<i64: 3200, 128>}, {transform_indices = @transform_1, window_bounds = array<i64: 64, 3200>}]} {
    %get3A = arith.constant 0 : index
    %get3A_0 = arith.constant 0 : index
    %get3A_1 = vector.load %arg1[%get3A, %get3A_0] : memref<3200x128xf32, #tpu.memory_space<vmem>>, vector<3200x128xf32>
    %lt3A = arith.constant 125 : i32
    %lt3A_2 = arith.cmpi slt, %arg0, %lt3A : i32
    %slice3A = vector.extract_strided_slice %get3A_1 {offsets = [0, 0], sizes = [3200, 64], strides = [1, 1]} : vector<3200x128xf32> to vector<3200x64xf32>
    %slice3A_3 = vector.extract_strided_slice %get3A_1 {offsets = [0, 64], sizes = [3200, 64], strides = [1, 1]} : vector<3200x128xf32> to vector<3200x64xf32>
    %select_n3A = arith.select %lt3A_2, %slice3A, %slice3A_3 : vector<3200x64xf32>
    %iota3A = tpu.iota {dimensions = array<i32: 0>} : vector<64x64xi32>
    %iota3A_4 = tpu.iota {dimensions = array<i32: 1>} : vector<64x64xi32>
    %eq3A = arith.cmpi eq, %iota3A, %iota3A_4 : vector<64x64xi32>
    %convert_element_type3A = arith.extui %eq3A : vector<64x64xi1> to vector<64x64xi32>
    %convert_element_type3A_5 = arith.sitofp %convert_element_type3A : vector<64x64xi32> to vector<64x64xf32>
    %dot_general3A = arith.constant dense<0.000000e+00> : vector<64x3200xf32>
    %dot_general3A_6 = tpu.matmul %convert_element_type3A_5, %select_n3A, %dot_general3A {dimension_numbers = #tpu.dot_dimension_numbers<[1], [1], [0], [0], [0, 0, 1, 0], [], []>, transpose_lhs_hint = false} : vector<64x64xf32>, vector<3200x64xf32>, vector<64x3200xf32> -> vector<64x3200xf32>
    %swap3A = arith.constant 0 : index
    %swap3A_7 = arith.constant 0 : index
    %swap3A_8 = vector.load %arg2[%swap3A, %swap3A_7] : memref<64x3200xf32, #tpu.memory_space<vmem>>, vector<64x3200xf32>
    tpu.vector_store %arg2[%swap3A, %swap3A_7], %dot_general3A_6 {strides = array<i32>} : memref<64x3200xf32, #tpu.memory_space<vmem>>, vector<64x3200xf32>,
    return
  }
  func.func @transform_0(%arg0: i32) -> (i32, i32) {
    %jit3A = arith.constant 125 : i32
    %eq3A = arith.constant 0 : i32
    %eq3A_0 = arith.cmpi eq, %jit3A, %eq3A : i32
    %jit3A_1 = arith.constant 1 : i32
    %select_n3A = arith.select %eq3A_0, %jit3A_1, %jit3A : i32
    %rem3A = arith.remsi %arg0, %select_n3A : i32
    %ne3A = arith.constant 0 : i32
    %ne3A_2 = arith.cmpi ne, %rem3A, %ne3A : i32
    %lt3A = arith.constant 0 : i32
    %lt3A_3 = arith.cmpi slt, %rem3A, %lt3A : i32
    %lt3A_4 = arith.constant 0 : i32
    %lt3A_5 = arith.cmpi slt, %select_n3A, %lt3A_4 : i32
    %ne3A_6 = arith.xori %lt3A_3, %lt3A_5 : i1
    %and3A = arith.andi %ne3A_6, %ne3A_2 : i1
    %add3A = arith.addi %rem3A, %select_n3A : i32
    %select_n3A_7 = arith.select %and3A, %add3A, %rem3A : i32
    %c0_i32 = arith.constant 0 : i32
    %c0_i32_8 = arith.constant 0 : i32
    return %select_n3A_7, %c0_i32 : i32, i32
  }
  func.func @transform_1(%arg0: i32) -> (i32, i32) {
    %c0_i32 = arith.constant 0 : i32
    %c0_i32_0 = arith.constant 0 : i32
    return %c0_i32, %arg0 : i32, i32
  }
}

</mosaic_0001>

<sc_bundles>
// kernel: kernel.4.cloned.1.call-start
scs
__scs_entry_jumppad:
0x0: {  	(pc) =	sbr.rel $0x88, $3  }
0x1: {  	(tag) =	ssettag $0x0;
	lr =	simm.s32 $0x1  }
0x2: {  	[smem:$0x3F9D] =	sst lr;
	_ =	strace $0xD0000000  }
0x3: {  	_ = 	snop  }
0x4: {  	_ = 	snop  }
0x5: {  	_ = 	snop  }
0x6: {  	_ = 	snop  }
0x7: {  	_ = 	snop  }
__scs_overlays_trampoline_lowered:
0x8: {  	[smem:$0x3FAC] =	sst s0  }
0x9: {  	[smem:$0x3FAD] =	sst s1  }
0xa: {  	[smem:$0x3FAE] =	sst s2  }
0xb: {  	[smem:$0x3FAF] =	sst s3  }
0xc: {  	[smem:$0x3FB0] =	sst s4  }
0xd: {  	[smem:$0x3FB1] =	sst s5  }
0xe: {  	[smem:$0x3FB2] =	sst s6  }
0xf: {  	[smem:$0x3FB3] =	sst s7  }
0x10: {  	[smem:$0x3FB4] =	sst s8  }
0x11: {  	[smem:$0x3FB5] =	sst s9;
	s0 =	simm.s32 @!p0 $0x0  }
0x12: {  	s1 =	sld [smem:$0x3F9B];
	s0 =	simm.s32 @p0 $0x1  }
0x13: {  	[smem:$0x3FB6] =	sst s0;
	s0 =	simm.s32 @!p1 $0x0  }
0x14: {  	s2 =	sld [smem:$0x3F9A];
	s0 =	simm.s32 @p1 $0x1  }
0x15: {  	[smem:$0x3FB7] =	sst s0;
	s0 =	simm.s32 @!p2 $0x0  }
0x16: {  	s3 =	sld [smem:$0x3FDB];
	s0 =	simm.s32 @p2 $0x1  }
0x17: {  	s4 =	simm.s32 $0x1BF5;
	[smem:$0x3FB9] =	sst s0  }
0x18: {  	s0 =	sld [smem:$0x3F9C];
	_ =	swait.ge [sflag:s4], $0x0  }
0x19: {  	s7 =	sld [smem:$0x3F9D]  }
0x1a: {  	s8 =	sadd.s32 $0xFFFFE003, lr  }
0x1b: {  	s9 =	sadd.s32 $0xFFFFFEF7, lr;
	s5 =	simm.s32 $0xFFFFFFFF;
	p2 =	slt.u32 s8, $0xFFFFF086  }
0x1c: {  	p1 =	slt.u32 s9, $0xF7A;
	s5 =	simm.s32 @!p2 $0x0  }
0x1d: {  	s5 =	simm.s32 @p1 $0x1;
	p0 =	seq.s32 s7, s2  }
0x1e: {  	s7 =	smul.u32 @!p0 $0xF7A, s2;
	p2 =	seq.s32 @!p0 s5, $0x0  }
0x1f: {  	s9 =	smul.u32 $0xF7A, s1;
	s8 =	simm.s32 @!p0 $0x1BF5;
	p2 =	por !p2, p0  }
0x20: {  	[sflag:s8] =	ssyncset.s32 @!p0 $0xFFFFF086;
	s6 =	sadd.s32 @!p0 s3, s7;
	s7 =	simm.s32 @!p0 $0x108  }
0x21: {  	s3 =	sadd.s32 s3, s9;
	s6 =	sadd.s32 @!p0 $0x88, s6;
	s7 =	simm.s32 @p2 $0x1082  }
0x22: {  	[simem:s7], [sflag:s8] =	dma.local @!p0 [hbm:s6], $0xF7A  }
0x23: {  	s9 =	sor.u32 $0xD0000000, s2;
	s6 =	simm.s32 $0x108;
	_ =	swait.ge @!p0 [sflag:s8], $0x0  }
0x24: {  	s3 =	sadd.s32 $0x88, s3;
	s6 =	simm.s32 @!p1 $0x1082;
	[sflag:s4] =	ssyncset.s32 $0xFFFFF086  }
0x25: {  	[simem:s6], [sflag:s4] =	dma.local [hbm:s3], $0xF7A  }
0x26: {  	[smem:$0x3F9D] =	sst s1;
	(tag) =	ssettag s2;
	_ =	strace s9  }
0x27: {  	s1 =	sld [smem:$0x3FAD]  }
0x28: {  	s2 =	sld [smem:$0x3FAE]  }
0x29: {  	s4 =	sld [smem:$0x3FB0]  }
0x2a: {  	p0 =	seq.s32 s5, $0x0;
	s5 =	sld [smem:$0x3FB1]  }
0x2b: {  	s6 =	sld [smem:$0x3FB2]  }
0x2c: {  	s7 =	sld [smem:$0x3FB3]  }
0x2d: {  	s3 =	simm.s32 $0x108;
	s8 =	sld [smem:$0x3FB4]  }
0x2e: {  	s3 =	simm.s32 @!p0 $0x1082;
	s9 =	sld [smem:$0x3FB5]  }
0x2f: {  	lr =	sadd.s32 s0, s3;
	s0 =	sld [smem:$0x3FAC]  }
0x30: {  	s3 =	sld [smem:$0x3FAF]  }
0x31: {  	[smem:$0x3FB8] =	sst s10  }
0x32: {  	s10 =	sld [smem:$0x3FB6];
	_ =	sdelay $0x3  }
0x33: {  	p0 =	seq.s32 s10, $0x1;
	s10 =	sld [smem:$0x3FB8];
	_ =	sdelay $0x3  }
0x34: {  	[smem:$0x3FB8] =	sst s10  }
0x35: {  	s10 =	sld [smem:$0x3FB7];
	_ =	sdelay $0x3  }
0x36: {  	p1 =	seq.s32 s10, $0x1;
	s10 =	sld [smem:$0x3FB8];
	_ =	sdelay $0x3  }
0x37: {  	[smem:$0x3FB8] =	sst s10  }
0x38: {  	s10 =	sld [smem:$0x3FB9]  }
0x39: {  	_ = 	snop;
	(pc) =	sbr.ind lr, $3  }
0x3a: {  	_ = 	snop  }
0x3b: {  	_ = 	snop  }
0x3c: {  	p2 =	seq.s32 s10, $0x1;
	s10 =	sld [smem:$0x3FB8]  }
0x3d: {  	_ =	shalt  }
0x3e: {  	_ =	shalt  }
0x3f: {  	_ =	shalt  }
0x40: {  	_ =	shalt  }
0x41: {  	_ =	shalt  }
0x42: {  	_ =	shalt  }
0x43: {  	_ =	shalt  }
0x44: {  	_ =	shalt  }
0x45: {  	_ =	shalt  }
0x46: {  	_ =	shalt  }
0x47: {  	_ =	shalt  }
0x48: {  	_ =	shalt  }
0x49: {  	_ =	shalt  }
0x4a: {  	_ =	shalt  }
0x4b: {  	_ =	shalt  }
0x4c: {  	_ =	shalt  }
0x4d: {  	_ =	shalt  }
0x4e: {  	_ =	shalt  }
0x4f: {  	_ =	shalt  }
0x50: {  	_ =	shalt  }
0x51: {  	_ =	shalt  }
0x52: {  	_ =	shalt  }
0x53: {  	_ =	shalt  }
0x54: {  	_ =	shalt  }
0x55: {  	_ =	shalt  }
0x56: {  	_ =	shalt  }
0x57: {  	_ =	shalt  }
0x58: {  	_ =	shalt  }
0x59: {  	_ =	shalt  }
0x5a: {  	_ =	shalt  }
0x5b: {  	_ =	shalt  }
0x5c: {  	_ =	shalt  }
0x5d: {  	_ =	shalt  }
0x5e: {  	_ =	shalt  }
0x5f: {  	_ =	shalt  }
0x60: {  	_ =	shalt  }
0x61: {  	_ =	shalt  }
0x62: {  	_ =	shalt  }
0x63: {  	_ =	shalt  }
0x64: {  	_ =	shalt  }
0x65: {  	_ =	shalt  }
0x66: {  	_ =	shalt  }
0x67: {  	_ =	shalt  }
0x68: {  	_ =	shalt  }
0x69: {  	_ =	shalt  }
0x6a: {  	_ =	shalt  }
0x6b: {  	_ =	shalt  }
0x6c: {  	_ =	shalt  }
0x6d: {  	_ =	shalt  }
0x6e: {  	_ =	shalt  }
0x6f: {  	_ =	shalt  }
0x70: {  	_ =	shalt  }
0x71: {  	_ =	shalt  }
0x72: {  	_ =	shalt  }
0x73: {  	_ =	shalt  }
0x74: {  	_ =	shalt  }
0x75: {  	_ =	shalt  }
0x76: {  	_ =	shalt  }
0x77: {  	_ =	shalt  }
0x78: {  	_ =	shalt  }
0x79: {  	_ =	shalt  }
0x7a: {  	_ =	shalt  }
0x7b: {  	_ =	shalt  }
0x7c: {  	_ =	shalt  }
0x7d: {  	_ =	shalt  }
0x7e: {  	_ =	shalt  }
0x7f: {  	_ =	shalt  }
0x80: {  	_ =	shalt  }
0x81: {  	_ =	shalt  }
0x82: {  	_ =	shalt  }
0x83: {  	_ =	shalt  }
0x84: {  	_ =	shalt  }
0x85: {  	_ =	shalt  }
0x86: {  	_ =	shalt  }
0x87: {  	_ =	shalt  }
.Lfunc_end0:
.L_simem_size_0:
called_computation_lowered:
.L_overlay_start_0:
0x88: {  	s2 =	sld [smem:$0x3FD9]  }
0x89: {  	s3 =	sld [smem:$0x3FFE];
	_ =	sdelay $0x1  }
0x8a: {  	s1 =	srdreg.scid  }
0x8b: {  	s0 =	sand.u32 $0x1, s1  }
0x8c: {  	s17 =	sshll.u32 s0, $0xA;
	s2 =	sadd.s32 s3, s2  }
0x8d: {  	s2 =	sadd.s32 s2, s17  }
0x8e: {  	[smem:$0x3FC4] =	sst s2  }
0x8f: {  	_ = 	snop  }
0x90: {  	s2 =	sld [smem:$0x3FD0];
	(tm) =	ssettm $0x1  }
0x91: {  	s18 =	sld [smem:$0x3FFB];
	_ =	sdelay $0x3  }
0x92: {  	_ =	strace s18  }
0x93: {  	s3 =	sld [smem:$0x3FFC];
	_ =	sdelay $0x3  }
0x94: {  	_ =	strace s3  }
0x95: {  	s3 =	sld [smem:$0x3FFD];
	_ =	sdelay $0x3  }
0x96: {  	_ =	strace s3  }
0x97: {  	_ =	strace $0x8FFFFFFF  }
0x98: {  	s19 =	sld [smem:$0x3FDB];
	_ =	sdelay $0x1  }
0x99: {  	s4 =	simm.s32 $_scs_section_size  }
0x9a: {  	s5 =	simm.s32 $_size__tile_overlayer_lowered;
	s6 =	simm.s32 $_tile_overlayer_lowered  }
0x9b: {  	s22 =	simm.s32 $0x1BFF;
	s21 =	sshll.u32 s6, $0x1;
	s3 =	sadd.s32 s4, s19  }
0x9c: {  	s7 =	simm.s32 $0x0;
	s20 =	sshll.u32 s5, $0x1;
	s5 =	sadd.s32 s21, s3  }
0x9d: {  	[timem:s7], [sflag:s22] =	dma.local [hbm:s5], s20  }
0x9e: {  	_ =	swait.ge [sflag:s22], s20  }
0x9f: {  	s4 =	ssub.s32 $0x0, s20;
	[sflag:s22] =	ssyncset.done $0x0  }
0xa0: {  	[sflag:s22] =	ssyncadd.s32 s4;
	_ =	sdelay $0x1  }
0xa1: {  	s23 =	simm.s32 $0x1B8B  }
0xa2: {  	_ =	swait.ge [sflag:s23], $0x1  }
0xa3: {  	[sflag:s23] =	ssyncset.done $0x0  }
0xa4: {  	s25 =	simm.s32 $0x1B8E;
	s24 =	sld [smem:$0x3FFE];
	[sflag:s23] =	ssyncadd.s32 $0xFFFFFFFF  }
0xa5: {  	s26 =	simm.s32 $execute0_lowered;
	[smem:$0x3FD2] =	sst s25  }
0xa6: {  	s5 =	sshll.u32 s26, $0x1;
	_ =	strace $0x80000046;
	[dreg:$0x1] =	wrdreg $0xFFFFFFFF  }
0xa7: {  	s28 =	simm.s32 $_size_execute0_lowered;
	s3 =	sadd.s32 s3, s5;
	[dreg:$0x0] =	wrdreg $0x0  }
0xa8: {  	s5 =	sshll.u32 s28, $0x1;
	[dreg:$0x2] =	wrdreg s3  }
0xa9: {  	[dreg:$0x3] =	wrdreg s5  }
0xaa: {  	[dreg:$0x4] =	wrdreg $0xC0  }
0xab: {  	_ =	task [dreg:s7], $0x5FFFF  }
0xac: {  	[dreg:$0x1] =	wrdreg $0xFFFFFFFF  }
0xad: {  	[dreg:$0x0] =	wrdreg $0x60  }
0xae: {  	[dreg:$0x2] =	wrdreg s24  }
0xaf: {  	[dreg:$0x3] =	wrdreg s2  }
0xb0: {  	[dreg:$0x4] =	wrdreg $0x9  }
0xb1: {  	_ =	task.clear_ibuf [dreg:s7], $0x5FFFF;
	_ =	strace $0x90000046  }
0xb2: {  	s29 =	simm.s32 $0x9;
	_ =	strace $0x80000048  }
0xb3: {  	_ =	swait.ge [sflag:s29], $0x1  }
0xb4: {  	[sflag:s29] =	ssyncadd.s32 $0xFFFFFFFF  }
0xb5: {  	_ =	strace $0x90000048  }
0xb6: {  	_ =	sfence  }
0xb7: {  	s30 =	sld [smem:$0x0];
	_ =	sdelay $0x2  }
0xb8: {  	s31 =	sshll.u32 s1, $0xD;
	s1 =	sshrl.u32 s1, $0x2  }
0xb9: {  	s3 =	sand.u32 $0x4000, s31;
	s1 =	sadd.s32 s1, s30  }
0xba: {  	s0 =	sor.u32 s3, s0;
	s1 =	sshll.u32 s1, $0x11  }
0xbb: {  	s0 =	sor.u32 s1, s0  }
0xbc: {  	s0 =	sadd.s32 $0x8F2B, s0  }
0xbd: {  	[sflag:s0] =	ssyncadd.remote.s32 $0x1  }
0xbe: {  	_ =	sfence.sel $0xFFFF  }
0xbf: {  	[dreg:$0x0] =	wrdreg $0xFFFFFFFF;
	(pc) =	sbr.abs _section_cstart, $3  }
0xc0: {  	[dreg:$0x1] =	wrdreg $0xFFFFFFFF  }
0xc1: {  	_ =	task.clear_ibuf [dreg:s7], $0x2FFFF;
	_ =	strace $0x9FFFFFFF  }
0xc2: {  	(tm) =	ssettm $0x7FFFFFFF  }
0xc3: {  	_ =	shalt  }
tec
execute0_lowered:
.L_overlay_start_1:
0x0: {  	(tag) =	ssettag $0x1  }
0x1: {  	s0 =	srdreg.scid;
	s12 =	stileid.u32  }
0x2: {  	s1 =	rddreg [dreg:$0x0];
	s0 =	sand.u32 $0x1, s0;
	s2 =	sshll.u32 s12, $0x1  }
0x3: {  	s3 =	rddreg [dreg:$0x1];
	s30 =	simm.s32 $0x0;
	s2 =	sor.u32 s0, s2  }
0x4: {  	s4 =	sadd.s32 $0x26A00, s1;
	s7 =	sadd.s32 $0xE200, s1;
	s6 =	sshll.u32 s2, $0x4  }
0x5: {  	s15 =	sshll.u32 s12, $0xC;
	[smem:$0x7FF] =	sst s30;
	s19 =	sadd.s32 s4, s6  }
0x6: {  	s9 =	sadd.s32 $0xC350, s6;
	s18 =	sadd.s32 s7, s6;
	[dreg:$0x3] =	wrdreg s19  }
0x7: {  	s5 =	ssub.s32 $0x2, s0;
	s20 =	sadd.s32 s4, s9;
	[dreg:$0x14] =	wrdreg s18  }
0x8: {  	s8 =	sshrl.u32 s5, $0x1;
	s21 =	sadd.s32 s7, s9;
	[dreg:$0x4] =	wrdreg s20  }
0x9: {  	s22 =	sor.u32 $0x200, s6;
	s9 =	sadd.s32 s3, s9;
	[dreg:$0x5] =	wrdreg s21  }
0xa: {  	s10 =	sadd.s32 $0xC550, s6;
	s23 =	sadd.s32 s4, s22;
	[dreg:$0x6] =	wrdreg s9  }
0xb: {  	p0 =	sgt.u32 s2, $0x14;
	s24 =	sadd.s32 s4, s10;
	[dreg:$0x7] =	wrdreg s23  }
0xc: {  	s5 =	ssub.s32 s5, s8;
	s25 =	sadd.s32 s7, s22;
	[dreg:$0x8] =	wrdreg s24  }
0xd: {  	s28 =	sor.u32 $0x400, s6;
	s26 =	sadd.s32 s7, s10;
	[dreg:$0x9] =	wrdreg s25  }
0xe: {  	s14 =	sadd.s32 $0xC750, s6;
	s8 =	sadd.s32 s3, s22;
	[dreg:$0xa] =	wrdreg s26  }
0xf: {  	s11 =	sadd.s32 s3, s10;
	s13 =	sadd.s32 s4, s28;
	[dreg:$0xb] =	wrdreg s8  }
0x10: {  	s16 =	sadd.s32 s7, s28;
	s17 =	sadd.s32 s7, s14;
	[dreg:$0xc] =	wrdreg s11  }
0x11: {  	s19 =	sadd.s32 s3, s6;
	s18 =	simm.s32 $0x4;
	[dreg:$0xd] =	wrdreg s13  }
0x12: {  	s11 =	sshll.u32 s0, $0xB;
	s13 =	sadd.s32 s4, s14;
	[dreg:$0xf] =	wrdreg s16  }
0x13: {  	[dreg:$0x11] =	wrdreg s17;
	s9 =	sadd.s32 s3, s28;
	s8 =	sadd.s32 s3, s14  }
0x14: {  	[dreg:$0x15] =	wrdreg s19;
	s20 =	sor.u32 $0x600, s6;
	s6 =	sadd.s32 $0xC950, s6  }
0x15: {  	s24 =	sshll.u32 s12, $0x5;
	s0 =	sshll.u32 s0, $0x4;
	s28 =	smax.u32 s5, $0x1  }
0x16: {  	s5 =	ssub.s32 $0xBD5, s2;
	s12 =	simm.s32 $0x4E00;
	s14 =	simm.s32 $0x3  }
0x17: {  	s17 =	simm.s32 $0x8E00;
	s19 =	simm.s32 $0xD80;
	[dreg:$0xe] =	wrdreg s13  }
0x18: {  	s16 =	simm.s32 $0x0;
	s10 =	sor.u32 s11, s15;
	[dreg:$0x12] =	wrdreg s9  }
0x19: {  	[dreg:$0x13] =	wrdreg s8;
	s21 =	sadd.s32 s4, s20;
	s22 =	sadd.s32 s7, s20  }
0x1a: {  	s8 =	sadd.s32 s3, s20;
	s23 =	sadd.s32 s4, s6;
	[dreg:$0x10] =	wrdreg s10  }
0x1b: {  	s25 =	sadd.s32 s7, s6;
	s6 =	sadd.s32 s3, s6;
	[dreg:$0x16] =	wrdreg s21  }
0x1c: {  	s4 =	sadd.s32 s24, s4;
	s26 =	sadd.s32 s24, s7;
	[dreg:$0x17] =	wrdreg s22  }
0x1d: {  	s3 =	sadd.s32 s24, s3;
	s7 =	simm.s32 $0x1;
	[dreg:$0x18] =	wrdreg s8  }
0x1e: {  	s9 =	simm.s32 $0xE00;
	s11 =	simm.s32 $0xC80;
	[dreg:$0x19] =	wrdreg s23  }
.Ltmp0:
0x1f: {  	s13 =	simm.s32 $0x5;
	[dreg:$0x1a] =	wrdreg s25;
	(pc) =	sbr.rel .LBB2_1-.Ltmp0, $4  }
0x20: {  	s15 =	simm.s32 $0xD00;
	s20 =	simm.s32 $0xCE00;
	[dreg:$0x1b] =	wrdreg s6  }
0x21: {  	s31 =	sadd.s32 s0, s4;
	s29 =	sadd.s32 s0, s26;
	s0 =	sadd.s32 s0, s3  }
0x22: {  	s4 =	sadd.s32 $0x3F200, s1;
	s6 =	simm.s32 $0x80;
	s8 =	simm.s32 $0xC00  }
0x23: {  	s10 =	simm.s32 $0x2;
	_ =	strace $0x80000047;
	[dreg:$0x1c] =	wrdreg s28  }
.LBB2_9:
0x24: {  	s3 =	simm.s32 $0xB  }
0x25: {  	_ =	swait.ge [sflag:s3], $0x4000  }
0x26: {  	[sflag:s3] =	ssyncset.done $0x0  }
0x27: {  	s26 =	simm.s32 $0xC;
	[sflag:s3] =	ssyncadd.s32 $0xFFFFC000  }
0x28: {  	_ =	swait.ge [sflag:s26], $0x4000  }
0x29: {  	[sflag:s26] =	ssyncset.done $0x0  }
0x2a: {  	s28 =	simm.s32 $0x9;
	[sflag:s26] =	ssyncadd.s32 $0xFFFFC000  }
0x2b: {  	_ =	swait.ge [sflag:s28], $0x4000  }
0x2c: {  	[sflag:s28] =	ssyncset.done $0x0  }
0x2d: {  	s3 =	simm.s32 @!p0 $0xA;
	[sflag:s28] =	ssyncadd.s32 $0xFFFFC000  }
0x2e: {  	_ =	swait.ge @!p0 [sflag:s3], $0x4000  }
0x2f: {  	s16 =	sadd.s32 $0x1, s16;
	s21 =	rddreg [dreg:$0x1c]  }
0x30: {  	p1 =	sne.s32 s16, s21  }
.Ltmp1:
0x31: {  	_ = 	snop;
	(pc) =	sbr.rel @!p1 .LBB2_10-.Ltmp1, $3  }
0x32: {  	_ =	sdelay $0x1  }
0x33: {  	[sflag:s3] =	ssyncset.done @!p0 $0x0  }
0x34: {  	[sflag:s3] =	ssyncadd.s32 @!p0 $0xFFFFC000  }
.LBB2_1:
0x35: {  	s3 =	rddreg [dreg:$0x3]  }
0x36: {  	[tilespmem:s30], [sflag:$0x1] =	stream.linear.gather [hbm4b:s3+s30], $0x80, $0x38;
	[tilespmem:$0x10E00] =	vst v63  }
0x37: {  	s28 =	rddreg [dreg:$0x4];
	s21 =	simm.s32 $0x180  }
0x38: {  	[tilespmem:s21], [sflag:$0x1] =	stream.linear.gather [hbm4b:s28+s30], $0x80, $0x38;
	[tilespmem:$0x10E00] =	vst v63  }
0x39: {  	s21 =	rddreg [dreg:$0x14]  }
0x3a: {  	[tilespmem:s6], [sflag:$0x1] =	stream.linear.gather [hbm4b:s21+s30], $0x80, $0x38;
	[tilespmem:$0x10E00] =	vst v63  }
0x3b: {  	s22 =	rddreg [dreg:$0x5];
	s23 =	simm.s32 $0x200  }
0x3c: {  	[tilespmem:s23], [sflag:$0x1] =	stream.linear.gather [hbm4b:s22+s30], $0x80, $0x38;
	[tilespmem:$0x10E00] =	vst v63  }
0x3d: {  	s24 =	rddreg [dreg:$0x15];
	s25 =	simm.s32 $0x100  }
0x3e: {  	[tilespmem:s25], [sflag:$0x1] =	stream.linear.gather [hbm4b:s24+s30], $0x80, $0x38;
	[tilespmem:$0x10E00] =	vst v63  }
0x3f: {  	s26 =	rddreg [dreg:$0x6];
	s28 =	simm.s32 $0x280  }
0x40: {  	[tilespmem:s28], [sflag:$0x1] =	stream.linear.gather [hbm4b:s26+s30], $0x80, $0x38;
	[tilespmem:$0x10E00] =	vst v63  }
0x41: {  	s22 =	rddreg [dreg:$0x7];
	s23 =	simm.s32 $0x300  }
0x42: {  	[tilespmem:s23], [sflag:$0x2] =	stream.linear.gather [hbm4b:s22+s30], $0x80, $0x38;
	[tilespmem:$0x10E00] =	vst v63  }
0x43: {  	s24 =	rddreg [dreg:$0x8];
	s25 =	simm.s32 $0x480  }
0x44: {  	[tilespmem:s25], [sflag:$0x2] =	stream.linear.gather [hbm4b:s24+s30], $0x80, $0x38;
	[tilespmem:$0x10E00] =	vst v63  }
0x45: {  	s26 =	rddreg [dreg:$0x9];
	s28 =	simm.s32 $0x380  }
0x46: {  	[tilespmem:s28], [sflag:$0x2] =	stream.linear.gather [hbm4b:s26+s30], $0x80, $0x38;
	[tilespmem:$0x10E00] =	vst v63  }
0x47: {  	s22 =	rddreg [dreg:$0xa];
	s23 =	simm.s32 $0x500  }
0x48: {  	[tilespmem:s23], [sflag:$0x2] =	stream.linear.gather [hbm4b:s22+s30], $0x80, $0x38;
	[tilespmem:$0x10E00] =	vst v63  }
0x49: {  	s24 =	rddreg [dreg:$0xb];
	s25 =	simm.s32 $0x400  }
0x4a: {  	[tilespmem:s25], [sflag:$0x2] =	stream.linear.gather [hbm4b:s24+s30], $0x80, $0x38;
	[tilespmem:$0x10E00] =	vst v63  }
0x4b: {  	s26 =	rddreg [dreg:$0xc];
	s28 =	simm.s32 $0x580  }
0x4c: {  	[tilespmem:s28], [sflag:$0x2] =	stream.linear.gather [hbm4b:s26+s30], $0x80, $0x38;
	[tilespmem:$0x10E00] =	vst v63  }
0x4d: {  	s22 =	rddreg [dreg:$0xd];
	s23 =	simm.s32 $0x600  }
0x4e: {  	[tilespmem:s23], [sflag:$0x3] =	stream.linear.gather [hbm4b:s22+s30], $0x80, $0x38;
	[tilespmem:$0x10E00] =	vst v63  }
0x4f: {  	s24 =	rddreg [dreg:$0xe];
	s25 =	simm.s32 $0x780  }
0x50: {  	[tilespmem:s25], [sflag:$0x3] =	stream.linear.gather [hbm4b:s24+s30], $0x80, $0x38;
	[tilespmem:$0x10E00] =	vst v63  }
0x51: {  	s26 =	rddreg [dreg:$0xf];
	s28 =	simm.s32 $0x680  }
0x52: {  	[tilespmem:s28], [sflag:$0x3] =	stream.linear.gather [hbm4b:s26+s30], $0x80, $0x38;
	[tilespmem:$0x10E00] =	vst v63  }
0x53: {  	s22 =	rddreg [dreg:$0x11];
	s23 =	simm.s32 $0x800  }
0x54: {  	[tilespmem:s23], [sflag:$0x3] =	stream.linear.gather [hbm4b:s22+s30], $0x80, $0x38;
	[tilespmem:$0x10E00] =	vst v63  }
0x55: {  	s24 =	rddreg [dreg:$0x12];
	s25 =	simm.s32 $0x700  }
0x56: {  	[tilespmem:s25], [sflag:$0x3] =	stream.linear.gather [hbm4b:s24+s30], $0x80, $0x38;
	[tilespmem:$0x10E00] =	vst v63  }
0x57: {  	s26 =	rddreg [dreg:$0x13];
	s28 =	simm.s32 $0x880  }
0x58: {  	[tilespmem:s28], [sflag:$0x3] =	stream.linear.gather [hbm4b:s26+s30], $0x80, $0x38;
	[tilespmem:$0x10E00] =	vst v63  }
0x59: {  	s22 =	rddreg [dreg:$0x16];
	s23 =	simm.s32 $0x900  }
0x5a: {  	[tilespmem:s23], [sflag:$0x4] =	stream.linear.gather [hbm4b:s22+s30], $0x80, $0x38;
	[tilespmem:$0x10E00] =	vst v63  }
0x5b: {  	s24 =	rddreg [dreg:$0x19];
	s25 =	simm.s32 $0xA80  }
0x5c: {  	[tilespmem:s25], [sflag:$0x4] =	stream.linear.gather [hbm4b:s24+s30], $0x80, $0x38;
	[tilespmem:$0x10E00] =	vst v63  }
0x5d: {  	s26 =	rddreg [dreg:$0x17];
	s28 =	simm.s32 $0x980  }
0x5e: {  	[tilespmem:s28], [sflag:$0x4] =	stream.linear.gather [hbm4b:s26+s30], $0x80, $0x38;
	[tilespmem:$0x10E00] =	vst v63  }
0x5f: {  	s22 =	rddreg [dreg:$0x1a];
	s23 =	simm.s32 $0xB00  }
0x60: {  	[tilespmem:s23], [sflag:$0x4] =	stream.linear.gather [hbm4b:s22+s30], $0x80, $0x38;
	[tilespmem:$0x10E00] =	vst v63  }
.Ltmp2:
0x61: {  	s24 =	rddreg [dreg:$0x18];
	s25 =	simm.s32 $0xA00;
	(pc) =	sbr.rel .LBB2_2-.Ltmp2, $4  }
0x62: {  	[tilespmem:s25], [sflag:$0x4] =	stream.linear.gather [hbm4b:s24+s30], $0x80, $0x38;
	[tilespmem:$0x10E00] =	vst v63  }
0x63: {  	s26 =	rddreg [dreg:$0x1b];
	s28 =	simm.s32 $0xB80  }
0x64: {  	[tilespmem:s28], [sflag:$0x4] =	stream.linear.gather [hbm4b:s26+s30], $0x80, $0x38;
	[tilespmem:$0x10E00] =	vst v63  }
0x65: {  	s24 =	rddreg [dreg:$0x10];
	s25 =	simm.s32 $0x0;
	s26 =	simm.s32 $0x0  }
.LBB2_8:
0x66: {  	s26 =	sadd.s32 $0x800, s26  }
0x67: {  	s3 =	simm.s32 @!p2 $0x7;
	p1 =	sne.s32 s26, $0xC800  }
.Ltmp3:
0x68: {  	_ =	swait.ge @!p2 [sflag:s3], $0x4000;
	(pc) =	sbr.rel @!p1 .LBB2_9-.Ltmp3, $4  }
0x69: {  	s21 =	simm.s32 @!p2 $0x0;
	[sflag:s3] =	ssyncset.done @!p2 $0x0  }
0x6a: {  	s22 =	simm.s32 @!p2 $0x8E00;
	[sflag:s3] =	ssyncadd.s32 @!p2 $0xFFFFC000;
	s3 =	sadd.s32 @!p2 s24, s4  }
0x6b: {  	s25 =	sadd.s32 $0x80, s25;
	s24 =	sadd.s32 $0x40000, s24;
	s3 =	sadd.s32 @!p2 $0x20000, s3  }
0x6c: {  	[hbm4b:s3+s21] =	stream.linear.scatter @!p2 [tilespmem:s22], [sflag:$0xB], $0x4000, $0x38;
	[tilespmem:$0x10E00] =	vst v63  }
.LBB2_2:
0x6d: {  	_ =	swait.ge [sflag:s7], $0x80  }
0x6e: {  	[sflag:s7] =	ssyncset.done $0x0  }
0x6f: {  	[sflag:s7] =	ssyncadd.s32 $0xFFFFFF80  }
0x70: {  	_ =	swait.ge [sflag:s7], $0x80  }
0x71: {  	[sflag:s7] =	ssyncset.done $0x0  }
0x72: {  	[sflag:s7] =	ssyncadd.s32 $0xFFFFFF80  }
0x73: {  	_ =	swait.ge [sflag:s7], $0x80  }
0x74: {  	[sflag:s7] =	ssyncset.done $0x0  }
0x75: {  	[sflag:s7] =	ssyncadd.s32 $0xFFFFFF80  }
0x76: {  	_ =	swait.ge [sflag:s7], $0x80  }
0x77: {  	[sflag:s7] =	ssyncset.done $0x0  }
0x78: {  	[sflag:s7] =	ssyncadd.s32 $0xFFFFFF80  }
0x79: {  	_ =	swait.ge [sflag:s7], $0x80  }
0x7a: {  	[sflag:s7] =	ssyncset.done $0x0  }
0x7b: {  	[sflag:s7] =	ssyncadd.s32 $0xFFFFFF80  }
0x7c: {  	_ =	swait.ge [sflag:s7], $0x80  }
0x7d: {  	[sflag:s7] =	ssyncset.done $0x0  }
0x7e: {  	[sflag:s7] =	ssyncadd.s32 $0xFFFFFF80  }
0x7f: {  	v0 =	vld [tilespmem:$0x0]  }
0x80: {  	v1 =	vld [tilespmem:$0x80]  }
0x81: {  	v2 =	vld [tilespmem:$0x100]  }
0x82: {  	v3 =	vld [tilespmem:$0x180]  }
0x83: {  	v4 =	vld [tilespmem:$0x200]  }
0x84: {  	v5 =	vld [tilespmem:$0x280]  }
0x85: {  	v6 =	vld [tilespmem:$0x10]  }
0x86: {  	v7 =	vld [tilespmem:$0x90]  }
0x87: {  	v8 =	vld [tilespmem:$0x110]  }
0x88: {  	v9 =	vld [tilespmem:$0x190]  }
0x89: {  	v10 =	vld [tilespmem:$0x210]  }
0x8a: {  	v11 =	vld [tilespmem:$0x290]  }
0x8b: {  	v12 =	vld [tilespmem:$0x20]  }
0x8c: {  	v13 =	vld [tilespmem:$0xA0]  }
0x8d: {  	v14 =	vld [tilespmem:$0x120]  }
0x8e: {  	v15 =	vld [tilespmem:$0x1A0]  }
0x8f: {  	v16 =	vld [tilespmem:$0x220]  }
0x90: {  	v17 =	vld [tilespmem:$0x2A0]  }
0x91: {  	v18 =	vld [tilespmem:$0x30]  }
0x92: {  	v19 =	vld [tilespmem:$0xB0]  }
0x93: {  	v20 =	vld [tilespmem:$0x130]  }
0x94: {  	v21 =	vld [tilespmem:$0x1B0]  }
0x95: {  	v22 =	vld [tilespmem:$0x230]  }
0x96: {  	v24 =	vld [tilespmem:$0x40]  }
0x97: {  	v25 =	vld [tilespmem:$0xC0]  }
0x98: {  	v48 =	vld [tilespmem:$0x1C0]  }
0x99: {  	v51 =	vld [tilespmem:$0x240]  }
0x9a: {  	v56 =	vld [tilespmem:$0x50];
	v0 =	vmul.u32 $0xC, v0;
	v1 =	vshll.u32 v1, $0x1  }
0x9b: {  	v63 =	vld [tilespmem:$0x1D0];
	v46 =	vmul.u32 $0xC, v3;
	v47 =	vmul.u32 $0xC, v6;
	v49 =	vshll.u32 v4, $0x1  }
0x9c: {  	v43 =	vld [tilespmem:$0x70];
	v50 =	vshll.u32 v7, $0x1;
	v53 =	vmul.u32 $0xC, v9;
	v55 =	vshll.u32 v10, $0x1  }
0x9d: {  	v23 =	vld [tilespmem:$0x2B0];
	v59 =	vmul.u32 $0xC, v12;
	v61 =	vshll.u32 v13, $0x1;
	v62 =	vmul.u32 $0xC, v15  }
0x9e: {  	v29 =	vld [tilespmem:$0x250];
	v27 =	vshll.u32 v16, $0x1;
	v28 =	vmul.u32 $0xC, v18;
	v30 =	vshll.u32 v19, $0x1  }
0x9f: {  	v33 =	vld [tilespmem:$0x60];
	v32 =	vmul.u32 $0xC, v21;
	v34 =	vshll.u32 v22, $0x1;
	v36 =	vmul.u32 $0xC, v24  }
0xa0: {  	v40 =	vld [tilespmem:$0x1E0];
	v39 =	vshll.u32 v25, $0x1;
	v9 =	vmul.u32 $0xC, v56;
	v6 =	vmul.u32 $0xC, v48  }
0xa1: {  	v54 =	vld [tilespmem:$0x2C0];
	v7 =	vshll.u32 v51, $0x1;
	v44 =	vmul.u32 $0xC, v63;
	v56 =	vmul.u32 $0xC, v43  }
0xa2: {  	v57 =	vld [tilespmem:$0xD0];
	v0 =	vadd.s32 v0, v1;
	v1 =	vadd.s32 v46, v49;
	v52 =	vadd.s32 v47, v50  }
0xa3: {  	v35 =	vld [tilespmem:$0xE0];
	v3 =	vadd.s32 v53, v55;
	v10 =	vadd.s32 v28, v30;
	v12 =	vadd.s32 v32, v34  }
0xa4: {  	v45 =	vld [tilespmem:$0xF0];
	v41 =	vadd.s32 v36, v39;
	v6 =	vadd.s32 v6, v7;
	v46 =	vshll.u32 v29, $0x1  }
0xa5: {  	v60 =	vld [tilespmem:$0x150];
	v50 =	vmul.u32 $0xC, v33;
	v55 =	vmul.u32 $0xC, v40;
	v0 =	vadd.s32 v2, v0  }
0xa6: {  	v31 =	vld [tilespmem:$0x2D0];
	v2 =	vadd.s32 v8, v52;
	v1 =	vadd.s32 v5, v1;
	v58 =	vadd.s32 v11, v3  }
0xa7: {  	v48 =	vld [tilespmem:$0x1F0];
	v3 =	vadd.s32 v62, v27;
	v10 =	vadd.s32 v20, v10;
	v38 =	vadd.s32 v23, v12  }
0xa8: {  	v37 =	vld [tilespmem:$0x160];
	v5 =	vshll.u32 v57, $0x1;
	v7 =	vadd.s32 v44, v46;
	v4 =	vadd.s32 v54, v6  }
0xa9: {  	v42 =	vld [tilespmem:$0x260];
	v52 =	vshll.u32 v35, $0x1;
	v11 =	vshll.u32 v45, $0x1;
	v0 =	vmul.u32 $0x3C, v0  }
0xaa: {  	v51 =	vld [tilespmem:$0x270];
	v2 =	vmul.u32 $0x3C, v2;
	v3 =	vadd.s32 v17, v3;
	v10 =	vmul.u32 $0x3C, v10  }
0xab: {  	v26 =	vld [tilespmem:$0x140];
	v5 =	vadd.s32 v9, v5;
	v49 =	vadd.s32 v31, v7;
	v54 =	vadd.s32 v50, v52  }
0xac: {  	v47 =	vld [tilespmem:$0x170];
	v5 =	vadd.s32 v60, v5;
	v60 =	vmul.u32 $0xC, v48;
	v0 =	vadd.s32 v0, v1  }
0xad: {  	v53 =	vld [tilespmem:$0x2E0];
	v1 =	vadd.s32 v2, v58;
	v2 =	vadd.s32 v59, v61;
	v5 =	vmul.u32 $0x3C, v5  }
0xae: {  	v58 =	vshll.u32 v42, $0x1;
	v59 =	vadd.s32 v56, v11;
	v2 =	vadd.s32 v14, v2  }
0xaf: {  	v57 =	vld [tilespmem:$0x2F0];
	v61 =	vshll.u32 v51, $0x1;
	[tilespmem:$0xC00] =	vst v0;
	v0 =	vadd.s32 v37, v54;
	v2 =	vmul.u32 $0x3C, v2  }
0xb0: {  	[tilespmem:$0xC10] =	vst v1;
	v1 =	vadd.s32 v55, v58;
	v5 =	vadd.s32 v5, v49;
	v0 =	vmul.u32 $0x3C, v0  }
0xb1: {  	[tilespmem:$0xC50] =	vst v5;
	v2 =	vadd.s32 v2, v3;
	v3 =	vadd.s32 v10, v38;
	v10 =	vadd.s32 v26, v41  }
0xb2: {  	v1 =	vadd.s32 v53, v1;
	v10 =	vmul.u32 $0x3C, v10;
	[tilespmem:$0xC20] =	vst v2;
	v2 =	vadd.s32 v47, v59  }
0xb3: {  	v0 =	vadd.s32 v0, v1;
	[tilespmem:$0xC30] =	vst v3;
	v3 =	vadd.s32 v60, v61;
	v2 =	vmul.u32 $0x3C, v2  }
0xb4: {  	[tilespmem:$0xC60] =	vst v0;
	v62 =	vadd.s32 v57, v3;
	v4 =	vadd.s32 v10, v4  }
0xb5: {  	p1 =	seq.s32 s26, $0x0;
	[tilespmem:$0xC40] =	vst v4;
	v63 =	vadd.s32 v2, v62  }
0xb6: {  	s28 =	simm.s32 @!p1 $0x9;
	[tilespmem:$0xC70] =	vst v63  }
0xb7: {  	_ =	swait.ge @!p1 [sflag:s28], $0x4000  }
0xb8: {  	[sflag:s28] =	ssyncset.done @!p1 $0x0  }
0xb9: {  	[sflag:s28] =	ssyncadd.s32 @!p1 $0xFFFFC000;
	s28 =	sadd.s32 s25, s2  }
0xba: {  	[tilespmem:s9], [sflag:$0x5] =	stream.indirect.gather [hbm4b:s1+s6], $0x80, s8, s6, $0xb8;
	[tilespmem:$0x10E00] =	vst v63  }
0xbb: {  	s3 =	sadd.s32 $0x80, s28  }
0xbc: {  	p2 =	sgt.u32 s3, $0xC34  }
0xbd: {  	s3 =	sadd.s32 @!p2 s26, s31  }
0xbe: {  	s22 =	simm.s32 @!p2 $0x0;
	s21 =	sadd.s32 @!p2 $0x800, s3  }
0xbf: {  	[tilespmem:s22], [sflag:$0x1] =	stream.linear.gather @!p2 [hbm4b:s21+s22], $0x80, $0x38;
	[tilespmem:$0x10E00] =	vst v63  }
0xc0: {  	s3 =	sadd.s32 @!p2 $0xCB50, s3;
	s21 =	simm.s32 @!p2 $0x180  }
0xc1: {  	[tilespmem:s21], [sflag:$0x1] =	stream.linear.gather @!p2 [hbm4b:s3+s22], $0x80, $0x38;
	[tilespmem:$0x10E00] =	vst v63  }
0xc2: {  	s3 =	sadd.s32 @!p2 s26, s29  }
0xc3: {  	s23 =	simm.s32 @!p2 $0x80;
	s21 =	sadd.s32 @!p2 $0x800, s3  }
0xc4: {  	[tilespmem:s23], [sflag:$0x1] =	stream.linear.gather @!p2 [hbm4b:s21+s22], $0x80, $0x38;
	[tilespmem:$0x10E00] =	vst v63  }
0xc5: {  	s3 =	sadd.s32 @!p2 $0xCB50, s3;
	s21 =	simm.s32 @!p2 $0x200  }
0xc6: {  	[tilespmem:s21], [sflag:$0x1] =	stream.linear.gather @!p2 [hbm4b:s3+s22], $0x80, $0x38;
	[tilespmem:$0x10E00] =	vst v63  }
0xc7: {  	s3 =	sadd.s32 @!p2 s26, s0  }
0xc8: {  	s23 =	simm.s32 @!p2 $0x100;
	s21 =	sadd.s32 @!p2 $0x800, s3  }
0xc9: {  	[tilespmem:s23], [sflag:$0x1] =	stream.linear.gather @!p2 [hbm4b:s21+s22], $0x80, $0x38;
	[tilespmem:$0x10E00] =	vst v63  }
0xca: {  	s3 =	sadd.s32 @!p2 $0xCB50, s3;
	s21 =	simm.s32 @!p2 $0x280;
	s23 =	sadd.s32 $0x20, s28  }
0xcb: {  	[tilespmem:s21], [sflag:$0x1] =	stream.linear.gather @!p2 [hbm4b:s3+s22], $0x80, $0x38;
	[tilespmem:$0x10E00] =	vst v63  }
0xcc: {  	p3 =	sgt.u32 s23, $0xC34;
	s3 =	simm.s32 @!p1 $0x8  }
.Ltmp4:
0xcd: {  	_ =	swait.ge @!p1 [sflag:s3], $0x4000;
	(pc) =	sbr.rel @p3 .LBB2_4-.Ltmp4, $4  }
0xce: {  	s21 =	sadd.s32 @!p1 $0x1FFF0000, s24;
	[sflag:s3] =	ssyncset.done @!p1 $0x0  }
0xcf: {  	[sflag:s3] =	ssyncadd.s32 @!p1 $0xFFFFC000;
	s3 =	sand.u32 @!p1 $0x1FFFF800, s21  }
0xd0: {  	s22 =	simm.s32 @!p1 $0xCE00;
	s21 =	simm.s32 @!p1 $0x0;
	s3 =	sadd.s32 @!p1 s4, s3  }
0xd1: {  	[hbm4b:s3+s21] =	stream.linear.scatter @!p1 [tilespmem:s22], [sflag:$0xC], $0x4000, $0x38;
	[tilespmem:$0x10E00] =	vst v63  }
0xd2: {  	_ =	swait.ge [sflag:s10], $0x80  }
0xd3: {  	[sflag:s10] =	ssyncset.done $0x0  }
0xd4: {  	[sflag:s10] =	ssyncadd.s32 $0xFFFFFF80  }
0xd5: {  	_ =	swait.ge [sflag:s10], $0x80  }
0xd6: {  	[sflag:s10] =	ssyncset.done $0x0  }
0xd7: {  	[sflag:s10] =	ssyncadd.s32 $0xFFFFFF80  }
0xd8: {  	_ =	swait.ge [sflag:s10], $0x80  }
0xd9: {  	[sflag:s10] =	ssyncset.done $0x0  }
0xda: {  	[sflag:s10] =	ssyncadd.s32 $0xFFFFFF80  }
0xdb: {  	_ =	swait.ge [sflag:s10], $0x80  }
0xdc: {  	[sflag:s10] =	ssyncset.done $0x0  }
0xdd: {  	[sflag:s10] =	ssyncadd.s32 $0xFFFFFF80  }
0xde: {  	_ =	swait.ge [sflag:s10], $0x80  }
0xdf: {  	[sflag:s10] =	ssyncset.done $0x0  }
0xe0: {  	[sflag:s10] =	ssyncadd.s32 $0xFFFFFF80  }
0xe1: {  	_ =	swait.ge [sflag:s10], $0x80  }
0xe2: {  	[sflag:s10] =	ssyncset.done $0x0  }
0xe3: {  	[sflag:s10] =	ssyncadd.s32 $0xFFFFFF80  }
0xe4: {  	v0 =	vld [tilespmem:$0x300]  }
0xe5: {  	v1 =	vld [tilespmem:$0x380]  }
0xe6: {  	v2 =	vld [tilespmem:$0x400]  }
0xe7: {  	v3 =	vld [tilespmem:$0x480]  }
0xe8: {  	v4 =	vld [tilespmem:$0x500]  }
0xe9: {  	v5 =	vld [tilespmem:$0x580]  }
0xea: {  	v6 =	vld [tilespmem:$0x310]  }
0xeb: {  	v7 =	vld [tilespmem:$0x390]  }
0xec: {  	v8 =	vld [tilespmem:$0x410]  }
0xed: {  	v9 =	vld [tilespmem:$0x490]  }
0xee: {  	v10 =	vld [tilespmem:$0x510]  }
0xef: {  	v11 =	vld [tilespmem:$0x590]  }
0xf0: {  	v12 =	vld [tilespmem:$0x320]  }
0xf1: {  	v13 =	vld [tilespmem:$0x3A0]  }
0xf2: {  	v14 =	vld [tilespmem:$0x420]  }
0xf3: {  	v15 =	vld [tilespmem:$0x4A0]  }
0xf4: {  	v16 =	vld [tilespmem:$0x520]  }
0xf5: {  	v17 =	vld [tilespmem:$0x5A0]  }
0xf6: {  	v18 =	vld [tilespmem:$0x330]  }
0xf7: {  	v19 =	vld [tilespmem:$0x3B0]  }
0xf8: {  	v20 =	vld [tilespmem:$0x430]  }
0xf9: {  	v21 =	vld [tilespmem:$0x4B0]  }
0xfa: {  	v22 =	vld [tilespmem:$0x530]  }
0xfb: {  	v24 =	vld [tilespmem:$0x340]  }
0xfc: {  	v25 =	vld [tilespmem:$0x3C0]  }
0xfd: {  	v48 =	vld [tilespmem:$0x4C0]  }
0xfe: {  	v51 =	vld [tilespmem:$0x540]  }
0xff: {  	v56 =	vld [tilespmem:$0x350];
	v0 =	vmul.u32 $0xC, v0;
	v1 =	vshll.u32 v1, $0x1  }
0x100: {  	v63 =	vld [tilespmem:$0x4D0];
	v46 =	vmul.u32 $0xC, v3;
	v47 =	vmul.u32 $0xC, v6;
	v49 =	vshll.u32 v4, $0x1  }
0x101: {  	v43 =	vld [tilespmem:$0x370];
	v50 =	vshll.u32 v7, $0x1;
	v53 =	vmul.u32 $0xC, v9;
	v55 =	vshll.u32 v10, $0x1  }
0x102: {  	v23 =	vld [tilespmem:$0x5B0];
	v59 =	vmul.u32 $0xC, v12;
	v61 =	vshll.u32 v13, $0x1;
	v62 =	vmul.u32 $0xC, v15  }
0x103: {  	v29 =	vld [tilespmem:$0x550];
	v27 =	vshll.u32 v16, $0x1;
	v28 =	vmul.u32 $0xC, v18;
	v30 =	vshll.u32 v19, $0x1  }
0x104: {  	v33 =	vld [tilespmem:$0x360];
	v32 =	vmul.u32 $0xC, v21;
	v34 =	vshll.u32 v22, $0x1;
	v36 =	vmul.u32 $0xC, v24  }
0x105: {  	v40 =	vld [tilespmem:$0x4E0];
	v39 =	vshll.u32 v25, $0x1;
	v9 =	vmul.u32 $0xC, v56;
	v6 =	vmul.u32 $0xC, v48  }
0x106: {  	v54 =	vld [tilespmem:$0x5C0];
	v7 =	vshll.u32 v51, $0x1;
	v44 =	vmul.u32 $0xC, v63;
	v56 =	vmul.u32 $0xC, v43  }
0x107: {  	v57 =	vld [tilespmem:$0x3D0];
	v0 =	vadd.s32 v0, v1;
	v1 =	vadd.s32 v46, v49;
	v52 =	vadd.s32 v47, v50  }
0x108: {  	v35 =	vld [tilespmem:$0x3E0];
	v3 =	vadd.s32 v53, v55;
	v10 =	vadd.s32 v28, v30;
	v12 =	vadd.s32 v32, v34  }
0x109: {  	v45 =	vld [tilespmem:$0x3F0];
	v41 =	vadd.s32 v36, v39;
	v6 =	vadd.s32 v6, v7;
	v46 =	vshll.u32 v29, $0x1  }
0x10a: {  	v60 =	vld [tilespmem:$0x450];
	v50 =	vmul.u32 $0xC, v33;
	v55 =	vmul.u32 $0xC, v40;
	v0 =	vadd.s32 v2, v0  }
0x10b: {  	v31 =	vld [tilespmem:$0x5D0];
	v2 =	vadd.s32 v8, v52;
	v1 =	vadd.s32 v5, v1;
	v58 =	vadd.s32 v11, v3  }
0x10c: {  	v48 =	vld [tilespmem:$0x4F0];
	v3 =	vadd.s32 v62, v27;
	v10 =	vadd.s32 v20, v10;
	v38 =	vadd.s32 v23, v12  }
0x10d: {  	v37 =	vld [tilespmem:$0x460];
	v5 =	vshll.u32 v57, $0x1;
	v7 =	vadd.s32 v44, v46;
	v4 =	vadd.s32 v54, v6  }
0x10e: {  	v42 =	vld [tilespmem:$0x560];
	v52 =	vshll.u32 v35, $0x1;
	v11 =	vshll.u32 v45, $0x1;
	v0 =	vmul.u32 $0x3C, v0  }
0x10f: {  	v51 =	vld [tilespmem:$0x570];
	v2 =	vmul.u32 $0x3C, v2;
	v3 =	vadd.s32 v17, v3;
	v10 =	vmul.u32 $0x3C, v10  }
0x110: {  	v26 =	vld [tilespmem:$0x440];
	v5 =	vadd.s32 v9, v5;
	v49 =	vadd.s32 v31, v7;
	v54 =	vadd.s32 v50, v52  }
0x111: {  	v47 =	vld [tilespmem:$0x470];
	v5 =	vadd.s32 v60, v5;
	v60 =	vmul.u32 $0xC, v48;
	v0 =	vadd.s32 v0, v1  }
0x112: {  	v53 =	vld [tilespmem:$0x5E0];
	v1 =	vadd.s32 v2, v58;
	v2 =	vadd.s32 v59, v61;
	v5 =	vmul.u32 $0x3C, v5  }
0x113: {  	v58 =	vshll.u32 v42, $0x1;
	v59 =	vadd.s32 v56, v11;
	v2 =	vadd.s32 v14, v2  }
0x114: {  	v57 =	vld [tilespmem:$0x5F0];
	v61 =	vshll.u32 v51, $0x1;
	[tilespmem:$0xC80] =	vst v0;
	v0 =	vadd.s32 v37, v54;
	v2 =	vmul.u32 $0x3C, v2  }
0x115: {  	[tilespmem:$0xC90] =	vst v1;
	v1 =	vadd.s32 v55, v58;
	v5 =	vadd.s32 v5, v49;
	v0 =	vmul.u32 $0x3C, v0  }
0x116: {  	[tilespmem:$0xCD0] =	vst v5;
	v2 =	vadd.s32 v2, v3;
	v3 =	vadd.s32 v10, v38;
	v10 =	vadd.s32 v26, v41  }
0x117: {  	v1 =	vadd.s32 v53, v1;
	v10 =	vmul.u32 $0x3C, v10;
	[tilespmem:$0xCA0] =	vst v2;
	v2 =	vadd.s32 v47, v59  }
0x118: {  	v0 =	vadd.s32 v0, v1;
	[tilespmem:$0xCB0] =	vst v3;
	v3 =	vadd.s32 v60, v61;
	v2 =	vmul.u32 $0x3C, v2  }
0x119: {  	[tilespmem:$0xCE0] =	vst v0;
	v62 =	vadd.s32 v57, v3;
	v4 =	vadd.s32 v10, v4  }
0x11a: {  	[tilespmem:$0xCC0] =	vst v4;
	v63 =	vadd.s32 v2, v62  }
0x11b: {  	s3 =	simm.s32 @!p1 $0xA;
	[tilespmem:$0xCF0] =	vst v63  }
0x11c: {  	s23 =	sadd.s32 $0xA0, s28;
	_ =	swait.ge @!p1 [sflag:s3], $0x4000  }
0x11d: {  	p2 =	sgt.u32 s23, $0xC34;
	[sflag:s3] =	ssyncset.done @!p1 $0x0  }
0x11e: {  	[sflag:s3] =	ssyncadd.s32 @!p1 $0xFFFFC000;
	s3 =	sadd.s32 @!p2 s26, s31  }
0x11f: {  	[tilespmem:s12], [sflag:$0x6] =	stream.indirect.gather [hbm4b:s1+s6], $0x80, s11, s6, $0xb8;
	[tilespmem:$0x10E00] =	vst v63  }
0x120: {  	s22 =	simm.s32 @!p2 $0x0;
	s23 =	simm.s32 @!p2 $0x300;
	s21 =	sadd.s32 @!p2 $0xA00, s3  }
0x121: {  	[tilespmem:s23], [sflag:$0x2] =	stream.linear.gather @!p2 [hbm4b:s21+s22], $0x80, $0x38;
	[tilespmem:$0x10E00] =	vst v63  }
0x122: {  	s3 =	sadd.s32 @!p2 $0xCD50, s3;
	s21 =	simm.s32 @!p2 $0x480  }
0x123: {  	[tilespmem:s21], [sflag:$0x2] =	stream.linear.gather @!p2 [hbm4b:s3+s22], $0x80, $0x38;
	[tilespmem:$0x10E00] =	vst v63  }
0x124: {  	s3 =	sadd.s32 @!p2 s26, s29  }
0x125: {  	s23 =	simm.s32 @!p2 $0x380;
	s21 =	sadd.s32 @!p2 $0xA00, s3  }
0x126: {  	[tilespmem:s23], [sflag:$0x2] =	stream.linear.gather @!p2 [hbm4b:s21+s22], $0x80, $0x38;
	[tilespmem:$0x10E00] =	vst v63  }
0x127: {  	s3 =	sadd.s32 @!p2 $0xCD50, s3;
	s21 =	simm.s32 @!p2 $0x500  }
0x128: {  	[tilespmem:s21], [sflag:$0x2] =	stream.linear.gather @!p2 [hbm4b:s3+s22], $0x80, $0x38;
	[tilespmem:$0x10E00] =	vst v63  }
0x129: {  	s3 =	sadd.s32 @!p2 s26, s0  }
0x12a: {  	s23 =	simm.s32 @!p2 $0x400;
	s21 =	sadd.s32 @!p2 $0xA00, s3  }
0x12b: {  	[tilespmem:s23], [sflag:$0x2] =	stream.linear.gather @!p2 [hbm4b:s21+s22], $0x80, $0x38;
	[tilespmem:$0x10E00] =	vst v63  }
0x12c: {  	s3 =	sadd.s32 @!p2 $0xCD50, s3;
	s21 =	simm.s32 @!p2 $0x580  }
0x12d: {  	[tilespmem:s21], [sflag:$0x2] =	stream.linear.gather @!p2 [hbm4b:s3+s22], $0x80, $0x38;
	[tilespmem:$0x10E00] =	vst v63  }
.LBB2_4:
0x12e: {  	s23 =	sadd.s32 $0x40, s28  }
0x12f: {  	p2 =	sgt.u32 s23, $0xC34  }
.Ltmp5:
0x130: {  	_ = 	snop;
	(pc) =	sbr.rel @p2 .LBB2_6-.Ltmp5, $4  }
0x131: {  	_ =	swait.ge [sflag:s13], $0x4000  }
0x132: {  	[sflag:s13] =	ssyncset.done $0x0  }
0x133: {  	s3 =	sadd.s32 s24, s4;
	[sflag:s13] =	ssyncadd.s32 $0xFFFFC000  }
0x134: {  	[hbm4b:s3+s30] =	stream.linear.scatter [tilespmem:s9], [sflag:$0x9], $0x4000, $0x38;
	[tilespmem:$0x10E00] =	vst v63  }
0x135: {  	_ =	swait.ge [sflag:s14], $0x80  }
0x136: {  	[sflag:s14] =	ssyncset.done $0x0  }
0x137: {  	[sflag:s14] =	ssyncadd.s32 $0xFFFFFF80  }
0x138: {  	_ =	swait.ge [sflag:s14], $0x80  }
0x139: {  	[sflag:s14] =	ssyncset.done $0x0  }
0x13a: {  	[sflag:s14] =	ssyncadd.s32 $0xFFFFFF80  }
0x13b: {  	_ =	swait.ge [sflag:s14], $0x80  }
0x13c: {  	[sflag:s14] =	ssyncset.done $0x0  }
0x13d: {  	[sflag:s14] =	ssyncadd.s32 $0xFFFFFF80  }
0x13e: {  	_ =	swait.ge [sflag:s14], $0x80  }
0x13f: {  	[sflag:s14] =	ssyncset.done $0x0  }
0x140: {  	[sflag:s14] =	ssyncadd.s32 $0xFFFFFF80  }
0x141: {  	_ =	swait.ge [sflag:s14], $0x80  }
0x142: {  	[sflag:s14] =	ssyncset.done $0x0  }
0x143: {  	[sflag:s14] =	ssyncadd.s32 $0xFFFFFF80  }
0x144: {  	_ =	swait.ge [sflag:s14], $0x80  }
0x145: {  	[sflag:s14] =	ssyncset.done $0x0  }
0x146: {  	[sflag:s14] =	ssyncadd.s32 $0xFFFFFF80  }
0x147: {  	v0 =	vld [tilespmem:$0x600]  }
0x148: {  	v1 =	vld [tilespmem:$0x680]  }
0x149: {  	v2 =	vld [tilespmem:$0x700]  }
0x14a: {  	v3 =	vld [tilespmem:$0x780]  }
0x14b: {  	v4 =	vld [tilespmem:$0x800]  }
0x14c: {  	v5 =	vld [tilespmem:$0x880]  }
0x14d: {  	v6 =	vld [tilespmem:$0x610]  }
0x14e: {  	v7 =	vld [tilespmem:$0x690]  }
0x14f: {  	v8 =	vld [tilespmem:$0x710]  }
0x150: {  	v9 =	vld [tilespmem:$0x790]  }
0x151: {  	v10 =	vld [tilespmem:$0x810]  }
0x152: {  	v11 =	vld [tilespmem:$0x890]  }
0x153: {  	v12 =	vld [tilespmem:$0x620]  }
0x154: {  	v13 =	vld [tilespmem:$0x6A0]  }
0x155: {  	v14 =	vld [tilespmem:$0x720]  }
0x156: {  	v15 =	vld [tilespmem:$0x7A0]  }
0x157: {  	v16 =	vld [tilespmem:$0x820]  }
0x158: {  	v17 =	vld [tilespmem:$0x8A0]  }
0x159: {  	v18 =	vld [tilespmem:$0x630]  }
0x15a: {  	v19 =	vld [tilespmem:$0x6B0]  }
0x15b: {  	v20 =	vld [tilespmem:$0x730]  }
0x15c: {  	v21 =	vld [tilespmem:$0x7B0]  }
0x15d: {  	v22 =	vld [tilespmem:$0x830]  }
0x15e: {  	v24 =	vld [tilespmem:$0x640]  }
0x15f: {  	v25 =	vld [tilespmem:$0x6C0]  }
0x160: {  	v48 =	vld [tilespmem:$0x7C0]  }
0x161: {  	v51 =	vld [tilespmem:$0x840]  }
0x162: {  	v56 =	vld [tilespmem:$0x650];
	v0 =	vmul.u32 $0xC, v0;
	v1 =	vshll.u32 v1, $0x1  }
0x163: {  	v63 =	vld [tilespmem:$0x7D0];
	v46 =	vmul.u32 $0xC, v3;
	v47 =	vmul.u32 $0xC, v6;
	v49 =	vshll.u32 v4, $0x1  }
0x164: {  	v43 =	vld [tilespmem:$0x670];
	v50 =	vshll.u32 v7, $0x1;
	v53 =	vmul.u32 $0xC, v9;
	v55 =	vshll.u32 v10, $0x1  }
0x165: {  	v23 =	vld [tilespmem:$0x8B0];
	v59 =	vmul.u32 $0xC, v12;
	v61 =	vshll.u32 v13, $0x1;
	v62 =	vmul.u32 $0xC, v15  }
0x166: {  	v29 =	vld [tilespmem:$0x850];
	v27 =	vshll.u32 v16, $0x1;
	v28 =	vmul.u32 $0xC, v18;
	v30 =	vshll.u32 v19, $0x1  }
0x167: {  	v33 =	vld [tilespmem:$0x660];
	v32 =	vmul.u32 $0xC, v21;
	v34 =	vshll.u32 v22, $0x1;
	v36 =	vmul.u32 $0xC, v24  }
0x168: {  	v40 =	vld [tilespmem:$0x7E0];
	v39 =	vshll.u32 v25, $0x1;
	v9 =	vmul.u32 $0xC, v56;
	v6 =	vmul.u32 $0xC, v48  }
0x169: {  	v54 =	vld [tilespmem:$0x8C0];
	v7 =	vshll.u32 v51, $0x1;
	v44 =	vmul.u32 $0xC, v63;
	v56 =	vmul.u32 $0xC, v43  }
0x16a: {  	v57 =	vld [tilespmem:$0x6D0];
	v0 =	vadd.s32 v0, v1;
	v1 =	vadd.s32 v46, v49;
	v52 =	vadd.s32 v47, v50  }
0x16b: {  	v35 =	vld [tilespmem:$0x6E0];
	v3 =	vadd.s32 v53, v55;
	v10 =	vadd.s32 v28, v30;
	v12 =	vadd.s32 v32, v34  }
0x16c: {  	v45 =	vld [tilespmem:$0x6F0];
	v41 =	vadd.s32 v36, v39;
	v6 =	vadd.s32 v6, v7;
	v46 =	vshll.u32 v29, $0x1  }
0x16d: {  	v60 =	vld [tilespmem:$0x750];
	v50 =	vmul.u32 $0xC, v33;
	v55 =	vmul.u32 $0xC, v40;
	v0 =	vadd.s32 v2, v0  }
0x16e: {  	v31 =	vld [tilespmem:$0x8D0];
	v2 =	vadd.s32 v8, v52;
	v1 =	vadd.s32 v5, v1;
	v58 =	vadd.s32 v11, v3  }
0x16f: {  	v48 =	vld [tilespmem:$0x7F0];
	v3 =	vadd.s32 v62, v27;
	v10 =	vadd.s32 v20, v10;
	v38 =	vadd.s32 v23, v12  }
0x170: {  	v37 =	vld [tilespmem:$0x760];
	v5 =	vshll.u32 v57, $0x1;
	v7 =	vadd.s32 v44, v46;
	v4 =	vadd.s32 v54, v6  }
0x171: {  	v42 =	vld [tilespmem:$0x860];
	v52 =	vshll.u32 v35, $0x1;
	v11 =	vshll.u32 v45, $0x1;
	v0 =	vmul.u32 $0x3C, v0  }
0x172: {  	v51 =	vld [tilespmem:$0x870];
	v2 =	vmul.u32 $0x3C, v2;
	v3 =	vadd.s32 v17, v3;
	v10 =	vmul.u32 $0x3C, v10  }
0x173: {  	v26 =	vld [tilespmem:$0x740];
	v5 =	vadd.s32 v9, v5;
	v49 =	vadd.s32 v31, v7;
	v54 =	vadd.s32 v50, v52  }
0x174: {  	v47 =	vld [tilespmem:$0x770];
	v5 =	vadd.s32 v60, v5;
	v60 =	vmul.u32 $0xC, v48;
	v0 =	vadd.s32 v0, v1  }
0x175: {  	v53 =	vld [tilespmem:$0x8E0];
	v1 =	vadd.s32 v2, v58;
	v2 =	vadd.s32 v59, v61;
	v5 =	vmul.u32 $0x3C, v5  }
0x176: {  	v58 =	vshll.u32 v42, $0x1;
	v59 =	vadd.s32 v56, v11;
	v2 =	vadd.s32 v14, v2  }
0x177: {  	v57 =	vld [tilespmem:$0x8F0];
	v61 =	vshll.u32 v51, $0x1;
	[tilespmem:$0xD00] =	vst v0;
	v0 =	vadd.s32 v37, v54;
	v2 =	vmul.u32 $0x3C, v2  }
0x178: {  	[tilespmem:$0xD10] =	vst v1;
	v1 =	vadd.s32 v55, v58;
	v5 =	vadd.s32 v5, v49;
	v0 =	vmul.u32 $0x3C, v0  }
0x179: {  	[tilespmem:$0xD50] =	vst v5;
	v2 =	vadd.s32 v2, v3;
	v3 =	vadd.s32 v10, v38;
	v10 =	vadd.s32 v26, v41  }
0x17a: {  	v1 =	vadd.s32 v53, v1;
	v10 =	vmul.u32 $0x3C, v10;
	[tilespmem:$0xD20] =	vst v2;
	v2 =	vadd.s32 v47, v59  }
0x17b: {  	v0 =	vadd.s32 v0, v1;
	[tilespmem:$0xD30] =	vst v3;
	v3 =	vadd.s32 v60, v61;
	v2 =	vmul.u32 $0x3C, v2  }
0x17c: {  	[tilespmem:$0xD60] =	vst v0;
	v62 =	vadd.s32 v57, v3;
	v4 =	vadd.s32 v10, v4  }
0x17d: {  	[tilespmem:$0xD40] =	vst v4;
	v63 =	vadd.s32 v2, v62  }
0x17e: {  	s3 =	simm.s32 @!p1 $0xB;
	[tilespmem:$0xD70] =	vst v63  }
0x17f: {  	s23 =	sadd.s32 $0xC0, s28;
	_ =	swait.ge @!p1 [sflag:s3], $0x4000  }
0x180: {  	p4 =	sgt.u32 s23, $0xC34;
	[sflag:s3] =	ssyncset.done @!p1 $0x0  }
0x181: {  	[sflag:s3] =	ssyncadd.s32 @!p1 $0xFFFFC000;
	s3 =	sadd.s32 @!p4 s26, s31  }
0x182: {  	[tilespmem:s17], [sflag:$0x7] =	stream.indirect.gather [hbm4b:s1+s6], $0x80, s15, s6, $0xb8;
	[tilespmem:$0x10E00] =	vst v63  }
0x183: {  	s22 =	simm.s32 @!p4 $0x0;
	s23 =	simm.s32 @!p4 $0x600;
	s21 =	sadd.s32 @!p4 $0xC00, s3  }
0x184: {  	[tilespmem:s23], [sflag:$0x3] =	stream.linear.gather @!p4 [hbm4b:s21+s22], $0x80, $0x38;
	[tilespmem:$0x10E00] =	vst v63  }
0x185: {  	s3 =	sadd.s32 @!p4 $0xCF50, s3;
	s21 =	simm.s32 @!p4 $0x780  }
0x186: {  	[tilespmem:s21], [sflag:$0x3] =	stream.linear.gather @!p4 [hbm4b:s3+s22], $0x80, $0x38;
	[tilespmem:$0x10E00] =	vst v63  }
0x187: {  	s3 =	sadd.s32 @!p4 s26, s29  }
0x188: {  	s23 =	simm.s32 @!p4 $0x680;
	s21 =	sadd.s32 @!p4 $0xC00, s3  }
0x189: {  	[tilespmem:s23], [sflag:$0x3] =	stream.linear.gather @!p4 [hbm4b:s21+s22], $0x80, $0x38;
	[tilespmem:$0x10E00] =	vst v63  }
0x18a: {  	s3 =	sadd.s32 @!p4 $0xCF50, s3;
	s21 =	simm.s32 @!p4 $0x800  }
0x18b: {  	[tilespmem:s21], [sflag:$0x3] =	stream.linear.gather @!p4 [hbm4b:s3+s22], $0x80, $0x38;
	[tilespmem:$0x10E00] =	vst v63  }
0x18c: {  	s3 =	sadd.s32 @!p4 s26, s0  }
0x18d: {  	s23 =	simm.s32 @!p4 $0x700;
	s21 =	sadd.s32 @!p4 $0xC00, s3  }
0x18e: {  	[tilespmem:s23], [sflag:$0x3] =	stream.linear.gather @!p4 [hbm4b:s21+s22], $0x80, $0x38;
	[tilespmem:$0x10E00] =	vst v63  }
0x18f: {  	s3 =	sadd.s32 @!p4 $0xCF50, s3;
	s21 =	simm.s32 @!p4 $0x880  }
0x190: {  	[tilespmem:s21], [sflag:$0x3] =	stream.linear.gather @!p4 [hbm4b:s3+s22], $0x80, $0x38;
	[tilespmem:$0x10E00] =	vst v63  }
.LBB2_6:
0x191: {  	s3 =	simm.s32 @!p3 $0x6  }
0x192: {  	_ =	swait.ge @!p3 [sflag:s3], $0x4000  }
0x193: {  	[sflag:s3] =	ssyncset.done @!p3 $0x0  }
0x194: {  	[sflag:s3] =	ssyncadd.s32 @!p3 $0xFFFFC000;
	s3 =	sadd.s32 @!p3 s24, s4  }
0x195: {  	s21 =	simm.s32 @!p3 $0x0;
	s22 =	simm.s32 @!p3 $0x4E00;
	s3 =	sadd.s32 @!p3 $0x10000, s3  }
0x196: {  	[hbm4b:s3+s21] =	stream.linear.scatter @!p3 [tilespmem:s22], [sflag:$0xA], $0x4000, $0x38;
	[tilespmem:$0x10E00] =	vst v63  }
0x197: {  	p3 =	sge.u32 s25, s5  }
.Ltmp6:
0x198: {  	_ = 	snop;
	(pc) =	sbr.rel @p3 .LBB2_8-.Ltmp6, $1  }
0x199: {  	_ =	sdelay $0x3  }
0x19a: {  	_ =	swait.ge [sflag:s18], $0x80  }
0x19b: {  	[sflag:s18] =	ssyncset.done $0x0  }
0x19c: {  	[sflag:s18] =	ssyncadd.s32 $0xFFFFFF80  }
0x19d: {  	_ =	swait.ge [sflag:s18], $0x80  }
0x19e: {  	[sflag:s18] =	ssyncset.done $0x0  }
0x19f: {  	[sflag:s18] =	ssyncadd.s32 $0xFFFFFF80  }
0x1a0: {  	_ =	swait.ge [sflag:s18], $0x80  }
0x1a1: {  	[sflag:s18] =	ssyncset.done $0x0  }
0x1a2: {  	[sflag:s18] =	ssyncadd.s32 $0xFFFFFF80  }
0x1a3: {  	_ =	swait.ge [sflag:s18], $0x80  }
0x1a4: {  	[sflag:s18] =	ssyncset.done $0x0  }
0x1a5: {  	[sflag:s18] =	ssyncadd.s32 $0xFFFFFF80  }
0x1a6: {  	_ =	swait.ge [sflag:s18], $0x80  }
0x1a7: {  	[sflag:s18] =	ssyncset.done $0x0  }
0x1a8: {  	[sflag:s18] =	ssyncadd.s32 $0xFFFFFF80  }
0x1a9: {  	_ =	swait.ge [sflag:s18], $0x80  }
0x1aa: {  	[sflag:s18] =	ssyncset.done $0x0  }
0x1ab: {  	[sflag:s18] =	ssyncadd.s32 $0xFFFFFF80  }
0x1ac: {  	v0 =	vld [tilespmem:$0x900]  }
0x1ad: {  	v1 =	vld [tilespmem:$0x980]  }
0x1ae: {  	v2 =	vld [tilespmem:$0xA00]  }
0x1af: {  	v3 =	vld [tilespmem:$0xA80]  }
0x1b0: {  	v4 =	vld [tilespmem:$0xB00]  }
0x1b1: {  	v5 =	vld [tilespmem:$0xB80]  }
0x1b2: {  	v6 =	vld [tilespmem:$0x910]  }
0x1b3: {  	v7 =	vld [tilespmem:$0x990]  }
0x1b4: {  	v8 =	vld [tilespmem:$0xA10]  }
0x1b5: {  	v9 =	vld [tilespmem:$0xA90]  }
0x1b6: {  	v10 =	vld [tilespmem:$0xB10]  }
0x1b7: {  	v11 =	vld [tilespmem:$0xB90]  }
0x1b8: {  	v12 =	vld [tilespmem:$0x920]  }
0x1b9: {  	v13 =	vld [tilespmem:$0x9A0]  }
0x1ba: {  	v14 =	vld [tilespmem:$0xA20]  }
0x1bb: {  	v15 =	vld [tilespmem:$0xAA0]  }
0x1bc: {  	v16 =	vld [tilespmem:$0xB20]  }
0x1bd: {  	v17 =	vld [tilespmem:$0xBA0]  }
0x1be: {  	v18 =	vld [tilespmem:$0x930]  }
0x1bf: {  	v19 =	vld [tilespmem:$0x9B0]  }
0x1c0: {  	v20 =	vld [tilespmem:$0xA30]  }
0x1c1: {  	v21 =	vld [tilespmem:$0xAB0]  }
0x1c2: {  	v22 =	vld [tilespmem:$0xB30]  }
0x1c3: {  	v24 =	vld [tilespmem:$0x940]  }
0x1c4: {  	v25 =	vld [tilespmem:$0x9C0]  }
0x1c5: {  	v48 =	vld [tilespmem:$0xAC0]  }
0x1c6: {  	v51 =	vld [tilespmem:$0xB40]  }
0x1c7: {  	v56 =	vld [tilespmem:$0x950];
	v0 =	vmul.u32 $0xC, v0;
	v1 =	vshll.u32 v1, $0x1  }
0x1c8: {  	v63 =	vld [tilespmem:$0xAD0];
	v46 =	vmul.u32 $0xC, v3;
	v47 =	vmul.u32 $0xC, v6;
	v49 =	vshll.u32 v4, $0x1  }
0x1c9: {  	v43 =	vld [tilespmem:$0x970];
	v50 =	vshll.u32 v7, $0x1;
	v53 =	vmul.u32 $0xC, v9;
	v55 =	vshll.u32 v10, $0x1  }
0x1ca: {  	v23 =	vld [tilespmem:$0xBB0];
	v59 =	vmul.u32 $0xC, v12;
	v61 =	vshll.u32 v13, $0x1;
	v62 =	vmul.u32 $0xC, v15  }
0x1cb: {  	v29 =	vld [tilespmem:$0xB50];
	v27 =	vshll.u32 v16, $0x1;
	v28 =	vmul.u32 $0xC, v18;
	v30 =	vshll.u32 v19, $0x1  }
0x1cc: {  	v33 =	vld [tilespmem:$0x960];
	v32 =	vmul.u32 $0xC, v21;
	v34 =	vshll.u32 v22, $0x1;
	v36 =	vmul.u32 $0xC, v24  }
0x1cd: {  	v40 =	vld [tilespmem:$0xAE0];
	v39 =	vshll.u32 v25, $0x1;
	v9 =	vmul.u32 $0xC, v56;
	v6 =	vmul.u32 $0xC, v48  }
0x1ce: {  	v54 =	vld [tilespmem:$0xBC0];
	v7 =	vshll.u32 v51, $0x1;
	v44 =	vmul.u32 $0xC, v63;
	v56 =	vmul.u32 $0xC, v43  }
0x1cf: {  	v57 =	vld [tilespmem:$0x9D0];
	v0 =	vadd.s32 v0, v1;
	v1 =	vadd.s32 v46, v49;
	v52 =	vadd.s32 v47, v50  }
0x1d0: {  	v35 =	vld [tilespmem:$0x9E0];
	v3 =	vadd.s32 v53, v55;
	v10 =	vadd.s32 v28, v30;
	v12 =	vadd.s32 v32, v34  }
0x1d1: {  	v45 =	vld [tilespmem:$0x9F0];
	v41 =	vadd.s32 v36, v39;
	v6 =	vadd.s32 v6, v7;
	v46 =	vshll.u32 v29, $0x1  }
0x1d2: {  	v60 =	vld [tilespmem:$0xA50];
	v50 =	vmul.u32 $0xC, v33;
	v55 =	vmul.u32 $0xC, v40;
	v0 =	vadd.s32 v2, v0  }
0x1d3: {  	v31 =	vld [tilespmem:$0xBD0];
	v2 =	vadd.s32 v8, v52;
	v1 =	vadd.s32 v5, v1;
	v58 =	vadd.s32 v11, v3  }
0x1d4: {  	v48 =	vld [tilespmem:$0xAF0];
	v3 =	vadd.s32 v62, v27;
	v10 =	vadd.s32 v20, v10;
	v38 =	vadd.s32 v23, v12  }
0x1d5: {  	v37 =	vld [tilespmem:$0xA60];
	v5 =	vshll.u32 v57, $0x1;
	v7 =	vadd.s32 v44, v46;
	v4 =	vadd.s32 v54, v6  }
0x1d6: {  	v42 =	vld [tilespmem:$0xB60];
	v52 =	vshll.u32 v35, $0x1;
	v11 =	vshll.u32 v45, $0x1;
	v0 =	vmul.u32 $0x3C, v0  }
0x1d7: {  	v51 =	vld [tilespmem:$0xB70];
	v2 =	vmul.u32 $0x3C, v2;
	v3 =	vadd.s32 v17, v3;
	v10 =	vmul.u32 $0x3C, v10  }
0x1d8: {  	v26 =	vld [tilespmem:$0xA40];
	v5 =	vadd.s32 v9, v5;
	v49 =	vadd.s32 v31, v7;
	v54 =	vadd.s32 v50, v52  }
0x1d9: {  	v47 =	vld [tilespmem:$0xA70];
	v5 =	vadd.s32 v60, v5;
	v60 =	vmul.u32 $0xC, v48;
	v0 =	vadd.s32 v0, v1  }
0x1da: {  	v53 =	vld [tilespmem:$0xBE0];
	v1 =	vadd.s32 v2, v58;
	v2 =	vadd.s32 v59, v61;
	v5 =	vmul.u32 $0x3C, v5  }
0x1db: {  	v58 =	vshll.u32 v42, $0x1;
	v59 =	vadd.s32 v56, v11;
	v2 =	vadd.s32 v14, v2  }
0x1dc: {  	v57 =	vld [tilespmem:$0xBF0];
	v61 =	vshll.u32 v51, $0x1;
	[tilespmem:$0xD80] =	vst v0;
	v0 =	vadd.s32 v37, v54;
	v2 =	vmul.u32 $0x3C, v2  }
0x1dd: {  	[tilespmem:$0xD90] =	vst v1;
	v1 =	vadd.s32 v55, v58;
	v5 =	vadd.s32 v5, v49;
	v0 =	vmul.u32 $0x3C, v0  }
0x1de: {  	[tilespmem:$0xDD0] =	vst v5;
	v2 =	vadd.s32 v2, v3;
	v3 =	vadd.s32 v10, v38;
	v10 =	vadd.s32 v26, v41  }
0x1df: {  	v1 =	vadd.s32 v53, v1;
	v10 =	vmul.u32 $0x3C, v10;
	[tilespmem:$0xDA0] =	vst v2;
	v2 =	vadd.s32 v47, v59  }
0x1e0: {  	v0 =	vadd.s32 v0, v1;
	[tilespmem:$0xDB0] =	vst v3;
	v3 =	vadd.s32 v60, v61;
	v2 =	vmul.u32 $0x3C, v2  }
0x1e1: {  	[tilespmem:$0xDE0] =	vst v0;
	v62 =	vadd.s32 v57, v3;
	v4 =	vadd.s32 v10, v4  }
0x1e2: {  	[tilespmem:$0xDC0] =	vst v4;
	v63 =	vadd.s32 v2, v62  }
0x1e3: {  	s3 =	simm.s32 @!p1 $0xC;
	[tilespmem:$0xDF0] =	vst v63  }
0x1e4: {  	_ =	swait.ge @!p1 [sflag:s3], $0x4000  }
0x1e5: {  	s28 =	sadd.s32 $0xE0, s28;
	[sflag:s3] =	ssyncset.done @!p1 $0x0  }
0x1e6: {  	[sflag:s3] =	ssyncadd.s32 @!p1 $0xFFFFC000;
	p1 =	sgt.u32 s28, $0xC34  }
0x1e7: {  	[tilespmem:s20], [sflag:$0x8] =	stream.indirect.gather [hbm4b:s1+s6], $0x80, s19, s6, $0xb8;
	[tilespmem:$0x10E00] =	vst v63  }
0x1e8: {  	s3 =	sadd.s32 @!p1 s26, s31  }
0x1e9: {  	s22 =	simm.s32 @!p1 $0x0;
	s23 =	simm.s32 @!p1 $0x900;
	s21 =	sadd.s32 @!p1 $0xE00, s3  }
0x1ea: {  	[tilespmem:s23], [sflag:$0x4] =	stream.linear.gather @!p1 [hbm4b:s21+s22], $0x80, $0x38;
	[tilespmem:$0x10E00] =	vst v63  }
0x1eb: {  	s3 =	sadd.s32 @!p1 $0xD150, s3;
	s21 =	simm.s32 @!p1 $0xA80  }
0x1ec: {  	[tilespmem:s21], [sflag:$0x4] =	stream.linear.gather @!p1 [hbm4b:s3+s22], $0x80, $0x38;
	[tilespmem:$0x10E00] =	vst v63  }
0x1ed: {  	s3 =	sadd.s32 @!p1 s26, s29  }
0x1ee: {  	s23 =	simm.s32 @!p1 $0x980;
	s21 =	sadd.s32 @!p1 $0xE00, s3  }
0x1ef: {  	[tilespmem:s23], [sflag:$0x4] =	stream.linear.gather @!p1 [hbm4b:s21+s22], $0x80, $0x38;
	[tilespmem:$0x10E00] =	vst v63  }
0x1f0: {  	s3 =	sadd.s32 @!p1 $0xD150, s3;
	s21 =	simm.s32 @!p1 $0xB00  }
0x1f1: {  	[tilespmem:s21], [sflag:$0x4] =	stream.linear.gather @!p1 [hbm4b:s3+s22], $0x80, $0x38;
	[tilespmem:$0x10E00] =	vst v63  }
.Ltmp7:
0x1f2: {  	s3 =	sadd.s32 @!p1 s26, s0;
	(pc) =	sbr.rel .LBB2_8-.Ltmp7, $4  }
0x1f3: {  	s23 =	simm.s32 @!p1 $0xA00;
	s21 =	sadd.s32 @!p1 $0xE00, s3  }
0x1f4: {  	[tilespmem:s23], [sflag:$0x4] =	stream.linear.gather @!p1 [hbm4b:s21+s22], $0x80, $0x38;
	[tilespmem:$0x10E00] =	vst v63  }
0x1f5: {  	s3 =	sadd.s32 @!p1 $0xD150, s3;
	s21 =	simm.s32 @!p1 $0xB80  }
0x1f6: {  	[tilespmem:s21], [sflag:$0x4] =	stream.linear.gather @!p1 [hbm4b:s3+s22], $0x80, $0x38;
	[tilespmem:$0x10E00] =	vst v63  }
.LBB2_10:
0x1f7: {  	_ =	sfence.sel $0x180000  }
0x1f8: {  	[bflag:$0x0] =	sbarrier.arrive $0xFFFF  }
0x1f9: {  	_ =	strace $0x90000047  }
0x1fa: {  	s0 =	stileid.u32;
	[bflag:$0x2] =	sbarrier.arrive $0xFFFF  }
0x1fb: {  	p0 =	sne.s32 s0, $0x0;
	s0 =	rddreg [dreg:$0x2]  }
0x1fc: {  	s0 =	sadd.s32 @!p0 $0x100000, s0  }
0x1fd: {  	[sflag:s0] =	ssyncadd.tile.s32 @!p0 $0x1;
	_ =	shalt  }
.Lfunc_end2:
_tile_overlayer_lowered:
.L_overlay_start_2:
0x1fe: {  	(tag) =	ssettag $0x2  }
0x1ff: {  	s0 =	rddreg [dreg:$0x0];
	s2 =	stileid.u32  }
0x200: {  	s1 =	rddreg [dreg:$0x1];
	p0 =	sne.s32 s2, $0x0  }
0x201: {  	s3 =	rddreg [dreg:$0x2];
	[bflag:$0x3] =	sbarrier.arrive $0xFFFF;
	s2 =	simm.s32 @!p0 $0x1C0D  }
0x202: {  	[timem:s3], [sflag:s2] =	dma.local @!p0 [hbm:s0], s1  }
0x203: {  	s0 =	simm.s32 @!p0 $0xD  }
0x204: {  	_ =	swait.ge @!p0 [sflag:s0], s1  }
0x205: {  	s1 =	ssub.s32 @!p0 $0x0, s1;
	[sflag:s0] =	ssyncset.done @!p0 $0x0  }
0x206: {  	[sflag:s0] =	ssyncadd.s32 @!p0 s1  }
0x207: {  	[bflag:$0x3] =	sbarrier.arrive $0xFFFF  }
0x208: {  	_ =	shalt  }

</sc_bundles>
